<compile_context>
chip_gen: v7x
topology: tpu7x:2x2x1
jax: 0.10.2.dev20260603
libtpu: 0.0.44.dev20260713+nightly
codegen_flags: <defaults>
</compile_context>

<pallas_src>
import functools

import jax
import jax.numpy as jnp
from jax import lax
from jax.experimental import pallas as pl
from jax.experimental.pallas import tpu as pltpu
from jax.experimental.pallas import tpu_sc as plsc

N_LOCS = 640000
N_CLUSTERS = 10000
N_FOV = 16
HID = 64
N_CLASSES = 4

R1 = 5120
CHUNK = 512
NW = 32
CPT = 320
NC_PAD = NW * CPT
TROWS = CPT + 16



def _mlp_body(xt_ref, w1_ref, b1_ref, w2_ref, b2_ref, o_ref):
    h = lax.dot_general(xt_ref[...], w1_ref[...],
                        (((0,), (0,)), ((), ())),
                        preferred_element_type=jnp.float32)
    h = jnp.maximum(h + b1_ref[0:1, :], 0.0).astype(jnp.bfloat16)
    h = jnp.dot(h, w2_ref[...], preferred_element_type=jnp.float32)
    o_ref[...] = jnp.maximum(h + b2_ref[0:1, :], 0.0)


def _run_mlp(xt, w1b, b1r, w2b, b2r):
    grid = (N_LOCS // R1,)
    return pl.pallas_call(
        _mlp_body,
        grid=grid,
        in_specs=[
            pl.BlockSpec((7, R1), lambda i: (0, i)),
            pl.BlockSpec((7, HID), lambda i: (0, 0)),
            pl.BlockSpec((8, HID), lambda i: (0, 0)),
            pl.BlockSpec((HID, HID), lambda i: (0, 0)),
            pl.BlockSpec((8, HID), lambda i: (0, 0)),
        ],
        out_specs=pl.BlockSpec((R1, HID), lambda i: (i, 0)),
        out_shape=jax.ShapeDtypeStruct((N_LOCS, HID), jnp.float32),
    )(xt, w1b, b1r, w2b, b2r)



def _segmax_body(h2_hbm, ids_hbm, bounds_hbm, out_hbm, bounds_v, ids_v, rows_v, table_v):
    w = lax.axis_index("s") * 2 + lax.axis_index("c")
    pltpu.sync_copy(bounds_hbm, bounds_v)
    bv = bounds_v[pl.ds(w, 16)]
    row_lo = bv[0]
    row_hi = bv[1]
    base = lax.bitwise_and(row_lo, jnp.int32(-16))
    c_lo = w * CPT

    def _zero(i, carry):
        for f in range(HID // 16):
            table_v[i, pl.ds(16 * f, 16)] = jnp.zeros((16,), jnp.float32)
        return carry

    lax.fori_loop(0, TROWS, _zero, 0)

    nk = (row_hi - base + (CHUNK - 1)) // CHUNK
    zero16 = jnp.zeros((16,), jnp.float32)

    def _flush(prev, accs):
        for f in range(HID // 16):
            sl = pl.ds(16 * f, 16)
            table_v[prev, sl] = jnp.maximum(table_v[prev, sl], accs[f])

    def _chunk(k, carry):
        s = pl.multiple_of(jnp.minimum(base + k * CHUNK, N_LOCS - CHUNK), 16)
        pltpu.sync_copy(ids_hbm.at[pl.ds(s, CHUNK)], ids_v)
        pltpu.sync_copy(h2_hbm.at[pl.ds(s, CHUNK), :], rows_v)

        def _grp(g, gcarry):
            prev, accs = gcarry
            idvec = ids_v[pl.ds(g * 16, 16)]
            for j in range(16):
                rel = idvec[j] - c_lo
                rel1 = jnp.where(
                    jnp.logical_and(rel >= 0, rel < CPT), rel, CPT)
                changed = rel1 != prev

                @pl.when(changed)
                def _(prev=prev, accs=accs):
                    _flush(prev, accs)

                r = g * 16 + j
                accs = tuple(
                    jnp.maximum(jnp.where(changed, zero16, accs[f]),
                                rows_v[r, pl.ds(16 * f, 16)])
                    for f in range(HID // 16))
                prev = rel1
            return prev, accs

        return lax.fori_loop(0, CHUNK // 16, _grp, carry)

    prev, accs = lax.fori_loop(0, nk, _chunk,
                               (jnp.int32(CPT), (zero16,) * (HID // 16)))
    _flush(prev, accs)
    pltpu.sync_copy(table_v.at[pl.ds(0, CPT), :], out_hbm.at[pl.ds(c_lo, CPT), :])


def _run_segmax(h2, ids, bounds):
    mesh = plsc.VectorSubcoreMesh(core_axis_name="c", subcore_axis_name="s")
    f = functools.partial(
        pl.kernel,
        mesh=mesh,
        out_type=jax.ShapeDtypeStruct((NC_PAD, HID), jnp.float32),
        scratch_types=[
            pltpu.VMEM((48,), jnp.int32),
            pltpu.VMEM((CHUNK,), jnp.int32),
            pltpu.VMEM((CHUNK, HID), jnp.float32),
            pltpu.VMEM((TROWS, HID), jnp.float32),
        ],
    )(_segmax_body)
    return f(h2, ids, bounds)



def _head_body(xc_ref, w3_ref, b3_ref, cb_ref, o_ref):
    xc3 = jnp.dot(xc_ref[...], w3_ref[...], preferred_element_type=jnp.float32)
    xc3 = xc3 + b3_ref[0:1, :]
    cb = cb_ref[0:1, :]
    iot = lax.broadcasted_iota(jnp.int32, (N_FOV, NC_PAD), 0)
    onehot = (iot == cb).astype(jnp.float32)
    sums = jnp.dot(onehot, xc3, preferred_element_type=jnp.float32)
    counts = jnp.sum(onehot, axis=1, keepdims=True)
    xfov = sums / jnp.maximum(counts, 1.0)
    logits = xfov[:, 0:N_CLASSES]
    m = jnp.max(logits, axis=1, keepdims=True)
    ls = (logits - m) - jnp.log(jnp.sum(jnp.exp(logits - m), axis=1, keepdims=True))
    o_ref[...] = ls


def _run_head(xc, w3p, b3r, cb2):
    return pl.pallas_call(
        _head_body,
        in_specs=[
            pl.BlockSpec((NC_PAD, HID), lambda: (0, 0)),
            pl.BlockSpec((HID, 8), lambda: (0, 0)),
            pl.BlockSpec((8, 8), lambda: (0, 0)),
            pl.BlockSpec((8, NC_PAD), lambda: (0, 0)),
        ],
        out_specs=pl.BlockSpec((N_FOV, N_CLASSES), lambda: (0, 0)),
        out_shape=jax.ShapeDtypeStruct((N_FOV, N_CLASSES), jnp.float32),
    )(xc, w3p, b3r, cb2)



def kernel(x_locs, pos_locs, cluster_id, cluster_batch, W1, b1, W2, b2, W3, b3):
    targets = jnp.minimum(jnp.arange(NW + 1, dtype=jnp.int32) * CPT, N_CLUSTERS)
    bounds = jnp.searchsorted(cluster_id, targets,
                              method="compare_all").astype(jnp.int32)
    bounds = jnp.pad(bounds, (0, 48 - (NW + 1)))

    xt = jnp.concatenate([x_locs.T, pos_locs.T], axis=0).astype(jnp.bfloat16)

    w1b = W1.astype(jnp.bfloat16)
    b1r = jnp.broadcast_to(b1[None, :], (8, HID))
    w2b = W2.astype(jnp.bfloat16)
    b2r = jnp.broadcast_to(b2[None, :], (8, HID))
    w3p = jnp.pad(W3, ((0, 0), (0, 8 - N_CLASSES)))
    b3r = jnp.broadcast_to(jnp.pad(b3, (0, 8 - N_CLASSES))[None, :], (8, 8))
    cb_pad = jnp.concatenate(
        [cluster_batch, jnp.full((NC_PAD - N_CLUSTERS,), -1, jnp.int32)])
    cb2 = jnp.broadcast_to(cb_pad[None, :], (8, NC_PAD))

    h2 = _run_mlp(xt, w1b, b1r, w2b, b2r)
    xc = _run_segmax(h2, cluster_id, bounds)
    return _run_head(xc, w3p, b3r, cb2)

# --- scband reference (transcript-rebuilt; emitter-appended) ---
"""Pipeline reference for scband-loc-net-classify-fov-74947179315780 (READ-ONLY COPY).

The authoritative reference and input builder live on the scoring server;
editing this copy changes nothing except your own understanding.
"""

import jax, jax.numpy as jnp
import numpy as np

N_LOCS = 640000
N_CLUSTERS = 10000
N_FOV = 16
D_X = 4
D_POS = 3
HID = 64
N_CLASSES = 4


def setup_inputs(seed: int = 0) -> dict:
    key = jax.random.key(seed)
    ks = jax.random.split(key, 8)
    x_locs = jax.random.normal(ks[0], (N_LOCS, D_X), dtype=jnp.float32)
    pos_locs = jax.random.normal(ks[1], (N_LOCS, D_POS), dtype=jnp.float32)
    cluster_id = jnp.sort(jax.random.randint(ks[2], (N_LOCS,), 0, N_CLUSTERS)).astype(jnp.int32)
    cluster_batch = jnp.sort(jax.random.randint(ks[3], (N_CLUSTERS,), 0, N_FOV)).astype(jnp.int32)
    W1 = jax.random.normal(ks[4], (D_X + D_POS, HID), dtype=jnp.float32) * 0.1
    b1 = jnp.zeros((HID,), dtype=jnp.float32)
    W2 = jax.random.normal(ks[5], (HID, HID), dtype=jnp.float32) * 0.1
    b2 = jnp.zeros((HID,), dtype=jnp.float32)
    W3 = jax.random.normal(ks[6], (HID, N_CLASSES), dtype=jnp.float32) * 0.1
    b3 = jnp.zeros((N_CLASSES,), dtype=jnp.float32)
    return {"x_locs": x_locs, "pos_locs": pos_locs, "cluster_id": cluster_id,
            "cluster_batch": cluster_batch, "W1": W1, "b1": b1, "W2": W2, "b2": b2,
            "W3": W3, "b3": b3}


def reference(x_locs, pos_locs, cluster_id, cluster_batch, W1, b1, W2, b2, W3, b3):
    # LocNet: PointNet-style per-localisation embedding on [feat, pos]
    h = jnp.concatenate([x_locs, pos_locs], axis=-1)
    h = jax.nn.relu(h @ W1 + b1)
    h = jax.nn.relu(h @ W2 + b2)
    # PointNet global max pool per cluster (batch=clusterID) -> x_cluster
    x_cluster = jax.ops.segment_max(h, cluster_id, num_segments=N_CLUSTERS)
    x_cluster = jnp.where(jnp.isfinite(x_cluster), x_cluster, 0.0)  # empty-segment guard
    # per-cluster prediction head
    x_cluster = x_cluster @ W3 + b3
    # global_mean_pool over FOV (cluster_batch)
    sums = jax.ops.segment_sum(x_cluster, cluster_batch, num_segments=N_FOV)
    counts = jax.ops.segment_sum(jnp.ones((N_CLUSTERS,), jnp.float32), cluster_batch, num_segments=N_FOV)
    x_fov = sums / jnp.clip(counts, 1.0, None)[:, None]
    return jax.nn.log_softmax(x_fov, axis=-1)

if __name__ == "__main__":
    import jax
    _d = setup_inputs()
    print(jax.jit(kernel)(*tuple(_d.values())))

</pallas_src>

<mosaic_0001>
#map = affine_map<(d0, d1) -> (0, 0)>
#map1 = affine_map<(d0, d1) -> (0)>
module attributes {stable_mosaic.version = 14 : i64} {
  func.func @_segmax_body(%arg0: i32, %arg1: i32, %arg2: memref<640000x64xf32, #tpu.memory_space<hbm>>, %arg3: memref<640000xi32, #tpu.memory_space<hbm>>, %arg4: memref<48xi32, #tpu.memory_space<hbm>>, %arg5: memref<10240x64xf32, #tpu.memory_space<hbm>>, %arg6: memref<48xi32, #tpu.memory_space<vmem>>, %arg7: memref<512xi32, #tpu.memory_space<vmem>>, %arg8: memref<512x64xf32, #tpu.memory_space<vmem>>, %arg9: memref<336x64xf32, #tpu.memory_space<vmem>>) attributes {dimension_semantics = [#tpu.dimension_semantics<core_parallel>, #tpu.dimension_semantics<subcore_parallel>], iteration_bounds = array<i64: 2, 16>, scalar_prefetch = 0 : i64, scratch_operands = 4 : i64, tpu.core_type = #tpu.core_type<sc_vector_subcore>, window_params = [{transform_indices = #map}, {transform_indices = #map1}, {transform_indices = #map1}, {transform_indices = #map}]} {
    %mul3A = arith.constant 2 : i32
    %mul3A_0 = arith.muli %arg1, %mul3A : i32
    %add3A = arith.addi %mul3A_0, %arg0 : i32
    "tpu.region"() ({
      %run_scoped3A = tpu.sem_alloc : memref<!tpu.dma_semaphore, #tpu.memory_space<semaphore_mem>>
      tpu.enqueue_dma source(%arg4 : memref<48xi32, #tpu.memory_space<hbm>>) target(%arg6 : memref<48xi32, #tpu.memory_space<vmem>>) target_semaphore(%run_scoped3A : memref<!tpu.dma_semaphore, #tpu.memory_space<semaphore_mem>>)
      tpu.wait_dma2 semaphore(%run_scoped3A : memref<!tpu.dma_semaphore, #tpu.memory_space<semaphore_mem>>) src(%arg4 : memref<48xi32, #tpu.memory_space<hbm>>) dst(%arg6 : memref<48xi32, #tpu.memory_space<vmem>>)
      tpu.yield
    }) : () -> ()
    %get3A = arith.index_cast %add3A : i32 to index
    %get3A_1 = tpu.vector_load %arg6[%get3A] {strides = array<i32>} : memref<48xi32, #tpu.memory_space<vmem>>, vector<16xi32>,
    %get3A_2 = vector.shape_cast %get3A_1 : vector<16xi32> to vector<16xi32>
    %slice3A = vector.extract_strided_slice %get3A_2 {offsets = [0], sizes = [1], strides = [1]} : vector<16xi32> to vector<1xi32>
    %squeeze3A = vector.extract %slice3A[0] : i32 from vector<1xi32>
    %slice3A_3 = vector.extract_strided_slice %get3A_2 {offsets = [1], sizes = [1], strides = [1]} : vector<16xi32> to vector<1xi32>
    %squeeze3A_4 = vector.extract %slice3A_3[0] : i32 from vector<1xi32>
    %and3A = arith.constant -16 : i32
    %and3A_5 = arith.andi %squeeze3A, %and3A : i32
    %mul3A_6 = arith.constant 320 : i32
    %mul3A_7 = arith.muli %add3A, %mul3A_6 : i32
    %scan3A = arith.constant 0 : i32
    %scan3A_8 = arith.constant 0 : i32
    %scan3A_9 = arith.constant 336 : i32
    %scan3A_10 = arith.addi %scan3A_8, %scan3A_9 : i32
    %scan3A_11 = arith.constant 1 : i32
    scf.for %scan3A_83 = %scan3A_8 to %scan3A_10 step %scan3A_11  : i32 {
      %broadcast_in_dim3A_84 = arith.constant 0.000000e+00 : f32
      %broadcast_in_dim3A_85 = vector.broadcast %broadcast_in_dim3A_84 : f32 to vector<16xf32>
      %swap3A_86 = arith.index_cast %scan3A_83 : i32 to index
      %swap3A_87 = arith.constant 0 : index
      %swap3A_88 = tpu.vector_load %arg9[%swap3A_86, %swap3A_87] {strides = array<i32>} : memref<336x64xf32, #tpu.memory_space<vmem>>, vector<1x16xf32>,
      %swap3A_89 = vector.shape_cast %swap3A_88 : vector<1x16xf32> to vector<16xf32>
      %swap3A_90 = vector.shape_cast %broadcast_in_dim3A_85 : vector<16xf32> to vector<1x16xf32>
      tpu.vector_store %arg9[%swap3A_86, %swap3A_87], %swap3A_90 {strides = array<i32>} : memref<336x64xf32, #tpu.memory_space<vmem>>, vector<1x16xf32>,
      %broadcast_in_dim3A_91 = arith.constant 0.000000e+00 : f32
      %broadcast_in_dim3A_92 = vector.broadcast %broadcast_in_dim3A_91 : f32 to vector<16xf32>
      %swap3A_93 = arith.index_cast %scan3A_83 : i32 to index
      %swap3A_94 = arith.constant 16 : index
      %swap3A_95 = tpu.vector_load %arg9[%swap3A_93, %swap3A_94] {strides = array<i32>} : memref<336x64xf32, #tpu.memory_space<vmem>>, vector<1x16xf32>,
      %swap3A_96 = vector.shape_cast %swap3A_95 : vector<1x16xf32> to vector<16xf32>
      %swap3A_97 = vector.shape_cast %broadcast_in_dim3A_92 : vector<16xf32> to vector<1x16xf32>
      tpu.vector_store %arg9[%swap3A_93, %swap3A_94], %swap3A_97 {strides = array<i32>} : memref<336x64xf32, #tpu.memory_space<vmem>>, vector<1x16xf32>,
      %broadcast_in_dim3A_98 = arith.constant 0.000000e+00 : f32
      %broadcast_in_dim3A_99 = vector.broadcast %broadcast_in_dim3A_98 : f32 to vector<16xf32>
      %swap3A_100 = arith.index_cast %scan3A_83 : i32 to index
      %swap3A_101 = arith.constant 32 : index
      %swap3A_102 = tpu.vector_load %arg9[%swap3A_100, %swap3A_101] {strides = array<i32>} : memref<336x64xf32, #tpu.memory_space<vmem>>, vector<1x16xf32>,
      %swap3A_103 = vector.shape_cast %swap3A_102 : vector<1x16xf32> to vector<16xf32>
      %swap3A_104 = vector.shape_cast %broadcast_in_dim3A_99 : vector<16xf32> to vector<1x16xf32>
      tpu.vector_store %arg9[%swap3A_100, %swap3A_101], %swap3A_104 {strides = array<i32>} : memref<336x64xf32, #tpu.memory_space<vmem>>, vector<1x16xf32>,
      %broadcast_in_dim3A_105 = arith.constant 0.000000e+00 : f32
      %broadcast_in_dim3A_106 = vector.broadcast %broadcast_in_dim3A_105 : f32 to vector<16xf32>
      %swap3A_107 = arith.index_cast %scan3A_83 : i32 to index
      %swap3A_108 = arith.constant 48 : index
      %swap3A_109 = tpu.vector_load %arg9[%swap3A_107, %swap3A_108] {strides = array<i32>} : memref<336x64xf32, #tpu.memory_space<vmem>>, vector<1x16xf32>,
      %swap3A_110 = vector.shape_cast %swap3A_109 : vector<1x16xf32> to vector<16xf32>
      %swap3A_111 = vector.shape_cast %broadcast_in_dim3A_106 : vector<16xf32> to vector<1x16xf32>
      tpu.vector_store %arg9[%swap3A_107, %swap3A_108], %swap3A_111 {strides = array<i32>} : memref<336x64xf32, #tpu.memory_space<vmem>>, vector<1x16xf32>,
    }
    %scan3A_12 = arith.constant 336 : i32
    %sub3A = arith.subi %squeeze3A_4, %and3A_5 : i32
    %add3A_13 = arith.constant 511 : i32
    %add3A_14 = arith.addi %sub3A, %add3A_13 : i32
    %jit3A = arith.constant 512 : i32
    %div3A = arith.divsi %add3A_14, %jit3A : i32
    %sign3A = arith.constant 0 : i32
    %sign3A_15 = arith.cmpi sgt, %add3A_14, %sign3A : i32
    %sign3A_16 = arith.extui %sign3A_15 : i1 to i32
    %sign3A_17 = arith.constant 0 : i32
    %sign3A_18 = arith.cmpi slt, %add3A_14, %sign3A_17 : i32
    %sign3A_19 = arith.extui %sign3A_18 : i1 to i32
    %sign3A_20 = arith.subi %sign3A_16, %sign3A_19 : i32
    %sign3A_21 = arith.constant 0 : i32
    %sign3A_22 = arith.cmpi sgt, %jit3A, %sign3A_21 : i32
    %sign3A_23 = arith.extui %sign3A_22 : i1 to i32
    %sign3A_24 = arith.constant 0 : i32
    %sign3A_25 = arith.cmpi slt, %jit3A, %sign3A_24 : i32
    %sign3A_26 = arith.extui %sign3A_25 : i1 to i32
    %sign3A_27 = arith.subi %sign3A_23, %sign3A_26 : i32
    %ne3A = arith.cmpi ne, %sign3A_20, %sign3A_27 : i32
    %rem3A = arith.remsi %add3A_14, %jit3A : i32
    %ne3A_28 = arith.constant 0 : i32
    %ne3A_29 = arith.cmpi ne, %rem3A, %ne3A_28 : i32
    %and3A_30 = arith.andi %ne3A, %ne3A_29 : i1
    %sub3A_31 = arith.constant 1 : i32
    %sub3A_32 = arith.subi %div3A, %sub3A_31 : i32
    %select_n3A = arith.select %and3A_30, %sub3A_32, %div3A : i32
    %broadcast_in_dim3A = arith.constant 0.000000e+00 : f32
    %broadcast_in_dim3A_33 = vector.broadcast %broadcast_in_dim3A : f32 to vector<16xf32>
    %while3A = arith.constant 0 : i32
    %while3A_34 = arith.constant 320 : i32
    %while3A_35 = arith.subi %select_n3A, %while3A : i32
    %while3A_36 = arith.addi %while3A, %while3A_35 : i32
    %while3A_37 = arith.constant 1 : i32
    %while3A_38 = arith.divsi %while3A_35, %while3A_37 : i32
    %while3A_39 = arith.muli %while3A_38, %while3A_37 : i32
    %while3A_40 = arith.addi %while3A, %while3A_39 : i32
    %while3A_41 = arith.constant 1 : i32
    %while3A_42:5 = scf.for %while3A_83 = %while3A to %while3A_40 step %while3A_41 iter_args(%while3A_84 = %while3A_34, %while3A_85 = %broadcast_in_dim3A_33, %while3A_86 = %broadcast_in_dim3A_33, %while3A_87 = %broadcast_in_dim3A_33, %while3A_88 = %broadcast_in_dim3A_33) -> (i32, vector<16xf32>, vector<16xf32>, vector<16xf32>, vector<16xf32>)  : i32 {
      %mul3A_89 = arith.constant 512 : i32
      %mul3A_90 = arith.muli %while3A_83, %mul3A_89 : i32
      %add3A_91 = arith.addi %and3A_5, %mul3A_90 : i32
      %min3A = arith.constant 639488 : i32
      %min3A_92 = arith.minsi %add3A_91, %min3A : i32
      %multiple_of3A = tpu.assume_multiple %min3A_92, 16 : i32
      "tpu.region"() ({
        %run_scoped3A = tpu.sem_alloc : memref<!tpu.dma_semaphore, #tpu.memory_space<semaphore_mem>>
        %dma_start3A = tpu.memref_slice %arg3[%multiple_of3A] : memref<640000xi32, #tpu.memory_space<hbm>> -> memref<512xi32, #tpu.memory_space<hbm>>
        %dma_start3A_99 = tpu.memref_slice %arg3[%multiple_of3A] : memref<640000xi32, #tpu.memory_space<hbm>> -> memref<512xi32, #tpu.memory_space<hbm>>
        tpu.enqueue_dma source(%dma_start3A_99 : memref<512xi32, #tpu.memory_space<hbm>>) target(%arg7 : memref<512xi32, #tpu.memory_space<vmem>>) target_semaphore(%run_scoped3A : memref<!tpu.dma_semaphore, #tpu.memory_space<semaphore_mem>>)
        %dma_wait3A = tpu.memref_slice %arg3[%multiple_of3A] : memref<640000xi32, #tpu.memory_space<hbm>> -> memref<512xi32, #tpu.memory_space<hbm>>
        %dma_wait3A_100 = tpu.memref_slice %arg3[%multiple_of3A] : memref<640000xi32, #tpu.memory_space<hbm>> -> memref<512xi32, #tpu.memory_space<hbm>>
        tpu.wait_dma2 semaphore(%run_scoped3A : memref<!tpu.dma_semaphore, #tpu.memory_space<semaphore_mem>>) src(%dma_wait3A_100 : memref<512xi32, #tpu.memory_space<hbm>>) dst(%arg7 : memref<512xi32, #tpu.memory_space<vmem>>)
        tpu.yield
      }) : () -> ()
      "tpu.region"() ({
        %run_scoped3A = tpu.sem_alloc : memref<!tpu.dma_semaphore, #tpu.memory_space<semaphore_mem>>
        %dma_start3A = arith.constant 0 : i32
        %dma_start3A_99 = tpu.memref_slice %arg2[%multiple_of3A, %dma_start3A] : memref<640000x64xf32, #tpu.memory_space<hbm>> -> memref<512x64xf32, #tpu.memory_space<hbm>>
        %dma_start3A_100 = arith.constant 0 : i32
        %dma_start3A_101 = tpu.memref_slice %arg2[%multiple_of3A, %dma_start3A_100] : memref<640000x64xf32, #tpu.memory_space<hbm>> -> memref<512x64xf32, #tpu.memory_space<hbm>>
        tpu.enqueue_dma source(%dma_start3A_101 : memref<512x64xf32, #tpu.memory_space<hbm>>) target(%arg8 : memref<512x64xf32, #tpu.memory_space<vmem>>) target_semaphore(%run_scoped3A : memref<!tpu.dma_semaphore, #tpu.memory_space<semaphore_mem>>)
        %dma_wait3A = arith.constant 0 : i32
        %dma_wait3A_102 = tpu.memref_slice %arg2[%multiple_of3A, %dma_wait3A] : memref<640000x64xf32, #tpu.memory_space<hbm>> -> memref<512x64xf32, #tpu.memory_space<hbm>>
        %dma_wait3A_103 = arith.constant 0 : i32
        %dma_wait3A_104 = tpu.memref_slice %arg2[%multiple_of3A, %dma_wait3A_103] : memref<640000x64xf32, #tpu.memory_space<hbm>> -> memref<512x64xf32, #tpu.memory_space<hbm>>
        tpu.wait_dma2 semaphore(%run_scoped3A : memref<!tpu.dma_semaphore, #tpu.memory_space<semaphore_mem>>) src(%dma_wait3A_104 : memref<512x64xf32, #tpu.memory_space<hbm>>) dst(%arg8 : memref<512x64xf32, #tpu.memory_space<vmem>>)
        tpu.yield
      }) : () -> ()
      %scan3A_93 = arith.constant 0 : i32
      %scan3A_94 = arith.constant 32 : i32
      %scan3A_95 = arith.addi %scan3A_93, %scan3A_94 : i32
      %scan3A_96 = arith.constant 1 : i32
      %scan3A_97:5 = scf.for %scan3A_99 = %scan3A_93 to %scan3A_95 step %scan3A_96 iter_args(%scan3A_100 = %while3A_84, %scan3A_101 = %while3A_85, %scan3A_102 = %while3A_86, %scan3A_103 = %while3A_87, %scan3A_104 = %while3A_88) -> (i32, vector<16xf32>, vector<16xf32>, vector<16xf32>, vector<16xf32>)  : i32 {
        %mul3A_105 = arith.constant 16 : i32
        %mul3A_106 = arith.muli %scan3A_99, %mul3A_105 : i32
        %get3A_107 = arith.index_cast %mul3A_106 : i32 to index
        %get3A_108 = tpu.vector_load %arg7[%get3A_107] {strides = array<i32>} : memref<512xi32, #tpu.memory_space<vmem>>, vector<16xi32>,
        %get3A_109 = vector.shape_cast %get3A_108 : vector<16xi32> to vector<16xi32>
        %slice3A_110 = vector.extract_strided_slice %get3A_109 {offsets = [0], sizes = [1], strides = [1]} : vector<16xi32> to vector<1xi32>
        %squeeze3A_111 = vector.extract %slice3A_110[0] : i32 from vector<1xi32>
        %sub3A_112 = arith.subi %squeeze3A_111, %mul3A_7 : i32
        %ge3A = arith.constant 0 : i32
        %ge3A_113 = arith.cmpi sge, %sub3A_112, %ge3A : i32
        %lt3A = arith.constant 320 : i32
        %lt3A_114 = arith.cmpi slt, %sub3A_112, %lt3A : i32
        %and3A_115 = arith.andi %ge3A_113, %lt3A_114 : i1
        %jit3A_116 = arith.constant 320 : i32
        %select_n3A_117 = arith.select %and3A_115, %sub3A_112, %jit3A_116 : i32
        %ne3A_118 = arith.cmpi ne, %select_n3A_117, %scan3A_100 : i32
        %convert_element_type3A = arith.extui %ne3A_118 : i1 to i32
        %cond3A = arith.constant 0 : i32
        %cond3A_119 = arith.cmpi ne, %convert_element_type3A, %cond3A : i32
        scf.if %cond3A_119 {
          %get3A_778 = arith.index_cast %scan3A_100 : i32 to index
          %get3A_779 = arith.constant 0 : index
          %get3A_780 = tpu.vector_load %arg9[%get3A_778, %get3A_779] {strides = array<i32>} : memref<336x64xf32, #tpu.memory_space<vmem>>, vector<1x16xf32>,
          %get3A_781 = vector.shape_cast %get3A_780 : vector<1x16xf32> to vector<16xf32>
          %max3A_782 = arith.maximumf %get3A_781, %scan3A_101 : vector<16xf32>
          %swap3A_783 = arith.index_cast %scan3A_100 : i32 to index
          %swap3A_784 = arith.constant 0 : index
          %swap3A_785 = tpu.vector_load %arg9[%swap3A_783, %swap3A_784] {strides = array<i32>} : memref<336x64xf32, #tpu.memory_space<vmem>>, vector<1x16xf32>,
          %swap3A_786 = vector.shape_cast %swap3A_785 : vector<1x16xf32> to vector<16xf32>
          %swap3A_787 = vector.shape_cast %max3A_782 : vector<16xf32> to vector<1x16xf32>
          tpu.vector_store %arg9[%swap3A_783, %swap3A_784], %swap3A_787 {strides = array<i32>} : memref<336x64xf32, #tpu.memory_space<vmem>>, vector<1x16xf32>,
          %get3A_788 = arith.index_cast %scan3A_100 : i32 to index
          %get3A_789 = arith.constant 16 : index
          %get3A_790 = tpu.vector_load %arg9[%get3A_788, %get3A_789] {strides = array<i32>} : memref<336x64xf32, #tpu.memory_space<vmem>>, vector<1x16xf32>,
          %get3A_791 = vector.shape_cast %get3A_790 : vector<1x16xf32> to vector<16xf32>
          %max3A_792 = arith.maximumf %get3A_791, %scan3A_102 : vector<16xf32>
          %swap3A_793 = arith.index_cast %scan3A_100 : i32 to index
          %swap3A_794 = arith.constant 16 : index
          %swap3A_795 = tpu.vector_load %arg9[%swap3A_793, %swap3A_794] {strides = array<i32>} : memref<336x64xf32, #tpu.memory_space<vmem>>, vector<1x16xf32>,
          %swap3A_796 = vector.shape_cast %swap3A_795 : vector<1x16xf32> to vector<16xf32>
          %swap3A_797 = vector.shape_cast %max3A_792 : vector<16xf32> to vector<1x16xf32>
          tpu.vector_store %arg9[%swap3A_793, %swap3A_794], %swap3A_797 {strides = array<i32>} : memref<336x64xf32, #tpu.memory_space<vmem>>, vector<1x16xf32>,
          %get3A_798 = arith.index_cast %scan3A_100 : i32 to index
          %get3A_799 = arith.constant 32 : index
          %get3A_800 = tpu.vector_load %arg9[%get3A_798, %get3A_799] {strides = array<i32>} : memref<336x64xf32, #tpu.memory_space<vmem>>, vector<1x16xf32>,
          %get3A_801 = vector.shape_cast %get3A_800 : vector<1x16xf32> to vector<16xf32>
          %max3A_802 = arith.maximumf %get3A_801, %scan3A_103 : vector<16xf32>
          %swap3A_803 = arith.index_cast %scan3A_100 : i32 to index
          %swap3A_804 = arith.constant 32 : index
          %swap3A_805 = tpu.vector_load %arg9[%swap3A_803, %swap3A_804] {strides = array<i32>} : memref<336x64xf32, #tpu.memory_space<vmem>>, vector<1x16xf32>,
          %swap3A_806 = vector.shape_cast %swap3A_805 : vector<1x16xf32> to vector<16xf32>
          %swap3A_807 = vector.shape_cast %max3A_802 : vector<16xf32> to vector<1x16xf32>
          tpu.vector_store %arg9[%swap3A_803, %swap3A_804], %swap3A_807 {strides = array<i32>} : memref<336x64xf32, #tpu.memory_space<vmem>>, vector<1x16xf32>,
          %get3A_808 = arith.index_cast %scan3A_100 : i32 to index
          %get3A_809 = arith.constant 48 : index
          %get3A_810 = tpu.vector_load %arg9[%get3A_808, %get3A_809] {strides = array<i32>} : memref<336x64xf32, #tpu.memory_space<vmem>>, vector<1x16xf32>,
          %get3A_811 = vector.shape_cast %get3A_810 : vector<1x16xf32> to vector<16xf32>
          %max3A_812 = arith.maximumf %get3A_811, %scan3A_104 : vector<16xf32>
          %swap3A_813 = arith.index_cast %scan3A_100 : i32 to index
          %swap3A_814 = arith.constant 48 : index
          %swap3A_815 = tpu.vector_load %arg9[%swap3A_813, %swap3A_814] {strides = array<i32>} : memref<336x64xf32, #tpu.memory_space<vmem>>, vector<1x16xf32>,
          %swap3A_816 = vector.shape_cast %swap3A_815 : vector<1x16xf32> to vector<16xf32>
          %swap3A_817 = vector.shape_cast %max3A_812 : vector<16xf32> to vector<1x16xf32>
          tpu.vector_store %arg9[%swap3A_813, %swap3A_814], %swap3A_817 {strides = array<i32>} : memref<336x64xf32, #tpu.memory_space<vmem>>, vector<1x16xf32>,
        } else {
        }
        %mul3A_120 = arith.constant 16 : i32
        %mul3A_121 = arith.muli %scan3A_99, %mul3A_120 : i32
        %add3A_122 = arith.constant 0 : i32
        %add3A_123 = arith.addi %mul3A_121, %add3A_122 : i32
        %select_n3A_124 = arith.select %ne3A_118, %broadcast_in_dim3A_33, %scan3A_101 : vector<16xf32>
        %get3A_125 = arith.index_cast %add3A_123 : i32 to index
        %get3A_126 = arith.constant 0 : index
        %get3A_127 = tpu.vector_load %arg8[%get3A_125, %get3A_126] {strides = array<i32>} : memref<512x64xf32, #tpu.memory_space<vmem>>, vector<1x16xf32>,
        %get3A_128 = vector.shape_cast %get3A_127 : vector<1x16xf32> to vector<16xf32>
        %max3A_129 = arith.maximumf %select_n3A_124, %get3A_128 : vector<16xf32>
        %select_n3A_130 = arith.select %ne3A_118, %broadcast_in_dim3A_33, %scan3A_102 : vector<16xf32>
        %get3A_131 = arith.index_cast %add3A_123 : i32 to index
        %get3A_132 = arith.constant 16 : index
        %get3A_133 = tpu.vector_load %arg8[%get3A_131, %get3A_132] {strides = array<i32>} : memref<512x64xf32, #tpu.memory_space<vmem>>, vector<1x16xf32>,
        %get3A_134 = vector.shape_cast %get3A_133 : vector<1x16xf32> to vector<16xf32>
        %max3A_135 = arith.maximumf %select_n3A_130, %get3A_134 : vector<16xf32>
        %select_n3A_136 = arith.select %ne3A_118, %broadcast_in_dim3A_33, %scan3A_103 : vector<16xf32>
        %get3A_137 = arith.index_cast %add3A_123 : i32 to index
        %get3A_138 = arith.constant 32 : index
        %get3A_139 = tpu.vector_load %arg8[%get3A_137, %get3A_138] {strides = array<i32>} : memref<512x64xf32, #tpu.memory_space<vmem>>, vector<1x16xf32>,
        %get3A_140 = vector.shape_cast %get3A_139 : vector<1x16xf32> to vector<16xf32>
        %max3A_141 = arith.maximumf %select_n3A_136, %get3A_140 : vector<16xf32>
        %select_n3A_142 = arith.select %ne3A_118, %broadcast_in_dim3A_33, %scan3A_104 : vector<16xf32>
        %get3A_143 = arith.index_cast %add3A_123 : i32 to index
        %get3A_144 = arith.constant 48 : index
        %get3A_145 = tpu.vector_load %arg8[%get3A_143, %get3A_144] {strides = array<i32>} : memref<512x64xf32, #tpu.memory_space<vmem>>, vector<1x16xf32>,
        %get3A_146 = vector.shape_cast %get3A_145 : vector<1x16xf32> to vector<16xf32>
        %max3A_147 = arith.maximumf %select_n3A_142, %get3A_146 : vector<16xf32>
        %slice3A_148 = vector.extract_strided_slice %get3A_109 {offsets = [1], sizes = [1], strides = [1]} : vector<16xi32> to vector<1xi32>
        %squeeze3A_149 = vector.extract %slice3A_148[0] : i32 from vector<1xi32>
        %sub3A_150 = arith.subi %squeeze3A_149, %mul3A_7 : i32
        %ge3A_151 = arith.constant 0 : i32
        %ge3A_152 = arith.cmpi sge, %sub3A_150, %ge3A_151 : i32
        %lt3A_153 = arith.constant 320 : i32
        %lt3A_154 = arith.cmpi slt, %sub3A_150, %lt3A_153 : i32
        %and3A_155 = arith.andi %ge3A_152, %lt3A_154 : i1
        %jit3A_156 = arith.constant 320 : i32
        %select_n3A_157 = arith.select %and3A_155, %sub3A_150, %jit3A_156 : i32
        %ne3A_158 = arith.cmpi ne, %select_n3A_157, %select_n3A_117 : i32
        %convert_element_type3A_159 = arith.extui %ne3A_158 : i1 to i32
        %cond3A_160 = arith.constant 0 : i32
        %cond3A_161 = arith.cmpi ne, %convert_element_type3A_159, %cond3A_160 : i32
        scf.if %cond3A_161 {
          %get3A_778 = arith.index_cast %select_n3A_117 : i32 to index
          %get3A_779 = arith.constant 0 : index
          %get3A_780 = tpu.vector_load %arg9[%get3A_778, %get3A_779] {strides = array<i32>} : memref<336x64xf32, #tpu.memory_space<vmem>>, vector<1x16xf32>,
          %get3A_781 = vector.shape_cast %get3A_780 : vector<1x16xf32> to vector<16xf32>
          %max3A_782 = arith.maximumf %get3A_781, %max3A_129 : vector<16xf32>
          %swap3A_783 = arith.index_cast %select_n3A_117 : i32 to index
          %swap3A_784 = arith.constant 0 : index
          %swap3A_785 = tpu.vector_load %arg9[%swap3A_783, %swap3A_784] {strides = array<i32>} : memref<336x64xf32, #tpu.memory_space<vmem>>, vector<1x16xf32>,
          %swap3A_786 = vector.shape_cast %swap3A_785 : vector<1x16xf32> to vector<16xf32>
          %swap3A_787 = vector.shape_cast %max3A_782 : vector<16xf32> to vector<1x16xf32>
          tpu.vector_store %arg9[%swap3A_783, %swap3A_784], %swap3A_787 {strides = array<i32>} : memref<336x64xf32, #tpu.memory_space<vmem>>, vector<1x16xf32>,
          %get3A_788 = arith.index_cast %select_n3A_117 : i32 to index
          %get3A_789 = arith.constant 16 : index
          %get3A_790 = tpu.vector_load %arg9[%get3A_788, %get3A_789] {strides = array<i32>} : memref<336x64xf32, #tpu.memory_space<vmem>>, vector<1x16xf32>,
          %get3A_791 = vector.shape_cast %get3A_790 : vector<1x16xf32> to vector<16xf32>
          %max3A_792 = arith.maximumf %get3A_791, %max3A_135 : vector<16xf32>
          %swap3A_793 = arith.index_cast %select_n3A_117 : i32 to index
          %swap3A_794 = arith.constant 16 : index
          %swap3A_795 = tpu.vector_load %arg9[%swap3A_793, %swap3A_794] {strides = array<i32>} : memref<336x64xf32, #tpu.memory_space<vmem>>, vector<1x16xf32>,
          %swap3A_796 = vector.shape_cast %swap3A_795 : vector<1x16xf32> to vector<16xf32>
          %swap3A_797 = vector.shape_cast %max3A_792 : vector<16xf32> to vector<1x16xf32>
          tpu.vector_store %arg9[%swap3A_793, %swap3A_794], %swap3A_797 {strides = array<i32>} : memref<336x64xf32, #tpu.memory_space<vmem>>, vector<1x16xf32>,
          %get3A_798 = arith.index_cast %select_n3A_117 : i32 to index
          %get3A_799 = arith.constant 32 : index
          %get3A_800 = tpu.vector_load %arg9[%get3A_798, %get3A_799] {strides = array<i32>} : memref<336x64xf32, #tpu.memory_space<vmem>>, vector<1x16xf32>,
          %get3A_801 = vector.shape_cast %get3A_800 : vector<1x16xf32> to vector<16xf32>
          %max3A_802 = arith.maximumf %get3A_801, %max3A_141 : vector<16xf32>
          %swap3A_803 = arith.index_cast %select_n3A_117 : i32 to index
          %swap3A_804 = arith.constant 32 : index
          %swap3A_805 = tpu.vector_load %arg9[%swap3A_803, %swap3A_804] {strides = array<i32>} : memref<336x64xf32, #tpu.memory_space<vmem>>, vector<1x16xf32>,
          %swap3A_806 = vector.shape_cast %swap3A_805 : vector<1x16xf32> to vector<16xf32>
          %swap3A_807 = vector.shape_cast %max3A_802 : vector<16xf32> to vector<1x16xf32>
          tpu.vector_store %arg9[%swap3A_803, %swap3A_804], %swap3A_807 {strides = array<i32>} : memref<336x64xf32, #tpu.memory_space<vmem>>, vector<1x16xf32>,
          %get3A_808 = arith.index_cast %select_n3A_117 : i32 to index
          %get3A_809 = arith.constant 48 : index
          %get3A_810 = tpu.vector_load %arg9[%get3A_808, %get3A_809] {strides = array<i32>} : memref<336x64xf32, #tpu.memory_space<vmem>>, vector<1x16xf32>,
          %get3A_811 = vector.shape_cast %get3A_810 : vector<1x16xf32> to vector<16xf32>
          %max3A_812 = arith.maximumf %get3A_811, %max3A_147 : vector<16xf32>
          %swap3A_813 = arith.index_cast %select_n3A_117 : i32 to index
          %swap3A_814 = arith.constant 48 : index
          %swap3A_815 = tpu.vector_load %arg9[%swap3A_813, %swap3A_814] {strides = array<i32>} : memref<336x64xf32, #tpu.memory_space<vmem>>, vector<1x16xf32>,
          %swap3A_816 = vector.shape_cast %swap3A_815 : vector<1x16xf32> to vector<16xf32>
          %swap3A_817 = vector.shape_cast %max3A_812 : vector<16xf32> to vector<1x16xf32>
          tpu.vector_store %arg9[%swap3A_813, %swap3A_814], %swap3A_817 {strides = array<i32>} : memref<336x64xf32, #tpu.memory_space<vmem>>, vector<1x16xf32>,
        } else {
        }
        %mul3A_162 = arith.constant 16 : i32
        %mul3A_163 = arith.muli %scan3A_99, %mul3A_162 : i32
        %add3A_164 = arith.constant 1 : i32
        %add3A_165 = arith.addi %mul3A_163, %add3A_164 : i32
        %select_n3A_166 = arith.select %ne3A_158, %broadcast_in_dim3A_33, %max3A_129 : vector<16xf32>
        %get3A_167 = arith.index_cast %add3A_165 : i32 to index
        %get3A_168 = arith.constant 0 : index
        %get3A_169 = tpu.vector_load %arg8[%get3A_167, %get3A_168] {strides = array<i32>} : memref<512x64xf32, #tpu.memory_space<vmem>>, vector<1x16xf32>,
        %get3A_170 = vector.shape_cast %get3A_169 : vector<1x16xf32> to vector<16xf32>
        %max3A_171 = arith.maximumf %select_n3A_166, %get3A_170 : vector<16xf32>
        %select_n3A_172 = arith.select %ne3A_158, %broadcast_in_dim3A_33, %max3A_135 : vector<16xf32>
        %get3A_173 = arith.index_cast %add3A_165 : i32 to index
        %get3A_174 = arith.constant 16 : index
        %get3A_175 = tpu.vector_load %arg8[%get3A_173, %get3A_174] {strides = array<i32>} : memref<512x64xf32, #tpu.memory_space<vmem>>, vector<1x16xf32>,
        %get3A_176 = vector.shape_cast %get3A_175 : vector<1x16xf32> to vector<16xf32>
        %max3A_177 = arith.maximumf %select_n3A_172, %get3A_176 : vector<16xf32>
        %select_n3A_178 = arith.select %ne3A_158, %broadcast_in_dim3A_33, %max3A_141 : vector<16xf32>
        %get3A_179 = arith.index_cast %add3A_165 : i32 to index
        %get3A_180 = arith.constant 32 : index
        %get3A_181 = tpu.vector_load %arg8[%get3A_179, %get3A_180] {strides = array<i32>} : memref<512x64xf32, #tpu.memory_space<vmem>>, vector<1x16xf32>,
        %get3A_182 = vector.shape_cast %get3A_181 : vector<1x16xf32> to vector<16xf32>
        %max3A_183 = arith.maximumf %select_n3A_178, %get3A_182 : vector<16xf32>
        %select_n3A_184 = arith.select %ne3A_158, %broadcast_in_dim3A_33, %max3A_147 : vector<16xf32>
        %get3A_185 = arith.index_cast %add3A_165 : i32 to index
        %get3A_186 = arith.constant 48 : index
        %get3A_187 = tpu.vector_load %arg8[%get3A_185, %get3A_186] {strides = array<i32>} : memref<512x64xf32, #tpu.memory_space<vmem>>, vector<1x16xf32>,
        %get3A_188 = vector.shape_cast %get3A_187 : vector<1x16xf32> to vector<16xf32>
        %max3A_189 = arith.maximumf %select_n3A_184, %get3A_188 : vector<16xf32>
        %slice3A_190 = vector.extract_strided_slice %get3A_109 {offsets = [2], sizes = [1], strides = [1]} : vector<16xi32> to vector<1xi32>
        %squeeze3A_191 = vector.extract %slice3A_190[0] : i32 from vector<1xi32>
        %sub3A_192 = arith.subi %squeeze3A_191, %mul3A_7 : i32
        %ge3A_193 = arith.constant 0 : i32
        %ge3A_194 = arith.cmpi sge, %sub3A_192, %ge3A_193 : i32
        %lt3A_195 = arith.constant 320 : i32
        %lt3A_196 = arith.cmpi slt, %sub3A_192, %lt3A_195 : i32
        %and3A_197 = arith.andi %ge3A_194, %lt3A_196 : i1
        %jit3A_198 = arith.constant 320 : i32
        %select_n3A_199 = arith.select %and3A_197, %sub3A_192, %jit3A_198 : i32
        %ne3A_200 = arith.cmpi ne, %select_n3A_199, %select_n3A_157 : i32
        %convert_element_type3A_201 = arith.extui %ne3A_200 : i1 to i32
        %cond3A_202 = arith.constant 0 : i32
        %cond3A_203 = arith.cmpi ne, %convert_element_type3A_201, %cond3A_202 : i32
        scf.if %cond3A_203 {
          %get3A_778 = arith.index_cast %select_n3A_157 : i32 to index
          %get3A_779 = arith.constant 0 : index
          %get3A_780 = tpu.vector_load %arg9[%get3A_778, %get3A_779] {strides = array<i32>} : memref<336x64xf32, #tpu.memory_space<vmem>>, vector<1x16xf32>,
          %get3A_781 = vector.shape_cast %get3A_780 : vector<1x16xf32> to vector<16xf32>
          %max3A_782 = arith.maximumf %get3A_781, %max3A_171 : vector<16xf32>
          %swap3A_783 = arith.index_cast %select_n3A_157 : i32 to index
          %swap3A_784 = arith.constant 0 : index
          %swap3A_785 = tpu.vector_load %arg9[%swap3A_783, %swap3A_784] {strides = array<i32>} : memref<336x64xf32, #tpu.memory_space<vmem>>, vector<1x16xf32>,
          %swap3A_786 = vector.shape_cast %swap3A_785 : vector<1x16xf32> to vector<16xf32>
          %swap3A_787 = vector.shape_cast %max3A_782 : vector<16xf32> to vector<1x16xf32>
          tpu.vector_store %arg9[%swap3A_783, %swap3A_784], %swap3A_787 {strides = array<i32>} : memref<336x64xf32, #tpu.memory_space<vmem>>, vector<1x16xf32>,
          %get3A_788 = arith.index_cast %select_n3A_157 : i32 to index
          %get3A_789 = arith.constant 16 : index
          %get3A_790 = tpu.vector_load %arg9[%get3A_788, %get3A_789] {strides = array<i32>} : memref<336x64xf32, #tpu.memory_space<vmem>>, vector<1x16xf32>,
          %get3A_791 = vector.shape_cast %get3A_790 : vector<1x16xf32> to vector<16xf32>
          %max3A_792 = arith.maximumf %get3A_791, %max3A_177 : vector<16xf32>
          %swap3A_793 = arith.index_cast %select_n3A_157 : i32 to index
          %swap3A_794 = arith.constant 16 : index
          %swap3A_795 = tpu.vector_load %arg9[%swap3A_793, %swap3A_794] {strides = array<i32>} : memref<336x64xf32, #tpu.memory_space<vmem>>, vector<1x16xf32>,
          %swap3A_796 = vector.shape_cast %swap3A_795 : vector<1x16xf32> to vector<16xf32>
          %swap3A_797 = vector.shape_cast %max3A_792 : vector<16xf32> to vector<1x16xf32>
          tpu.vector_store %arg9[%swap3A_793, %swap3A_794], %swap3A_797 {strides = array<i32>} : memref<336x64xf32, #tpu.memory_space<vmem>>, vector<1x16xf32>,
          %get3A_798 = arith.index_cast %select_n3A_157 : i32 to index
          %get3A_799 = arith.constant 32 : index
          %get3A_800 = tpu.vector_load %arg9[%get3A_798, %get3A_799] {strides = array<i32>} : memref<336x64xf32, #tpu.memory_space<vmem>>, vector<1x16xf32>,
          %get3A_801 = vector.shape_cast %get3A_800 : vector<1x16xf32> to vector<16xf32>
          %max3A_802 = arith.maximumf %get3A_801, %max3A_183 : vector<16xf32>
          %swap3A_803 = arith.index_cast %select_n3A_157 : i32 to index
          %swap3A_804 = arith.constant 32 : index
          %swap3A_805 = tpu.vector_load %arg9[%swap3A_803, %swap3A_804] {strides = array<i32>} : memref<336x64xf32, #tpu.memory_space<vmem>>, vector<1x16xf32>,
          %swap3A_806 = vector.shape_cast %swap3A_805 : vector<1x16xf32> to vector<16xf32>
          %swap3A_807 = vector.shape_cast %max3A_802 : vector<16xf32> to vector<1x16xf32>
          tpu.vector_store %arg9[%swap3A_803, %swap3A_804], %swap3A_807 {strides = array<i32>} : memref<336x64xf32, #tpu.memory_space<vmem>>, vector<1x16xf32>,
          %get3A_808 = arith.index_cast %select_n3A_157 : i32 to index
          %get3A_809 = arith.constant 48 : index
          %get3A_810 = tpu.vector_load %arg9[%get3A_808, %get3A_809] {strides = array<i32>} : memref<336x64xf32, #tpu.memory_space<vmem>>, vector<1x16xf32>,
          %get3A_811 = vector.shape_cast %get3A_810 : vector<1x16xf32> to vector<16xf32>
          %max3A_812 = arith.maximumf %get3A_811, %max3A_189 : vector<16xf32>
          %swap3A_813 = arith.index_cast %select_n3A_157 : i32 to index
          %swap3A_814 = arith.constant 48 : index
          %swap3A_815 = tpu.vector_load %arg9[%swap3A_813, %swap3A_814] {strides = array<i32>} : memref<336x64xf32, #tpu.memory_space<vmem>>, vector<1x16xf32>,
          %swap3A_816 = vector.shape_cast %swap3A_815 : vector<1x16xf32> to vector<16xf32>
          %swap3A_817 = vector.shape_cast %max3A_812 : vector<16xf32> to vector<1x16xf32>
          tpu.vector_store %arg9[%swap3A_813, %swap3A_814], %swap3A_817 {strides = array<i32>} : memref<336x64xf32, #tpu.memory_space<vmem>>, vector<1x16xf32>,
        } else {
        }
        %mul3A_204 = arith.constant 16 : i32
        %mul3A_205 = arith.muli %scan3A_99, %mul3A_204 : i32
        %add3A_206 = arith.constant 2 : i32
        %add3A_207 = arith.addi %mul3A_205, %add3A_206 : i32
        %select_n3A_208 = arith.select %ne3A_200, %broadcast_in_dim3A_33, %max3A_171 : vector<16xf32>
        %get3A_209 = arith.index_cast %add3A_207 : i32 to index
        %get3A_210 = arith.constant 0 : index
        %get3A_211 = tpu.vector_load %arg8[%get3A_209, %get3A_210] {strides = array<i32>} : memref<512x64xf32, #tpu.memory_space<vmem>>, vector<1x16xf32>,
        %get3A_212 = vector.shape_cast %get3A_211 : vector<1x16xf32> to vector<16xf32>
        %max3A_213 = arith.maximumf %select_n3A_208, %get3A_212 : vector<16xf32>
        %select_n3A_214 = arith.select %ne3A_200, %broadcast_in_dim3A_33, %max3A_177 : vector<16xf32>
        %get3A_215 = arith.index_cast %add3A_207 : i32 to index
        %get3A_216 = arith.constant 16 : index
        %get3A_217 = tpu.vector_load %arg8[%get3A_215, %get3A_216] {strides = array<i32>} : memref<512x64xf32, #tpu.memory_space<vmem>>, vector<1x16xf32>,
        %get3A_218 = vector.shape_cast %get3A_217 : vector<1x16xf32> to vector<16xf32>
        %max3A_219 = arith.maximumf %select_n3A_214, %get3A_218 : vector<16xf32>
        %select_n3A_220 = arith.select %ne3A_200, %broadcast_in_dim3A_33, %max3A_183 : vector<16xf32>
        %get3A_221 = arith.index_cast %add3A_207 : i32 to index
        %get3A_222 = arith.constant 32 : index
        %get3A_223 = tpu.vector_load %arg8[%get3A_221, %get3A_222] {strides = array<i32>} : memref<512x64xf32, #tpu.memory_space<vmem>>, vector<1x16xf32>,
        %get3A_224 = vector.shape_cast %get3A_223 : vector<1x16xf32> to vector<16xf32>
        %max3A_225 = arith.maximumf %select_n3A_220, %get3A_224 : vector<16xf32>
        %select_n3A_226 = arith.select %ne3A_200, %broadcast_in_dim3A_33, %max3A_189 : vector<16xf32>
        %get3A_227 = arith.index_cast %add3A_207 : i32 to index
        %get3A_228 = arith.constant 48 : index
        %get3A_229 = tpu.vector_load %arg8[%get3A_227, %get3A_228] {strides = array<i32>} : memref<512x64xf32, #tpu.memory_space<vmem>>, vector<1x16xf32>,
        %get3A_230 = vector.shape_cast %get3A_229 : vector<1x16xf32> to vector<16xf32>
        %max3A_231 = arith.maximumf %select_n3A_226, %get3A_230 : vector<16xf32>
        %slice3A_232 = vector.extract_strided_slice %get3A_109 {offsets = [3], sizes = [1], strides = [1]} : vector<16xi32> to vector<1xi32>
        %squeeze3A_233 = vector.extract %slice3A_232[0] : i32 from vector<1xi32>
        %sub3A_234 = arith.subi %squeeze3A_233, %mul3A_7 : i32
        %ge3A_235 = arith.constant 0 : i32
        %ge3A_236 = arith.cmpi sge, %sub3A_234, %ge3A_235 : i32
        %lt3A_237 = arith.constant 320 : i32
        %lt3A_238 = arith.cmpi slt, %sub3A_234, %lt3A_237 : i32
        %and3A_239 = arith.andi %ge3A_236, %lt3A_238 : i1
        %jit3A_240 = arith.constant 320 : i32
        %select_n3A_241 = arith.select %and3A_239, %sub3A_234, %jit3A_240 : i32
        %ne3A_242 = arith.cmpi ne, %select_n3A_241, %select_n3A_199 : i32
        %convert_element_type3A_243 = arith.extui %ne3A_242 : i1 to i32
        %cond3A_244 = arith.constant 0 : i32
        %cond3A_245 = arith.cmpi ne, %convert_element_type3A_243, %cond3A_244 : i32
        scf.if %cond3A_245 {
          %get3A_778 = arith.index_cast %select_n3A_199 : i32 to index
          %get3A_779 = arith.constant 0 : index
          %get3A_780 = tpu.vector_load %arg9[%get3A_778, %get3A_779] {strides = array<i32>} : memref<336x64xf32, #tpu.memory_space<vmem>>, vector<1x16xf32>,
          %get3A_781 = vector.shape_cast %get3A_780 : vector<1x16xf32> to vector<16xf32>
          %max3A_782 = arith.maximumf %get3A_781, %max3A_213 : vector<16xf32>
          %swap3A_783 = arith.index_cast %select_n3A_199 : i32 to index
          %swap3A_784 = arith.constant 0 : index
          %swap3A_785 = tpu.vector_load %arg9[%swap3A_783, %swap3A_784] {strides = array<i32>} : memref<336x64xf32, #tpu.memory_space<vmem>>, vector<1x16xf32>,
          %swap3A_786 = vector.shape_cast %swap3A_785 : vector<1x16xf32> to vector<16xf32>
          %swap3A_787 = vector.shape_cast %max3A_782 : vector<16xf32> to vector<1x16xf32>
          tpu.vector_store %arg9[%swap3A_783, %swap3A_784], %swap3A_787 {strides = array<i32>} : memref<336x64xf32, #tpu.memory_space<vmem>>, vector<1x16xf32>,
          %get3A_788 = arith.index_cast %select_n3A_199 : i32 to index
          %get3A_789 = arith.constant 16 : index
          %get3A_790 = tpu.vector_load %arg9[%get3A_788, %get3A_789] {strides = array<i32>} : memref<336x64xf32, #tpu.memory_space<vmem>>, vector<1x16xf32>,
          %get3A_791 = vector.shape_cast %get3A_790 : vector<1x16xf32> to vector<16xf32>
          %max3A_792 = arith.maximumf %get3A_791, %max3A_219 : vector<16xf32>
          %swap3A_793 = arith.index_cast %select_n3A_199 : i32 to index
          %swap3A_794 = arith.constant 16 : index
          %swap3A_795 = tpu.vector_load %arg9[%swap3A_793, %swap3A_794] {strides = array<i32>} : memref<336x64xf32, #tpu.memory_space<vmem>>, vector<1x16xf32>,
          %swap3A_796 = vector.shape_cast %swap3A_795 : vector<1x16xf32> to vector<16xf32>
          %swap3A_797 = vector.shape_cast %max3A_792 : vector<16xf32> to vector<1x16xf32>
          tpu.vector_store %arg9[%swap3A_793, %swap3A_794], %swap3A_797 {strides = array<i32>} : memref<336x64xf32, #tpu.memory_space<vmem>>, vector<1x16xf32>,
          %get3A_798 = arith.index_cast %select_n3A_199 : i32 to index
          %get3A_799 = arith.constant 32 : index
          %get3A_800 = tpu.vector_load %arg9[%get3A_798, %get3A_799] {strides = array<i32>} : memref<336x64xf32, #tpu.memory_space<vmem>>, vector<1x16xf32>,
          %get3A_801 = vector.shape_cast %get3A_800 : vector<1x16xf32> to vector<16xf32>
          %max3A_802 = arith.maximumf %get3A_801, %max3A_225 : vector<16xf32>
          %swap3A_803 = arith.index_cast %select_n3A_199 : i32 to index
          %swap3A_804 = arith.constant 32 : index
          %swap3A_805 = tpu.vector_load %arg9[%swap3A_803, %swap3A_804] {strides = array<i32>} : memref<336x64xf32, #tpu.memory_space<vmem>>, vector<1x16xf32>,
          %swap3A_806 = vector.shape_cast %swap3A_805 : vector<1x16xf32> to vector<16xf32>
          %swap3A_807 = vector.shape_cast %max3A_802 : vector<16xf32> to vector<1x16xf32>
          tpu.vector_store %arg9[%swap3A_803, %swap3A_804], %swap3A_807 {strides = array<i32>} : memref<336x64xf32, #tpu.memory_space<vmem>>, vector<1x16xf32>,
          %get3A_808 = arith.index_cast %select_n3A_199 : i32 to index
          %get3A_809 = arith.constant 48 : index
          %get3A_810 = tpu.vector_load %arg9[%get3A_808, %get3A_809] {strides = array<i32>} : memref<336x64xf32, #tpu.memory_space<vmem>>, vector<1x16xf32>,
          %get3A_811 = vector.shape_cast %get3A_810 : vector<1x16xf32> to vector<16xf32>
          %max3A_812 = arith.maximumf %get3A_811, %max3A_231 : vector<16xf32>
          %swap3A_813 = arith.index_cast %select_n3A_199 : i32 to index
          %swap3A_814 = arith.constant 48 : index
          %swap3A_815 = tpu.vector_load %arg9[%swap3A_813, %swap3A_814] {strides = array<i32>} : memref<336x64xf32, #tpu.memory_space<vmem>>, vector<1x16xf32>,
          %swap3A_816 = vector.shape_cast %swap3A_815 : vector<1x16xf32> to vector<16xf32>
          %swap3A_817 = vector.shape_cast %max3A_812 : vector<16xf32> to vector<1x16xf32>
          tpu.vector_store %arg9[%swap3A_813, %swap3A_814], %swap3A_817 {strides = array<i32>} : memref<336x64xf32, #tpu.memory_space<vmem>>, vector<1x16xf32>,
        } else {
        }
        %mul3A_246 = arith.constant 16 : i32
        %mul3A_247 = arith.muli %scan3A_99, %mul3A_246 : i32
        %add3A_248 = arith.constant 3 : i32
        %add3A_249 = arith.addi %mul3A_247, %add3A_248 : i32
        %select_n3A_250 = arith.select %ne3A_242, %broadcast_in_dim3A_33, %max3A_213 : vector<16xf32>
        %get3A_251 = arith.index_cast %add3A_249 : i32 to index
        %get3A_252 = arith.constant 0 : index
        %get3A_253 = tpu.vector_load %arg8[%get3A_251, %get3A_252] {strides = array<i32>} : memref<512x64xf32, #tpu.memory_space<vmem>>, vector<1x16xf32>,
        %get3A_254 = vector.shape_cast %get3A_253 : vector<1x16xf32> to vector<16xf32>
        %max3A_255 = arith.maximumf %select_n3A_250, %get3A_254 : vector<16xf32>
        %select_n3A_256 = arith.select %ne3A_242, %broadcast_in_dim3A_33, %max3A_219 : vector<16xf32>
        %get3A_257 = arith.index_cast %add3A_249 : i32 to index
        %get3A_258 = arith.constant 16 : index
        %get3A_259 = tpu.vector_load %arg8[%get3A_257, %get3A_258] {strides = array<i32>} : memref<512x64xf32, #tpu.memory_space<vmem>>, vector<1x16xf32>,
        %get3A_260 = vector.shape_cast %get3A_259 : vector<1x16xf32> to vector<16xf32>
        %max3A_261 = arith.maximumf %select_n3A_256, %get3A_260 : vector<16xf32>
        %select_n3A_262 = arith.select %ne3A_242, %broadcast_in_dim3A_33, %max3A_225 : vector<16xf32>
        %get3A_263 = arith.index_cast %add3A_249 : i32 to index
        %get3A_264 = arith.constant 32 : index
        %get3A_265 = tpu.vector_load %arg8[%get3A_263, %get3A_264] {strides = array<i32>} : memref<512x64xf32, #tpu.memory_space<vmem>>, vector<1x16xf32>,
        %get3A_266 = vector.shape_cast %get3A_265 : vector<1x16xf32> to vector<16xf32>
        %max3A_267 = arith.maximumf %select_n3A_262, %get3A_266 : vector<16xf32>
        %select_n3A_268 = arith.select %ne3A_242, %broadcast_in_dim3A_33, %max3A_231 : vector<16xf32>
        %get3A_269 = arith.index_cast %add3A_249 : i32 to index
        %get3A_270 = arith.constant 48 : index
        %get3A_271 = tpu.vector_load %arg8[%get3A_269, %get3A_270] {strides = array<i32>} : memref<512x64xf32, #tpu.memory_space<vmem>>, vector<1x16xf32>,
        %get3A_272 = vector.shape_cast %get3A_271 : vector<1x16xf32> to vector<16xf32>
        %max3A_273 = arith.maximumf %select_n3A_268, %get3A_272 : vector<16xf32>
        %slice3A_274 = vector.extract_strided_slice %get3A_109 {offsets = [4], sizes = [1], strides = [1]} : vector<16xi32> to vector<1xi32>
        %squeeze3A_275 = vector.extract %slice3A_274[0] : i32 from vector<1xi32>
        %sub3A_276 = arith.subi %squeeze3A_275, %mul3A_7 : i32
        %ge3A_277 = arith.constant 0 : i32
        %ge3A_278 = arith.cmpi sge, %sub3A_276, %ge3A_277 : i32
        %lt3A_279 = arith.constant 320 : i32
        %lt3A_280 = arith.cmpi slt, %sub3A_276, %lt3A_279 : i32
        %and3A_281 = arith.andi %ge3A_278, %lt3A_280 : i1
        %jit3A_282 = arith.constant 320 : i32
        %select_n3A_283 = arith.select %and3A_281, %sub3A_276, %jit3A_282 : i32
        %ne3A_284 = arith.cmpi ne, %select_n3A_283, %select_n3A_241 : i32
        %convert_element_type3A_285 = arith.extui %ne3A_284 : i1 to i32
        %cond3A_286 = arith.constant 0 : i32
        %cond3A_287 = arith.cmpi ne, %convert_element_type3A_285, %cond3A_286 : i32
        scf.if %cond3A_287 {
          %get3A_778 = arith.index_cast %select_n3A_241 : i32 to index
          %get3A_779 = arith.constant 0 : index
          %get3A_780 = tpu.vector_load %arg9[%get3A_778, %get3A_779] {strides = array<i32>} : memref<336x64xf32, #tpu.memory_space<vmem>>, vector<1x16xf32>,
          %get3A_781 = vector.shape_cast %get3A_780 : vector<1x16xf32> to vector<16xf32>
          %max3A_782 = arith.maximumf %get3A_781, %max3A_255 : vector<16xf32>
          %swap3A_783 = arith.index_cast %select_n3A_241 : i32 to index
          %swap3A_784 = arith.constant 0 : index
          %swap3A_785 = tpu.vector_load %arg9[%swap3A_783, %swap3A_784] {strides = array<i32>} : memref<336x64xf32, #tpu.memory_space<vmem>>, vector<1x16xf32>,
          %swap3A_786 = vector.shape_cast %swap3A_785 : vector<1x16xf32> to vector<16xf32>
          %swap3A_787 = vector.shape_cast %max3A_782 : vector<16xf32> to vector<1x16xf32>
          tpu.vector_store %arg9[%swap3A_783, %swap3A_784], %swap3A_787 {strides = array<i32>} : memref<336x64xf32, #tpu.memory_space<vmem>>, vector<1x16xf32>,
          %get3A_788 = arith.index_cast %select_n3A_241 : i32 to index
          %get3A_789 = arith.constant 16 : index
          %get3A_790 = tpu.vector_load %arg9[%get3A_788, %get3A_789] {strides = array<i32>} : memref<336x64xf32, #tpu.memory_space<vmem>>, vector<1x16xf32>,
          %get3A_791 = vector.shape_cast %get3A_790 : vector<1x16xf32> to vector<16xf32>
          %max3A_792 = arith.maximumf %get3A_791, %max3A_261 : vector<16xf32>
          %swap3A_793 = arith.index_cast %select_n3A_241 : i32 to index
          %swap3A_794 = arith.constant 16 : index
          %swap3A_795 = tpu.vector_load %arg9[%swap3A_793, %swap3A_794] {strides = array<i32>} : memref<336x64xf32, #tpu.memory_space<vmem>>, vector<1x16xf32>,
          %swap3A_796 = vector.shape_cast %swap3A_795 : vector<1x16xf32> to vector<16xf32>
          %swap3A_797 = vector.shape_cast %max3A_792 : vector<16xf32> to vector<1x16xf32>
          tpu.vector_store %arg9[%swap3A_793, %swap3A_794], %swap3A_797 {strides = array<i32>} : memref<336x64xf32, #tpu.memory_space<vmem>>, vector<1x16xf32>,
          %get3A_798 = arith.index_cast %select_n3A_241 : i32 to index
          %get3A_799 = arith.constant 32 : index
          %get3A_800 = tpu.vector_load %arg9[%get3A_798, %get3A_799] {strides = array<i32>} : memref<336x64xf32, #tpu.memory_space<vmem>>, vector<1x16xf32>,
          %get3A_801 = vector.shape_cast %get3A_800 : vector<1x16xf32> to vector<16xf32>
          %max3A_802 = arith.maximumf %get3A_801, %max3A_267 : vector<16xf32>
          %swap3A_803 = arith.index_cast %select_n3A_241 : i32 to index
          %swap3A_804 = arith.constant 32 : index
          %swap3A_805 = tpu.vector_load %arg9[%swap3A_803, %swap3A_804] {strides = array<i32>} : memref<336x64xf32, #tpu.memory_space<vmem>>, vector<1x16xf32>,
          %swap3A_806 = vector.shape_cast %swap3A_805 : vector<1x16xf32> to vector<16xf32>
          %swap3A_807 = vector.shape_cast %max3A_802 : vector<16xf32> to vector<1x16xf32>
          tpu.vector_store %arg9[%swap3A_803, %swap3A_804], %swap3A_807 {strides = array<i32>} : memref<336x64xf32, #tpu.memory_space<vmem>>, vector<1x16xf32>,
          %get3A_808 = arith.index_cast %select_n3A_241 : i32 to index
          %get3A_809 = arith.constant 48 : index
          %get3A_810 = tpu.vector_load %arg9[%get3A_808, %get3A_809] {strides = array<i32>} : memref<336x64xf32, #tpu.memory_space<vmem>>, vector<1x16xf32>,
          %get3A_811 = vector.shape_cast %get3A_810 : vector<1x16xf32> to vector<16xf32>
          %max3A_812 = arith.maximumf %get3A_811, %max3A_273 : vector<16xf32>
          %swap3A_813 = arith.index_cast %select_n3A_241 : i32 to index
          %swap3A_814 = arith.constant 48 : index
          %swap3A_815 = tpu.vector_load %arg9[%swap3A_813, %swap3A_814] {strides = array<i32>} : memref<336x64xf32, #tpu.memory_space<vmem>>, vector<1x16xf32>,
          %swap3A_816 = vector.shape_cast %swap3A_815 : vector<1x16xf32> to vector<16xf32>
          %swap3A_817 = vector.shape_cast %max3A_812 : vector<16xf32> to vector<1x16xf32>
          tpu.vector_store %arg9[%swap3A_813, %swap3A_814], %swap3A_817 {strides = array<i32>} : memref<336x64xf32, #tpu.memory_space<vmem>>, vector<1x16xf32>,
        } else {
        }
        %mul3A_288 = arith.constant 16 : i32
        %mul3A_289 = arith.muli %scan3A_99, %mul3A_288 : i32
        %add3A_290 = arith.constant 4 : i32
        %add3A_291 = arith.addi %mul3A_289, %add3A_290 : i32
        %select_n3A_292 = arith.select %ne3A_284, %broadcast_in_dim3A_33, %max3A_255 : vector<16xf32>
        %get3A_293 = arith.index_cast %add3A_291 : i32 to index
        %get3A_294 = arith.constant 0 : index
        %get3A_295 = tpu.vector_load %arg8[%get3A_293, %get3A_294] {strides = array<i32>} : memref<512x64xf32, #tpu.memory_space<vmem>>, vector<1x16xf32>,
        %get3A_296 = vector.shape_cast %get3A_295 : vector<1x16xf32> to vector<16xf32>
        %max3A_297 = arith.maximumf %select_n3A_292, %get3A_296 : vector<16xf32>
        %select_n3A_298 = arith.select %ne3A_284, %broadcast_in_dim3A_33, %max3A_261 : vector<16xf32>
        %get3A_299 = arith.index_cast %add3A_291 : i32 to index
        %get3A_300 = arith.constant 16 : index
        %get3A_301 = tpu.vector_load %arg8[%get3A_299, %get3A_300] {strides = array<i32>} : memref<512x64xf32, #tpu.memory_space<vmem>>, vector<1x16xf32>,
        %get3A_302 = vector.shape_cast %get3A_301 : vector<1x16xf32> to vector<16xf32>
        %max3A_303 = arith.maximumf %select_n3A_298, %get3A_302 : vector<16xf32>
        %select_n3A_304 = arith.select %ne3A_284, %broadcast_in_dim3A_33, %max3A_267 : vector<16xf32>
        %get3A_305 = arith.index_cast %add3A_291 : i32 to index
        %get3A_306 = arith.constant 32 : index
        %get3A_307 = tpu.vector_load %arg8[%get3A_305, %get3A_306] {strides = array<i32>} : memref<512x64xf32, #tpu.memory_space<vmem>>, vector<1x16xf32>,
        %get3A_308 = vector.shape_cast %get3A_307 : vector<1x16xf32> to vector<16xf32>
        %max3A_309 = arith.maximumf %select_n3A_304, %get3A_308 : vector<16xf32>
        %select_n3A_310 = arith.select %ne3A_284, %broadcast_in_dim3A_33, %max3A_273 : vector<16xf32>
        %get3A_311 = arith.index_cast %add3A_291 : i32 to index
        %get3A_312 = arith.constant 48 : index
        %get3A_313 = tpu.vector_load %arg8[%get3A_311, %get3A_312] {strides = array<i32>} : memref<512x64xf32, #tpu.memory_space<vmem>>, vector<1x16xf32>,
        %get3A_314 = vector.shape_cast %get3A_313 : vector<1x16xf32> to vector<16xf32>
        %max3A_315 = arith.maximumf %select_n3A_310, %get3A_314 : vector<16xf32>
        %slice3A_316 = vector.extract_strided_slice %get3A_109 {offsets = [5], sizes = [1], strides = [1]} : vector<16xi32> to vector<1xi32>
        %squeeze3A_317 = vector.extract %slice3A_316[0] : i32 from vector<1xi32>
        %sub3A_318 = arith.subi %squeeze3A_317, %mul3A_7 : i32
        %ge3A_319 = arith.constant 0 : i32
        %ge3A_320 = arith.cmpi sge, %sub3A_318, %ge3A_319 : i32
        %lt3A_321 = arith.constant 320 : i32
        %lt3A_322 = arith.cmpi slt, %sub3A_318, %lt3A_321 : i32
        %and3A_323 = arith.andi %ge3A_320, %lt3A_322 : i1
        %jit3A_324 = arith.constant 320 : i32
        %select_n3A_325 = arith.select %and3A_323, %sub3A_318, %jit3A_324 : i32
        %ne3A_326 = arith.cmpi ne, %select_n3A_325, %select_n3A_283 : i32
        %convert_element_type3A_327 = arith.extui %ne3A_326 : i1 to i32
        %cond3A_328 = arith.constant 0 : i32
        %cond3A_329 = arith.cmpi ne, %convert_element_type3A_327, %cond3A_328 : i32
        scf.if %cond3A_329 {
          %get3A_778 = arith.index_cast %select_n3A_283 : i32 to index
          %get3A_779 = arith.constant 0 : index
          %get3A_780 = tpu.vector_load %arg9[%get3A_778, %get3A_779] {strides = array<i32>} : memref<336x64xf32, #tpu.memory_space<vmem>>, vector<1x16xf32>,
          %get3A_781 = vector.shape_cast %get3A_780 : vector<1x16xf32> to vector<16xf32>
          %max3A_782 = arith.maximumf %get3A_781, %max3A_297 : vector<16xf32>
          %swap3A_783 = arith.index_cast %select_n3A_283 : i32 to index
          %swap3A_784 = arith.constant 0 : index
          %swap3A_785 = tpu.vector_load %arg9[%swap3A_783, %swap3A_784] {strides = array<i32>} : memref<336x64xf32, #tpu.memory_space<vmem>>, vector<1x16xf32>,
          %swap3A_786 = vector.shape_cast %swap3A_785 : vector<1x16xf32> to vector<16xf32>
          %swap3A_787 = vector.shape_cast %max3A_782 : vector<16xf32> to vector<1x16xf32>
          tpu.vector_store %arg9[%swap3A_783, %swap3A_784], %swap3A_787 {strides = array<i32>} : memref<336x64xf32, #tpu.memory_space<vmem>>, vector<1x16xf32>,
          %get3A_788 = arith.index_cast %select_n3A_283 : i32 to index
          %get3A_789 = arith.constant 16 : index
          %get3A_790 = tpu.vector_load %arg9[%get3A_788, %get3A_789] {strides = array<i32>} : memref<336x64xf32, #tpu.memory_space<vmem>>, vector<1x16xf32>,
          %get3A_791 = vector.shape_cast %get3A_790 : vector<1x16xf32> to vector<16xf32>
          %max3A_792 = arith.maximumf %get3A_791, %max3A_303 : vector<16xf32>
          %swap3A_793 = arith.index_cast %select_n3A_283 : i32 to index
          %swap3A_794 = arith.constant 16 : index
          %swap3A_795 = tpu.vector_load %arg9[%swap3A_793, %swap3A_794] {strides = array<i32>} : memref<336x64xf32, #tpu.memory_space<vmem>>, vector<1x16xf32>,
          %swap3A_796 = vector.shape_cast %swap3A_795 : vector<1x16xf32> to vector<16xf32>
          %swap3A_797 = vector.shape_cast %max3A_792 : vector<16xf32> to vector<1x16xf32>
          tpu.vector_store %arg9[%swap3A_793, %swap3A_794], %swap3A_797 {strides = array<i32>} : memref<336x64xf32, #tpu.memory_space<vmem>>, vector<1x16xf32>,
          %get3A_798 = arith.index_cast %select_n3A_283 : i32 to index
          %get3A_799 = arith.constant 32 : index
          %get3A_800 = tpu.vector_load %arg9[%get3A_798, %get3A_799] {strides = array<i32>} : memref<336x64xf32, #tpu.memory_space<vmem>>, vector<1x16xf32>,
          %get3A_801 = vector.shape_cast %get3A_800 : vector<1x16xf32> to vector<16xf32>
          %max3A_802 = arith.maximumf %get3A_801, %max3A_309 : vector<16xf32>
          %swap3A_803 = arith.index_cast %select_n3A_283 : i32 to index
          %swap3A_804 = arith.constant 32 : index
          %swap3A_805 = tpu.vector_load %arg9[%swap3A_803, %swap3A_804] {strides = array<i32>} : memref<336x64xf32, #tpu.memory_space<vmem>>, vector<1x16xf32>,
          %swap3A_806 = vector.shape_cast %swap3A_805 : vector<1x16xf32> to vector<16xf32>
          %swap3A_807 = vector.shape_cast %max3A_802 : vector<16xf32> to vector<1x16xf32>
          tpu.vector_store %arg9[%swap3A_803, %swap3A_804], %swap3A_807 {strides = array<i32>} : memref<336x64xf32, #tpu.memory_space<vmem>>, vector<1x16xf32>,
          %get3A_808 = arith.index_cast %select_n3A_283 : i32 to index
          %get3A_809 = arith.constant 48 : index
          %get3A_810 = tpu.vector_load %arg9[%get3A_808, %get3A_809] {strides = array<i32>} : memref<336x64xf32, #tpu.memory_space<vmem>>, vector<1x16xf32>,
          %get3A_811 = vector.shape_cast %get3A_810 : vector<1x16xf32> to vector<16xf32>
          %max3A_812 = arith.maximumf %get3A_811, %max3A_315 : vector<16xf32>
          %swap3A_813 = arith.index_cast %select_n3A_283 : i32 to index
          %swap3A_814 = arith.constant 48 : index
          %swap3A_815 = tpu.vector_load %arg9[%swap3A_813, %swap3A_814] {strides = array<i32>} : memref<336x64xf32, #tpu.memory_space<vmem>>, vector<1x16xf32>,
          %swap3A_816 = vector.shape_cast %swap3A_815 : vector<1x16xf32> to vector<16xf32>
          %swap3A_817 = vector.shape_cast %max3A_812 : vector<16xf32> to vector<1x16xf32>
          tpu.vector_store %arg9[%swap3A_813, %swap3A_814], %swap3A_817 {strides = array<i32>} : memref<336x64xf32, #tpu.memory_space<vmem>>, vector<1x16xf32>,
        } else {
        }
        %mul3A_330 = arith.constant 16 : i32
        %mul3A_331 = arith.muli %scan3A_99, %mul3A_330 : i32
        %add3A_332 = arith.constant 5 : i32
        %add3A_333 = arith.addi %mul3A_331, %add3A_332 : i32
        %select_n3A_334 = arith.select %ne3A_326, %broadcast_in_dim3A_33, %max3A_297 : vector<16xf32>
        %get3A_335 = arith.index_cast %add3A_333 : i32 to index
        %get3A_336 = arith.constant 0 : index
        %get3A_337 = tpu.vector_load %arg8[%get3A_335, %get3A_336] {strides = array<i32>} : memref<512x64xf32, #tpu.memory_space<vmem>>, vector<1x16xf32>,
        %get3A_338 = vector.shape_cast %get3A_337 : vector<1x16xf32> to vector<16xf32>
        %max3A_339 = arith.maximumf %select_n3A_334, %get3A_338 : vector<16xf32>
        %select_n3A_340 = arith.select %ne3A_326, %broadcast_in_dim3A_33, %max3A_303 : vector<16xf32>
        %get3A_341 = arith.index_cast %add3A_333 : i32 to index
        %get3A_342 = arith.constant 16 : index
        %get3A_343 = tpu.vector_load %arg8[%get3A_341, %get3A_342] {strides = array<i32>} : memref<512x64xf32, #tpu.memory_space<vmem>>, vector<1x16xf32>,
        %get3A_344 = vector.shape_cast %get3A_343 : vector<1x16xf32> to vector<16xf32>
        %max3A_345 = arith.maximumf %select_n3A_340, %get3A_344 : vector<16xf32>
        %select_n3A_346 = arith.select %ne3A_326, %broadcast_in_dim3A_33, %max3A_309 : vector<16xf32>
        %get3A_347 = arith.index_cast %add3A_333 : i32 to index
        %get3A_348 = arith.constant 32 : index
        %get3A_349 = tpu.vector_load %arg8[%get3A_347, %get3A_348] {strides = array<i32>} : memref<512x64xf32, #tpu.memory_space<vmem>>, vector<1x16xf32>,
        %get3A_350 = vector.shape_cast %get3A_349 : vector<1x16xf32> to vector<16xf32>
        %max3A_351 = arith.maximumf %select_n3A_346, %get3A_350 : vector<16xf32>
        %select_n3A_352 = arith.select %ne3A_326, %broadcast_in_dim3A_33, %max3A_315 : vector<16xf32>
        %get3A_353 = arith.index_cast %add3A_333 : i32 to index
        %get3A_354 = arith.constant 48 : index
        %get3A_355 = tpu.vector_load %arg8[%get3A_353, %get3A_354] {strides = array<i32>} : memref<512x64xf32, #tpu.memory_space<vmem>>, vector<1x16xf32>,
        %get3A_356 = vector.shape_cast %get3A_355 : vector<1x16xf32> to vector<16xf32>
        %max3A_357 = arith.maximumf %select_n3A_352, %get3A_356 : vector<16xf32>
        %slice3A_358 = vector.extract_strided_slice %get3A_109 {offsets = [6], sizes = [1], strides = [1]} : vector<16xi32> to vector<1xi32>
        %squeeze3A_359 = vector.extract %slice3A_358[0] : i32 from vector<1xi32>
        %sub3A_360 = arith.subi %squeeze3A_359, %mul3A_7 : i32
        %ge3A_361 = arith.constant 0 : i32
        %ge3A_362 = arith.cmpi sge, %sub3A_360, %ge3A_361 : i32
        %lt3A_363 = arith.constant 320 : i32
        %lt3A_364 = arith.cmpi slt, %sub3A_360, %lt3A_363 : i32
        %and3A_365 = arith.andi %ge3A_362, %lt3A_364 : i1
        %jit3A_366 = arith.constant 320 : i32
        %select_n3A_367 = arith.select %and3A_365, %sub3A_360, %jit3A_366 : i32
        %ne3A_368 = arith.cmpi ne, %select_n3A_367, %select_n3A_325 : i32
        %convert_element_type3A_369 = arith.extui %ne3A_368 : i1 to i32
        %cond3A_370 = arith.constant 0 : i32
        %cond3A_371 = arith.cmpi ne, %convert_element_type3A_369, %cond3A_370 : i32
        scf.if %cond3A_371 {
          %get3A_778 = arith.index_cast %select_n3A_325 : i32 to index
          %get3A_779 = arith.constant 0 : index
          %get3A_780 = tpu.vector_load %arg9[%get3A_778, %get3A_779] {strides = array<i32>} : memref<336x64xf32, #tpu.memory_space<vmem>>, vector<1x16xf32>,
          %get3A_781 = vector.shape_cast %get3A_780 : vector<1x16xf32> to vector<16xf32>
          %max3A_782 = arith.maximumf %get3A_781, %max3A_339 : vector<16xf32>
          %swap3A_783 = arith.index_cast %select_n3A_325 : i32 to index
          %swap3A_784 = arith.constant 0 : index
          %swap3A_785 = tpu.vector_load %arg9[%swap3A_783, %swap3A_784] {strides = array<i32>} : memref<336x64xf32, #tpu.memory_space<vmem>>, vector<1x16xf32>,
          %swap3A_786 = vector.shape_cast %swap3A_785 : vector<1x16xf32> to vector<16xf32>
          %swap3A_787 = vector.shape_cast %max3A_782 : vector<16xf32> to vector<1x16xf32>
          tpu.vector_store %arg9[%swap3A_783, %swap3A_784], %swap3A_787 {strides = array<i32>} : memref<336x64xf32, #tpu.memory_space<vmem>>, vector<1x16xf32>,
          %get3A_788 = arith.index_cast %select_n3A_325 : i32 to index
          %get3A_789 = arith.constant 16 : index
          %get3A_790 = tpu.vector_load %arg9[%get3A_788, %get3A_789] {strides = array<i32>} : memref<336x64xf32, #tpu.memory_space<vmem>>, vector<1x16xf32>,
          %get3A_791 = vector.shape_cast %get3A_790 : vector<1x16xf32> to vector<16xf32>
          %max3A_792 = arith.maximumf %get3A_791, %max3A_345 : vector<16xf32>
          %swap3A_793 = arith.index_cast %select_n3A_325 : i32 to index
          %swap3A_794 = arith.constant 16 : index
          %swap3A_795 = tpu.vector_load %arg9[%swap3A_793, %swap3A_794] {strides = array<i32>} : memref<336x64xf32, #tpu.memory_space<vmem>>, vector<1x16xf32>,
          %swap3A_796 = vector.shape_cast %swap3A_795 : vector<1x16xf32> to vector<16xf32>
          %swap3A_797 = vector.shape_cast %max3A_792 : vector<16xf32> to vector<1x16xf32>
          tpu.vector_store %arg9[%swap3A_793, %swap3A_794], %swap3A_797 {strides = array<i32>} : memref<336x64xf32, #tpu.memory_space<vmem>>, vector<1x16xf32>,
          %get3A_798 = arith.index_cast %select_n3A_325 : i32 to index
          %get3A_799 = arith.constant 32 : index
          %get3A_800 = tpu.vector_load %arg9[%get3A_798, %get3A_799] {strides = array<i32>} : memref<336x64xf32, #tpu.memory_space<vmem>>, vector<1x16xf32>,
          %get3A_801 = vector.shape_cast %get3A_800 : vector<1x16xf32> to vector<16xf32>
          %max3A_802 = arith.maximumf %get3A_801, %max3A_351 : vector<16xf32>
          %swap3A_803 = arith.index_cast %select_n3A_325 : i32 to index
          %swap3A_804 = arith.constant 32 : index
          %swap3A_805 = tpu.vector_load %arg9[%swap3A_803, %swap3A_804] {strides = array<i32>} : memref<336x64xf32, #tpu.memory_space<vmem>>, vector<1x16xf32>,
          %swap3A_806 = vector.shape_cast %swap3A_805 : vector<1x16xf32> to vector<16xf32>
          %swap3A_807 = vector.shape_cast %max3A_802 : vector<16xf32> to vector<1x16xf32>
          tpu.vector_store %arg9[%swap3A_803, %swap3A_804], %swap3A_807 {strides = array<i32>} : memref<336x64xf32, #tpu.memory_space<vmem>>, vector<1x16xf32>,
          %get3A_808 = arith.index_cast %select_n3A_325 : i32 to index
          %get3A_809 = arith.constant 48 : index
          %get3A_810 = tpu.vector_load %arg9[%get3A_808, %get3A_809] {strides = array<i32>} : memref<336x64xf32, #tpu.memory_space<vmem>>, vector<1x16xf32>,
          %get3A_811 = vector.shape_cast %get3A_810 : vector<1x16xf32> to vector<16xf32>
          %max3A_812 = arith.maximumf %get3A_811, %max3A_357 : vector<16xf32>
          %swap3A_813 = arith.index_cast %select_n3A_325 : i32 to index
          %swap3A_814 = arith.constant 48 : index
          %swap3A_815 = tpu.vector_load %arg9[%swap3A_813, %swap3A_814] {strides = array<i32>} : memref<336x64xf32, #tpu.memory_space<vmem>>, vector<1x16xf32>,
          %swap3A_816 = vector.shape_cast %swap3A_815 : vector<1x16xf32> to vector<16xf32>
          %swap3A_817 = vector.shape_cast %max3A_812 : vector<16xf32> to vector<1x16xf32>
          tpu.vector_store %arg9[%swap3A_813, %swap3A_814], %swap3A_817 {strides = array<i32>} : memref<336x64xf32, #tpu.memory_space<vmem>>, vector<1x16xf32>,
        } else {
        }
        %mul3A_372 = arith.constant 16 : i32
        %mul3A_373 = arith.muli %scan3A_99, %mul3A_372 : i32
        %add3A_374 = arith.constant 6 : i32
        %add3A_375 = arith.addi %mul3A_373, %add3A_374 : i32
        %select_n3A_376 = arith.select %ne3A_368, %broadcast_in_dim3A_33, %max3A_339 : vector<16xf32>
        %get3A_377 = arith.index_cast %add3A_375 : i32 to index
        %get3A_378 = arith.constant 0 : index
        %get3A_379 = tpu.vector_load %arg8[%get3A_377, %get3A_378] {strides = array<i32>} : memref<512x64xf32, #tpu.memory_space<vmem>>, vector<1x16xf32>,
        %get3A_380 = vector.shape_cast %get3A_379 : vector<1x16xf32> to vector<16xf32>
        %max3A_381 = arith.maximumf %select_n3A_376, %get3A_380 : vector<16xf32>
        %select_n3A_382 = arith.select %ne3A_368, %broadcast_in_dim3A_33, %max3A_345 : vector<16xf32>
        %get3A_383 = arith.index_cast %add3A_375 : i32 to index
        %get3A_384 = arith.constant 16 : index
        %get3A_385 = tpu.vector_load %arg8[%get3A_383, %get3A_384] {strides = array<i32>} : memref<512x64xf32, #tpu.memory_space<vmem>>, vector<1x16xf32>,
        %get3A_386 = vector.shape_cast %get3A_385 : vector<1x16xf32> to vector<16xf32>
        %max3A_387 = arith.maximumf %select_n3A_382, %get3A_386 : vector<16xf32>
        %select_n3A_388 = arith.select %ne3A_368, %broadcast_in_dim3A_33, %max3A_351 : vector<16xf32>
        %get3A_389 = arith.index_cast %add3A_375 : i32 to index
        %get3A_390 = arith.constant 32 : index
        %get3A_391 = tpu.vector_load %arg8[%get3A_389, %get3A_390] {strides = array<i32>} : memref<512x64xf32, #tpu.memory_space<vmem>>, vector<1x16xf32>,
        %get3A_392 = vector.shape_cast %get3A_391 : vector<1x16xf32> to vector<16xf32>
        %max3A_393 = arith.maximumf %select_n3A_388, %get3A_392 : vector<16xf32>
        %select_n3A_394 = arith.select %ne3A_368, %broadcast_in_dim3A_33, %max3A_357 : vector<16xf32>
        %get3A_395 = arith.index_cast %add3A_375 : i32 to index
        %get3A_396 = arith.constant 48 : index
        %get3A_397 = tpu.vector_load %arg8[%get3A_395, %get3A_396] {strides = array<i32>} : memref<512x64xf32, #tpu.memory_space<vmem>>, vector<1x16xf32>,
        %get3A_398 = vector.shape_cast %get3A_397 : vector<1x16xf32> to vector<16xf32>
        %max3A_399 = arith.maximumf %select_n3A_394, %get3A_398 : vector<16xf32>
        %slice3A_400 = vector.extract_strided_slice %get3A_109 {offsets = [7], sizes = [1], strides = [1]} : vector<16xi32> to vector<1xi32>
        %squeeze3A_401 = vector.extract %slice3A_400[0] : i32 from vector<1xi32>
        %sub3A_402 = arith.subi %squeeze3A_401, %mul3A_7 : i32
        %ge3A_403 = arith.constant 0 : i32
        %ge3A_404 = arith.cmpi sge, %sub3A_402, %ge3A_403 : i32
        %lt3A_405 = arith.constant 320 : i32
        %lt3A_406 = arith.cmpi slt, %sub3A_402, %lt3A_405 : i32
        %and3A_407 = arith.andi %ge3A_404, %lt3A_406 : i1
        %jit3A_408 = arith.constant 320 : i32
        %select_n3A_409 = arith.select %and3A_407, %sub3A_402, %jit3A_408 : i32
        %ne3A_410 = arith.cmpi ne, %select_n3A_409, %select_n3A_367 : i32
        %convert_element_type3A_411 = arith.extui %ne3A_410 : i1 to i32
        %cond3A_412 = arith.constant 0 : i32
        %cond3A_413 = arith.cmpi ne, %convert_element_type3A_411, %cond3A_412 : i32
        scf.if %cond3A_413 {
          %get3A_778 = arith.index_cast %select_n3A_367 : i32 to index
          %get3A_779 = arith.constant 0 : index
          %get3A_780 = tpu.vector_load %arg9[%get3A_778, %get3A_779] {strides = array<i32>} : memref<336x64xf32, #tpu.memory_space<vmem>>, vector<1x16xf32>,
          %get3A_781 = vector.shape_cast %get3A_780 : vector<1x16xf32> to vector<16xf32>
          %max3A_782 = arith.maximumf %get3A_781, %max3A_381 : vector<16xf32>
          %swap3A_783 = arith.index_cast %select_n3A_367 : i32 to index
          %swap3A_784 = arith.constant 0 : index
          %swap3A_785 = tpu.vector_load %arg9[%swap3A_783, %swap3A_784] {strides = array<i32>} : memref<336x64xf32, #tpu.memory_space<vmem>>, vector<1x16xf32>,
          %swap3A_786 = vector.shape_cast %swap3A_785 : vector<1x16xf32> to vector<16xf32>
          %swap3A_787 = vector.shape_cast %max3A_782 : vector<16xf32> to vector<1x16xf32>
          tpu.vector_store %arg9[%swap3A_783, %swap3A_784], %swap3A_787 {strides = array<i32>} : memref<336x64xf32, #tpu.memory_space<vmem>>, vector<1x16xf32>,
          %get3A_788 = arith.index_cast %select_n3A_367 : i32 to index
          %get3A_789 = arith.constant 16 : index
          %get3A_790 = tpu.vector_load %arg9[%get3A_788, %get3A_789] {strides = array<i32>} : memref<336x64xf32, #tpu.memory_space<vmem>>, vector<1x16xf32>,
          %get3A_791 = vector.shape_cast %get3A_790 : vector<1x16xf32> to vector<16xf32>
          %max3A_792 = arith.maximumf %get3A_791, %max3A_387 : vector<16xf32>
          %swap3A_793 = arith.index_cast %select_n3A_367 : i32 to index
          %swap3A_794 = arith.constant 16 : index
          %swap3A_795 = tpu.vector_load %arg9[%swap3A_793, %swap3A_794] {strides = array<i32>} : memref<336x64xf32, #tpu.memory_space<vmem>>, vector<1x16xf32>,
          %swap3A_796 = vector.shape_cast %swap3A_795 : vector<1x16xf32> to vector<16xf32>
          %swap3A_797 = vector.shape_cast %max3A_792 : vector<16xf32> to vector<1x16xf32>
          tpu.vector_store %arg9[%swap3A_793, %swap3A_794], %swap3A_797 {strides = array<i32>} : memref<336x64xf32, #tpu.memory_space<vmem>>, vector<1x16xf32>,
          %get3A_798 = arith.index_cast %select_n3A_367 : i32 to index
          %get3A_799 = arith.constant 32 : index
          %get3A_800 = tpu.vector_load %arg9[%get3A_798, %get3A_799] {strides = array<i32>} : memref<336x64xf32, #tpu.memory_space<vmem>>, vector<1x16xf32>,
          %get3A_801 = vector.shape_cast %get3A_800 : vector<1x16xf32> to vector<16xf32>
          %max3A_802 = arith.maximumf %get3A_801, %max3A_393 : vector<16xf32>
          %swap3A_803 = arith.index_cast %select_n3A_367 : i32 to index
          %swap3A_804 = arith.constant 32 : index
          %swap3A_805 = tpu.vector_load %arg9[%swap3A_803, %swap3A_804] {strides = array<i32>} : memref<336x64xf32, #tpu.memory_space<vmem>>, vector<1x16xf32>,
          %swap3A_806 = vector.shape_cast %swap3A_805 : vector<1x16xf32> to vector<16xf32>
          %swap3A_807 = vector.shape_cast %max3A_802 : vector<16xf32> to vector<1x16xf32>
          tpu.vector_store %arg9[%swap3A_803, %swap3A_804], %swap3A_807 {strides = array<i32>} : memref<336x64xf32, #tpu.memory_space<vmem>>, vector<1x16xf32>,
          %get3A_808 = arith.index_cast %select_n3A_367 : i32 to index
          %get3A_809 = arith.constant 48 : index
          %get3A_810 = tpu.vector_load %arg9[%get3A_808, %get3A_809] {strides = array<i32>} : memref<336x64xf32, #tpu.memory_space<vmem>>, vector<1x16xf32>,
          %get3A_811 = vector.shape_cast %get3A_810 : vector<1x16xf32> to vector<16xf32>
          %max3A_812 = arith.maximumf %get3A_811, %max3A_399 : vector<16xf32>
          %swap3A_813 = arith.index_cast %select_n3A_367 : i32 to index
          %swap3A_814 = arith.constant 48 : index
          %swap3A_815 = tpu.vector_load %arg9[%swap3A_813, %swap3A_814] {strides = array<i32>} : memref<336x64xf32, #tpu.memory_space<vmem>>, vector<1x16xf32>,
          %swap3A_816 = vector.shape_cast %swap3A_815 : vector<1x16xf32> to vector<16xf32>
          %swap3A_817 = vector.shape_cast %max3A_812 : vector<16xf32> to vector<1x16xf32>
          tpu.vector_store %arg9[%swap3A_813, %swap3A_814], %swap3A_817 {strides = array<i32>} : memref<336x64xf32, #tpu.memory_space<vmem>>, vector<1x16xf32>,
        } else {
        }
        %mul3A_414 = arith.constant 16 : i32
        %mul3A_415 = arith.muli %scan3A_99, %mul3A_414 : i32
        %add3A_416 = arith.constant 7 : i32
        %add3A_417 = arith.addi %mul3A_415, %add3A_416 : i32
        %select_n3A_418 = arith.select %ne3A_410, %broadcast_in_dim3A_33, %max3A_381 : vector<16xf32>
        %get3A_419 = arith.index_cast %add3A_417 : i32 to index
        %get3A_420 = arith.constant 0 : index
        %get3A_421 = tpu.vector_load %arg8[%get3A_419, %get3A_420] {strides = array<i32>} : memref<512x64xf32, #tpu.memory_space<vmem>>, vector<1x16xf32>,
        %get3A_422 = vector.shape_cast %get3A_421 : vector<1x16xf32> to vector<16xf32>
        %max3A_423 = arith.maximumf %select_n3A_418, %get3A_422 : vector<16xf32>
        %select_n3A_424 = arith.select %ne3A_410, %broadcast_in_dim3A_33, %max3A_387 : vector<16xf32>
        %get3A_425 = arith.index_cast %add3A_417 : i32 to index
        %get3A_426 = arith.constant 16 : index
        %get3A_427 = tpu.vector_load %arg8[%get3A_425, %get3A_426] {strides = array<i32>} : memref<512x64xf32, #tpu.memory_space<vmem>>, vector<1x16xf32>,
        %get3A_428 = vector.shape_cast %get3A_427 : vector<1x16xf32> to vector<16xf32>
        %max3A_429 = arith.maximumf %select_n3A_424, %get3A_428 : vector<16xf32>
        %select_n3A_430 = arith.select %ne3A_410, %broadcast_in_dim3A_33, %max3A_393 : vector<16xf32>
        %get3A_431 = arith.index_cast %add3A_417 : i32 to index
        %get3A_432 = arith.constant 32 : index
        %get3A_433 = tpu.vector_load %arg8[%get3A_431, %get3A_432] {strides = array<i32>} : memref<512x64xf32, #tpu.memory_space<vmem>>, vector<1x16xf32>,
        %get3A_434 = vector.shape_cast %get3A_433 : vector<1x16xf32> to vector<16xf32>
        %max3A_435 = arith.maximumf %select_n3A_430, %get3A_434 : vector<16xf32>
        %select_n3A_436 = arith.select %ne3A_410, %broadcast_in_dim3A_33, %max3A_399 : vector<16xf32>
        %get3A_437 = arith.index_cast %add3A_417 : i32 to index
        %get3A_438 = arith.constant 48 : index
        %get3A_439 = tpu.vector_load %arg8[%get3A_437, %get3A_438] {strides = array<i32>} : memref<512x64xf32, #tpu.memory_space<vmem>>, vector<1x16xf32>,
        %get3A_440 = vector.shape_cast %get3A_439 : vector<1x16xf32> to vector<16xf32>
        %max3A_441 = arith.maximumf %select_n3A_436, %get3A_440 : vector<16xf32>
        %slice3A_442 = vector.extract_strided_slice %get3A_109 {offsets = [8], sizes = [1], strides = [1]} : vector<16xi32> to vector<1xi32>
        %squeeze3A_443 = vector.extract %slice3A_442[0] : i32 from vector<1xi32>
        %sub3A_444 = arith.subi %squeeze3A_443, %mul3A_7 : i32
        %ge3A_445 = arith.constant 0 : i32
        %ge3A_446 = arith.cmpi sge, %sub3A_444, %ge3A_445 : i32
        %lt3A_447 = arith.constant 320 : i32
        %lt3A_448 = arith.cmpi slt, %sub3A_444, %lt3A_447 : i32
        %and3A_449 = arith.andi %ge3A_446, %lt3A_448 : i1
        %jit3A_450 = arith.constant 320 : i32
        %select_n3A_451 = arith.select %and3A_449, %sub3A_444, %jit3A_450 : i32
        %ne3A_452 = arith.cmpi ne, %select_n3A_451, %select_n3A_409 : i32
        %convert_element_type3A_453 = arith.extui %ne3A_452 : i1 to i32
        %cond3A_454 = arith.constant 0 : i32
        %cond3A_455 = arith.cmpi ne, %convert_element_type3A_453, %cond3A_454 : i32
        scf.if %cond3A_455 {
          %get3A_778 = arith.index_cast %select_n3A_409 : i32 to index
          %get3A_779 = arith.constant 0 : index
          %get3A_780 = tpu.vector_load %arg9[%get3A_778, %get3A_779] {strides = array<i32>} : memref<336x64xf32, #tpu.memory_space<vmem>>, vector<1x16xf32>,
          %get3A_781 = vector.shape_cast %get3A_780 : vector<1x16xf32> to vector<16xf32>
          %max3A_782 = arith.maximumf %get3A_781, %max3A_423 : vector<16xf32>
          %swap3A_783 = arith.index_cast %select_n3A_409 : i32 to index
          %swap3A_784 = arith.constant 0 : index
          %swap3A_785 = tpu.vector_load %arg9[%swap3A_783, %swap3A_784] {strides = array<i32>} : memref<336x64xf32, #tpu.memory_space<vmem>>, vector<1x16xf32>,
          %swap3A_786 = vector.shape_cast %swap3A_785 : vector<1x16xf32> to vector<16xf32>
          %swap3A_787 = vector.shape_cast %max3A_782 : vector<16xf32> to vector<1x16xf32>
          tpu.vector_store %arg9[%swap3A_783, %swap3A_784], %swap3A_787 {strides = array<i32>} : memref<336x64xf32, #tpu.memory_space<vmem>>, vector<1x16xf32>,
          %get3A_788 = arith.index_cast %select_n3A_409 : i32 to index
          %get3A_789 = arith.constant 16 : index
          %get3A_790 = tpu.vector_load %arg9[%get3A_788, %get3A_789] {strides = array<i32>} : memref<336x64xf32, #tpu.memory_space<vmem>>, vector<1x16xf32>,
          %get3A_791 = vector.shape_cast %get3A_790 : vector<1x16xf32> to vector<16xf32>
          %max3A_792 = arith.maximumf %get3A_791, %max3A_429 : vector<16xf32>
          %swap3A_793 = arith.index_cast %select_n3A_409 : i32 to index
          %swap3A_794 = arith.constant 16 : index
          %swap3A_795 = tpu.vector_load %arg9[%swap3A_793, %swap3A_794] {strides = array<i32>} : memref<336x64xf32, #tpu.memory_space<vmem>>, vector<1x16xf32>,
          %swap3A_796 = vector.shape_cast %swap3A_795 : vector<1x16xf32> to vector<16xf32>
          %swap3A_797 = vector.shape_cast %max3A_792 : vector<16xf32> to vector<1x16xf32>
          tpu.vector_store %arg9[%swap3A_793, %swap3A_794], %swap3A_797 {strides = array<i32>} : memref<336x64xf32, #tpu.memory_space<vmem>>, vector<1x16xf32>,
          %get3A_798 = arith.index_cast %select_n3A_409 : i32 to index
          %get3A_799 = arith.constant 32 : index
          %get3A_800 = tpu.vector_load %arg9[%get3A_798, %get3A_799] {strides = array<i32>} : memref<336x64xf32, #tpu.memory_space<vmem>>, vector<1x16xf32>,
          %get3A_801 = vector.shape_cast %get3A_800 : vector<1x16xf32> to vector<16xf32>
          %max3A_802 = arith.maximumf %get3A_801, %max3A_435 : vector<16xf32>
          %swap3A_803 = arith.index_cast %select_n3A_409 : i32 to index
          %swap3A_804 = arith.constant 32 : index
          %swap3A_805 = tpu.vector_load %arg9[%swap3A_803, %swap3A_804] {strides = array<i32>} : memref<336x64xf32, #tpu.memory_space<vmem>>, vector<1x16xf32>,
          %swap3A_806 = vector.shape_cast %swap3A_805 : vector<1x16xf32> to vector<16xf32>
          %swap3A_807 = vector.shape_cast %max3A_802 : vector<16xf32> to vector<1x16xf32>
          tpu.vector_store %arg9[%swap3A_803, %swap3A_804], %swap3A_807 {strides = array<i32>} : memref<336x64xf32, #tpu.memory_space<vmem>>, vector<1x16xf32>,
          %get3A_808 = arith.index_cast %select_n3A_409 : i32 to index
          %get3A_809 = arith.constant 48 : index
          %get3A_810 = tpu.vector_load %arg9[%get3A_808, %get3A_809] {strides = array<i32>} : memref<336x64xf32, #tpu.memory_space<vmem>>, vector<1x16xf32>,
          %get3A_811 = vector.shape_cast %get3A_810 : vector<1x16xf32> to vector<16xf32>
          %max3A_812 = arith.maximumf %get3A_811, %max3A_441 : vector<16xf32>
          %swap3A_813 = arith.index_cast %select_n3A_409 : i32 to index
          %swap3A_814 = arith.constant 48 : index
          %swap3A_815 = tpu.vector_load %arg9[%swap3A_813, %swap3A_814] {strides = array<i32>} : memref<336x64xf32, #tpu.memory_space<vmem>>, vector<1x16xf32>,
          %swap3A_816 = vector.shape_cast %swap3A_815 : vector<1x16xf32> to vector<16xf32>
          %swap3A_817 = vector.shape_cast %max3A_812 : vector<16xf32> to vector<1x16xf32>
          tpu.vector_store %arg9[%swap3A_813, %swap3A_814], %swap3A_817 {strides = array<i32>} : memref<336x64xf32, #tpu.memory_space<vmem>>, vector<1x16xf32>,
        } else {
        }
        %mul3A_456 = arith.constant 16 : i32
        %mul3A_457 = arith.muli %scan3A_99, %mul3A_456 : i32
        %add3A_458 = arith.constant 8 : i32
        %add3A_459 = arith.addi %mul3A_457, %add3A_458 : i32
        %select_n3A_460 = arith.select %ne3A_452, %broadcast_in_dim3A_33, %max3A_423 : vector<16xf32>
        %get3A_461 = arith.index_cast %add3A_459 : i32 to index
        %get3A_462 = arith.constant 0 : index
        %get3A_463 = tpu.vector_load %arg8[%get3A_461, %get3A_462] {strides = array<i32>} : memref<512x64xf32, #tpu.memory_space<vmem>>, vector<1x16xf32>,
        %get3A_464 = vector.shape_cast %get3A_463 : vector<1x16xf32> to vector<16xf32>
        %max3A_465 = arith.maximumf %select_n3A_460, %get3A_464 : vector<16xf32>
        %select_n3A_466 = arith.select %ne3A_452, %broadcast_in_dim3A_33, %max3A_429 : vector<16xf32>
        %get3A_467 = arith.index_cast %add3A_459 : i32 to index
        %get3A_468 = arith.constant 16 : index
        %get3A_469 = tpu.vector_load %arg8[%get3A_467, %get3A_468] {strides = array<i32>} : memref<512x64xf32, #tpu.memory_space<vmem>>, vector<1x16xf32>,
        %get3A_470 = vector.shape_cast %get3A_469 : vector<1x16xf32> to vector<16xf32>
        %max3A_471 = arith.maximumf %select_n3A_466, %get3A_470 : vector<16xf32>
        %select_n3A_472 = arith.select %ne3A_452, %broadcast_in_dim3A_33, %max3A_435 : vector<16xf32>
        %get3A_473 = arith.index_cast %add3A_459 : i32 to index
        %get3A_474 = arith.constant 32 : index
        %get3A_475 = tpu.vector_load %arg8[%get3A_473, %get3A_474] {strides = array<i32>} : memref<512x64xf32, #tpu.memory_space<vmem>>, vector<1x16xf32>,
        %get3A_476 = vector.shape_cast %get3A_475 : vector<1x16xf32> to vector<16xf32>
        %max3A_477 = arith.maximumf %select_n3A_472, %get3A_476 : vector<16xf32>
        %select_n3A_478 = arith.select %ne3A_452, %broadcast_in_dim3A_33, %max3A_441 : vector<16xf32>
        %get3A_479 = arith.index_cast %add3A_459 : i32 to index
        %get3A_480 = arith.constant 48 : index
        %get3A_481 = tpu.vector_load %arg8[%get3A_479, %get3A_480] {strides = array<i32>} : memref<512x64xf32, #tpu.memory_space<vmem>>, vector<1x16xf32>,
        %get3A_482 = vector.shape_cast %get3A_481 : vector<1x16xf32> to vector<16xf32>
        %max3A_483 = arith.maximumf %select_n3A_478, %get3A_482 : vector<16xf32>
        %slice3A_484 = vector.extract_strided_slice %get3A_109 {offsets = [9], sizes = [1], strides = [1]} : vector<16xi32> to vector<1xi32>
        %squeeze3A_485 = vector.extract %slice3A_484[0] : i32 from vector<1xi32>
        %sub3A_486 = arith.subi %squeeze3A_485, %mul3A_7 : i32
        %ge3A_487 = arith.constant 0 : i32
        %ge3A_488 = arith.cmpi sge, %sub3A_486, %ge3A_487 : i32
        %lt3A_489 = arith.constant 320 : i32
        %lt3A_490 = arith.cmpi slt, %sub3A_486, %lt3A_489 : i32
        %and3A_491 = arith.andi %ge3A_488, %lt3A_490 : i1
        %jit3A_492 = arith.constant 320 : i32
        %select_n3A_493 = arith.select %and3A_491, %sub3A_486, %jit3A_492 : i32
        %ne3A_494 = arith.cmpi ne, %select_n3A_493, %select_n3A_451 : i32
        %convert_element_type3A_495 = arith.extui %ne3A_494 : i1 to i32
        %cond3A_496 = arith.constant 0 : i32
        %cond3A_497 = arith.cmpi ne, %convert_element_type3A_495, %cond3A_496 : i32
        scf.if %cond3A_497 {
          %get3A_778 = arith.index_cast %select_n3A_451 : i32 to index
          %get3A_779 = arith.constant 0 : index
          %get3A_780 = tpu.vector_load %arg9[%get3A_778, %get3A_779] {strides = array<i32>} : memref<336x64xf32, #tpu.memory_space<vmem>>, vector<1x16xf32>,
          %get3A_781 = vector.shape_cast %get3A_780 : vector<1x16xf32> to vector<16xf32>
          %max3A_782 = arith.maximumf %get3A_781, %max3A_465 : vector<16xf32>
          %swap3A_783 = arith.index_cast %select_n3A_451 : i32 to index
          %swap3A_784 = arith.constant 0 : index
          %swap3A_785 = tpu.vector_load %arg9[%swap3A_783, %swap3A_784] {strides = array<i32>} : memref<336x64xf32, #tpu.memory_space<vmem>>, vector<1x16xf32>,
          %swap3A_786 = vector.shape_cast %swap3A_785 : vector<1x16xf32> to vector<16xf32>
          %swap3A_787 = vector.shape_cast %max3A_782 : vector<16xf32> to vector<1x16xf32>
          tpu.vector_store %arg9[%swap3A_783, %swap3A_784], %swap3A_787 {strides = array<i32>} : memref<336x64xf32, #tpu.memory_space<vmem>>, vector<1x16xf32>,
          %get3A_788 = arith.index_cast %select_n3A_451 : i32 to index
          %get3A_789 = arith.constant 16 : index
          %get3A_790 = tpu.vector_load %arg9[%get3A_788, %get3A_789] {strides = array<i32>} : memref<336x64xf32, #tpu.memory_space<vmem>>, vector<1x16xf32>,
          %get3A_791 = vector.shape_cast %get3A_790 : vector<1x16xf32> to vector<16xf32>
          %max3A_792 = arith.maximumf %get3A_791, %max3A_471 : vector<16xf32>
          %swap3A_793 = arith.index_cast %select_n3A_451 : i32 to index
          %swap3A_794 = arith.constant 16 : index
          %swap3A_795 = tpu.vector_load %arg9[%swap3A_793, %swap3A_794] {strides = array<i32>} : memref<336x64xf32, #tpu.memory_space<vmem>>, vector<1x16xf32>,
          %swap3A_796 = vector.shape_cast %swap3A_795 : vector<1x16xf32> to vector<16xf32>
          %swap3A_797 = vector.shape_cast %max3A_792 : vector<16xf32> to vector<1x16xf32>
          tpu.vector_store %arg9[%swap3A_793, %swap3A_794], %swap3A_797 {strides = array<i32>} : memref<336x64xf32, #tpu.memory_space<vmem>>, vector<1x16xf32>,
          %get3A_798 = arith.index_cast %select_n3A_451 : i32 to index
          %get3A_799 = arith.constant 32 : index
          %get3A_800 = tpu.vector_load %arg9[%get3A_798, %get3A_799] {strides = array<i32>} : memref<336x64xf32, #tpu.memory_space<vmem>>, vector<1x16xf32>,
          %get3A_801 = vector.shape_cast %get3A_800 : vector<1x16xf32> to vector<16xf32>
          %max3A_802 = arith.maximumf %get3A_801, %max3A_477 : vector<16xf32>
          %swap3A_803 = arith.index_cast %select_n3A_451 : i32 to index
          %swap3A_804 = arith.constant 32 : index
          %swap3A_805 = tpu.vector_load %arg9[%swap3A_803, %swap3A_804] {strides = array<i32>} : memref<336x64xf32, #tpu.memory_space<vmem>>, vector<1x16xf32>,
          %swap3A_806 = vector.shape_cast %swap3A_805 : vector<1x16xf32> to vector<16xf32>
          %swap3A_807 = vector.shape_cast %max3A_802 : vector<16xf32> to vector<1x16xf32>
          tpu.vector_store %arg9[%swap3A_803, %swap3A_804], %swap3A_807 {strides = array<i32>} : memref<336x64xf32, #tpu.memory_space<vmem>>, vector<1x16xf32>,
          %get3A_808 = arith.index_cast %select_n3A_451 : i32 to index
          %get3A_809 = arith.constant 48 : index
          %get3A_810 = tpu.vector_load %arg9[%get3A_808, %get3A_809] {strides = array<i32>} : memref<336x64xf32, #tpu.memory_space<vmem>>, vector<1x16xf32>,
          %get3A_811 = vector.shape_cast %get3A_810 : vector<1x16xf32> to vector<16xf32>
          %max3A_812 = arith.maximumf %get3A_811, %max3A_483 : vector<16xf32>
          %swap3A_813 = arith.index_cast %select_n3A_451 : i32 to index
          %swap3A_814 = arith.constant 48 : index
          %swap3A_815 = tpu.vector_load %arg9[%swap3A_813, %swap3A_814] {strides = array<i32>} : memref<336x64xf32, #tpu.memory_space<vmem>>, vector<1x16xf32>,
          %swap3A_816 = vector.shape_cast %swap3A_815 : vector<1x16xf32> to vector<16xf32>
          %swap3A_817 = vector.shape_cast %max3A_812 : vector<16xf32> to vector<1x16xf32>
          tpu.vector_store %arg9[%swap3A_813, %swap3A_814], %swap3A_817 {strides = array<i32>} : memref<336x64xf32, #tpu.memory_space<vmem>>, vector<1x16xf32>,
        } else {
        }
        %mul3A_498 = arith.constant 16 : i32
        %mul3A_499 = arith.muli %scan3A_99, %mul3A_498 : i32
        %add3A_500 = arith.constant 9 : i32
        %add3A_501 = arith.addi %mul3A_499, %add3A_500 : i32
        %select_n3A_502 = arith.select %ne3A_494, %broadcast_in_dim3A_33, %max3A_465 : vector<16xf32>
        %get3A_503 = arith.index_cast %add3A_501 : i32 to index
        %get3A_504 = arith.constant 0 : index
        %get3A_505 = tpu.vector_load %arg8[%get3A_503, %get3A_504] {strides = array<i32>} : memref<512x64xf32, #tpu.memory_space<vmem>>, vector<1x16xf32>,
        %get3A_506 = vector.shape_cast %get3A_505 : vector<1x16xf32> to vector<16xf32>
        %max3A_507 = arith.maximumf %select_n3A_502, %get3A_506 : vector<16xf32>
        %select_n3A_508 = arith.select %ne3A_494, %broadcast_in_dim3A_33, %max3A_471 : vector<16xf32>
        %get3A_509 = arith.index_cast %add3A_501 : i32 to index
        %get3A_510 = arith.constant 16 : index
        %get3A_511 = tpu.vector_load %arg8[%get3A_509, %get3A_510] {strides = array<i32>} : memref<512x64xf32, #tpu.memory_space<vmem>>, vector<1x16xf32>,
        %get3A_512 = vector.shape_cast %get3A_511 : vector<1x16xf32> to vector<16xf32>
        %max3A_513 = arith.maximumf %select_n3A_508, %get3A_512 : vector<16xf32>
        %select_n3A_514 = arith.select %ne3A_494, %broadcast_in_dim3A_33, %max3A_477 : vector<16xf32>
        %get3A_515 = arith.index_cast %add3A_501 : i32 to index
        %get3A_516 = arith.constant 32 : index
        %get3A_517 = tpu.vector_load %arg8[%get3A_515, %get3A_516] {strides = array<i32>} : memref<512x64xf32, #tpu.memory_space<vmem>>, vector<1x16xf32>,
        %get3A_518 = vector.shape_cast %get3A_517 : vector<1x16xf32> to vector<16xf32>
        %max3A_519 = arith.maximumf %select_n3A_514, %get3A_518 : vector<16xf32>
        %select_n3A_520 = arith.select %ne3A_494, %broadcast_in_dim3A_33, %max3A_483 : vector<16xf32>
        %get3A_521 = arith.index_cast %add3A_501 : i32 to index
        %get3A_522 = arith.constant 48 : index
        %get3A_523 = tpu.vector_load %arg8[%get3A_521, %get3A_522] {strides = array<i32>} : memref<512x64xf32, #tpu.memory_space<vmem>>, vector<1x16xf32>,
        %get3A_524 = vector.shape_cast %get3A_523 : vector<1x16xf32> to vector<16xf32>
        %max3A_525 = arith.maximumf %select_n3A_520, %get3A_524 : vector<16xf32>
        %slice3A_526 = vector.extract_strided_slice %get3A_109 {offsets = [10], sizes = [1], strides = [1]} : vector<16xi32> to vector<1xi32>
        %squeeze3A_527 = vector.extract %slice3A_526[0] : i32 from vector<1xi32>
        %sub3A_528 = arith.subi %squeeze3A_527, %mul3A_7 : i32
        %ge3A_529 = arith.constant 0 : i32
        %ge3A_530 = arith.cmpi sge, %sub3A_528, %ge3A_529 : i32
        %lt3A_531 = arith.constant 320 : i32
        %lt3A_532 = arith.cmpi slt, %sub3A_528, %lt3A_531 : i32
        %and3A_533 = arith.andi %ge3A_530, %lt3A_532 : i1
        %jit3A_534 = arith.constant 320 : i32
        %select_n3A_535 = arith.select %and3A_533, %sub3A_528, %jit3A_534 : i32
        %ne3A_536 = arith.cmpi ne, %select_n3A_535, %select_n3A_493 : i32
        %convert_element_type3A_537 = arith.extui %ne3A_536 : i1 to i32
        %cond3A_538 = arith.constant 0 : i32
        %cond3A_539 = arith.cmpi ne, %convert_element_type3A_537, %cond3A_538 : i32
        scf.if %cond3A_539 {
          %get3A_778 = arith.index_cast %select_n3A_493 : i32 to index
          %get3A_779 = arith.constant 0 : index
          %get3A_780 = tpu.vector_load %arg9[%get3A_778, %get3A_779] {strides = array<i32>} : memref<336x64xf32, #tpu.memory_space<vmem>>, vector<1x16xf32>,
          %get3A_781 = vector.shape_cast %get3A_780 : vector<1x16xf32> to vector<16xf32>
          %max3A_782 = arith.maximumf %get3A_781, %max3A_507 : vector<16xf32>
          %swap3A_783 = arith.index_cast %select_n3A_493 : i32 to index
          %swap3A_784 = arith.constant 0 : index
          %swap3A_785 = tpu.vector_load %arg9[%swap3A_783, %swap3A_784] {strides = array<i32>} : memref<336x64xf32, #tpu.memory_space<vmem>>, vector<1x16xf32>,
          %swap3A_786 = vector.shape_cast %swap3A_785 : vector<1x16xf32> to vector<16xf32>
          %swap3A_787 = vector.shape_cast %max3A_782 : vector<16xf32> to vector<1x16xf32>
          tpu.vector_store %arg9[%swap3A_783, %swap3A_784], %swap3A_787 {strides = array<i32>} : memref<336x64xf32, #tpu.memory_space<vmem>>, vector<1x16xf32>,
          %get3A_788 = arith.index_cast %select_n3A_493 : i32 to index
          %get3A_789 = arith.constant 16 : index
          %get3A_790 = tpu.vector_load %arg9[%get3A_788, %get3A_789] {strides = array<i32>} : memref<336x64xf32, #tpu.memory_space<vmem>>, vector<1x16xf32>,
          %get3A_791 = vector.shape_cast %get3A_790 : vector<1x16xf32> to vector<16xf32>
          %max3A_792 = arith.maximumf %get3A_791, %max3A_513 : vector<16xf32>
          %swap3A_793 = arith.index_cast %select_n3A_493 : i32 to index
          %swap3A_794 = arith.constant 16 : index
          %swap3A_795 = tpu.vector_load %arg9[%swap3A_793, %swap3A_794] {strides = array<i32>} : memref<336x64xf32, #tpu.memory_space<vmem>>, vector<1x16xf32>,
          %swap3A_796 = vector.shape_cast %swap3A_795 : vector<1x16xf32> to vector<16xf32>
          %swap3A_797 = vector.shape_cast %max3A_792 : vector<16xf32> to vector<1x16xf32>
          tpu.vector_store %arg9[%swap3A_793, %swap3A_794], %swap3A_797 {strides = array<i32>} : memref<336x64xf32, #tpu.memory_space<vmem>>, vector<1x16xf32>,
          %get3A_798 = arith.index_cast %select_n3A_493 : i32 to index
          %get3A_799 = arith.constant 32 : index
          %get3A_800 = tpu.vector_load %arg9[%get3A_798, %get3A_799] {strides = array<i32>} : memref<336x64xf32, #tpu.memory_space<vmem>>, vector<1x16xf32>,
          %get3A_801 = vector.shape_cast %get3A_800 : vector<1x16xf32> to vector<16xf32>
          %max3A_802 = arith.maximumf %get3A_801, %max3A_519 : vector<16xf32>
          %swap3A_803 = arith.index_cast %select_n3A_493 : i32 to index
          %swap3A_804 = arith.constant 32 : index
          %swap3A_805 = tpu.vector_load %arg9[%swap3A_803, %swap3A_804] {strides = array<i32>} : memref<336x64xf32, #tpu.memory_space<vmem>>, vector<1x16xf32>,
          %swap3A_806 = vector.shape_cast %swap3A_805 : vector<1x16xf32> to vector<16xf32>
          %swap3A_807 = vector.shape_cast %max3A_802 : vector<16xf32> to vector<1x16xf32>
          tpu.vector_store %arg9[%swap3A_803, %swap3A_804], %swap3A_807 {strides = array<i32>} : memref<336x64xf32, #tpu.memory_space<vmem>>, vector<1x16xf32>,
          %get3A_808 = arith.index_cast %select_n3A_493 : i32 to index
          %get3A_809 = arith.constant 48 : index
          %get3A_810 = tpu.vector_load %arg9[%get3A_808, %get3A_809] {strides = array<i32>} : memref<336x64xf32, #tpu.memory_space<vmem>>, vector<1x16xf32>,
          %get3A_811 = vector.shape_cast %get3A_810 : vector<1x16xf32> to vector<16xf32>
          %max3A_812 = arith.maximumf %get3A_811, %max3A_525 : vector<16xf32>
          %swap3A_813 = arith.index_cast %select_n3A_493 : i32 to index
          %swap3A_814 = arith.constant 48 : index
          %swap3A_815 = tpu.vector_load %arg9[%swap3A_813, %swap3A_814] {strides = array<i32>} : memref<336x64xf32, #tpu.memory_space<vmem>>, vector<1x16xf32>,
          %swap3A_816 = vector.shape_cast %swap3A_815 : vector<1x16xf32> to vector<16xf32>
          %swap3A_817 = vector.shape_cast %max3A_812 : vector<16xf32> to vector<1x16xf32>
          tpu.vector_store %arg9[%swap3A_813, %swap3A_814], %swap3A_817 {strides = array<i32>} : memref<336x64xf32, #tpu.memory_space<vmem>>, vector<1x16xf32>,
        } else {
        }
        %mul3A_540 = arith.constant 16 : i32
        %mul3A_541 = arith.muli %scan3A_99, %mul3A_540 : i32
        %add3A_542 = arith.constant 10 : i32
        %add3A_543 = arith.addi %mul3A_541, %add3A_542 : i32
        %select_n3A_544 = arith.select %ne3A_536, %broadcast_in_dim3A_33, %max3A_507 : vector<16xf32>
        %get3A_545 = arith.index_cast %add3A_543 : i32 to index
        %get3A_546 = arith.constant 0 : index
        %get3A_547 = tpu.vector_load %arg8[%get3A_545, %get3A_546] {strides = array<i32>} : memref<512x64xf32, #tpu.memory_space<vmem>>, vector<1x16xf32>,
        %get3A_548 = vector.shape_cast %get3A_547 : vector<1x16xf32> to vector<16xf32>
        %max3A_549 = arith.maximumf %select_n3A_544, %get3A_548 : vector<16xf32>
        %select_n3A_550 = arith.select %ne3A_536, %broadcast_in_dim3A_33, %max3A_513 : vector<16xf32>
        %get3A_551 = arith.index_cast %add3A_543 : i32 to index
        %get3A_552 = arith.constant 16 : index
        %get3A_553 = tpu.vector_load %arg8[%get3A_551, %get3A_552] {strides = array<i32>} : memref<512x64xf32, #tpu.memory_space<vmem>>, vector<1x16xf32>,
        %get3A_554 = vector.shape_cast %get3A_553 : vector<1x16xf32> to vector<16xf32>
        %max3A_555 = arith.maximumf %select_n3A_550, %get3A_554 : vector<16xf32>
        %select_n3A_556 = arith.select %ne3A_536, %broadcast_in_dim3A_33, %max3A_519 : vector<16xf32>
        %get3A_557 = arith.index_cast %add3A_543 : i32 to index
        %get3A_558 = arith.constant 32 : index
        %get3A_559 = tpu.vector_load %arg8[%get3A_557, %get3A_558] {strides = array<i32>} : memref<512x64xf32, #tpu.memory_space<vmem>>, vector<1x16xf32>,
        %get3A_560 = vector.shape_cast %get3A_559 : vector<1x16xf32> to vector<16xf32>
        %max3A_561 = arith.maximumf %select_n3A_556, %get3A_560 : vector<16xf32>
        %select_n3A_562 = arith.select %ne3A_536, %broadcast_in_dim3A_33, %max3A_525 : vector<16xf32>
        %get3A_563 = arith.index_cast %add3A_543 : i32 to index
        %get3A_564 = arith.constant 48 : index
        %get3A_565 = tpu.vector_load %arg8[%get3A_563, %get3A_564] {strides = array<i32>} : memref<512x64xf32, #tpu.memory_space<vmem>>, vector<1x16xf32>,
        %get3A_566 = vector.shape_cast %get3A_565 : vector<1x16xf32> to vector<16xf32>
        %max3A_567 = arith.maximumf %select_n3A_562, %get3A_566 : vector<16xf32>
        %slice3A_568 = vector.extract_strided_slice %get3A_109 {offsets = [11], sizes = [1], strides = [1]} : vector<16xi32> to vector<1xi32>
        %squeeze3A_569 = vector.extract %slice3A_568[0] : i32 from vector<1xi32>
        %sub3A_570 = arith.subi %squeeze3A_569, %mul3A_7 : i32
        %ge3A_571 = arith.constant 0 : i32
        %ge3A_572 = arith.cmpi sge, %sub3A_570, %ge3A_571 : i32
        %lt3A_573 = arith.constant 320 : i32
        %lt3A_574 = arith.cmpi slt, %sub3A_570, %lt3A_573 : i32
        %and3A_575 = arith.andi %ge3A_572, %lt3A_574 : i1
        %jit3A_576 = arith.constant 320 : i32
        %select_n3A_577 = arith.select %and3A_575, %sub3A_570, %jit3A_576 : i32
        %ne3A_578 = arith.cmpi ne, %select_n3A_577, %select_n3A_535 : i32
        %convert_element_type3A_579 = arith.extui %ne3A_578 : i1 to i32
        %cond3A_580 = arith.constant 0 : i32
        %cond3A_581 = arith.cmpi ne, %convert_element_type3A_579, %cond3A_580 : i32
        scf.if %cond3A_581 {
          %get3A_778 = arith.index_cast %select_n3A_535 : i32 to index
          %get3A_779 = arith.constant 0 : index
          %get3A_780 = tpu.vector_load %arg9[%get3A_778, %get3A_779] {strides = array<i32>} : memref<336x64xf32, #tpu.memory_space<vmem>>, vector<1x16xf32>,
          %get3A_781 = vector.shape_cast %get3A_780 : vector<1x16xf32> to vector<16xf32>
          %max3A_782 = arith.maximumf %get3A_781, %max3A_549 : vector<16xf32>
          %swap3A_783 = arith.index_cast %select_n3A_535 : i32 to index
          %swap3A_784 = arith.constant 0 : index
          %swap3A_785 = tpu.vector_load %arg9[%swap3A_783, %swap3A_784] {strides = array<i32>} : memref<336x64xf32, #tpu.memory_space<vmem>>, vector<1x16xf32>,
          %swap3A_786 = vector.shape_cast %swap3A_785 : vector<1x16xf32> to vector<16xf32>
          %swap3A_787 = vector.shape_cast %max3A_782 : vector<16xf32> to vector<1x16xf32>
          tpu.vector_store %arg9[%swap3A_783, %swap3A_784], %swap3A_787 {strides = array<i32>} : memref<336x64xf32, #tpu.memory_space<vmem>>, vector<1x16xf32>,
          %get3A_788 = arith.index_cast %select_n3A_535 : i32 to index
          %get3A_789 = arith.constant 16 : index
          %get3A_790 = tpu.vector_load %arg9[%get3A_788, %get3A_789] {strides = array<i32>} : memref<336x64xf32, #tpu.memory_space<vmem>>, vector<1x16xf32>,
          %get3A_791 = vector.shape_cast %get3A_790 : vector<1x16xf32> to vector<16xf32>
          %max3A_792 = arith.maximumf %get3A_791, %max3A_555 : vector<16xf32>
          %swap3A_793 = arith.index_cast %select_n3A_535 : i32 to index
          %swap3A_794 = arith.constant 16 : index
          %swap3A_795 = tpu.vector_load %arg9[%swap3A_793, %swap3A_794] {strides = array<i32>} : memref<336x64xf32, #tpu.memory_space<vmem>>, vector<1x16xf32>,
          %swap3A_796 = vector.shape_cast %swap3A_795 : vector<1x16xf32> to vector<16xf32>
          %swap3A_797 = vector.shape_cast %max3A_792 : vector<16xf32> to vector<1x16xf32>
          tpu.vector_store %arg9[%swap3A_793, %swap3A_794], %swap3A_797 {strides = array<i32>} : memref<336x64xf32, #tpu.memory_space<vmem>>, vector<1x16xf32>,
          %get3A_798 = arith.index_cast %select_n3A_535 : i32 to index
          %get3A_799 = arith.constant 32 : index
          %get3A_800 = tpu.vector_load %arg9[%get3A_798, %get3A_799] {strides = array<i32>} : memref<336x64xf32, #tpu.memory_space<vmem>>, vector<1x16xf32>,
          %get3A_801 = vector.shape_cast %get3A_800 : vector<1x16xf32> to vector<16xf32>
          %max3A_802 = arith.maximumf %get3A_801, %max3A_561 : vector<16xf32>
          %swap3A_803 = arith.index_cast %select_n3A_535 : i32 to index
          %swap3A_804 = arith.constant 32 : index
          %swap3A_805 = tpu.vector_load %arg9[%swap3A_803, %swap3A_804] {strides = array<i32>} : memref<336x64xf32, #tpu.memory_space<vmem>>, vector<1x16xf32>,
          %swap3A_806 = vector.shape_cast %swap3A_805 : vector<1x16xf32> to vector<16xf32>
          %swap3A_807 = vector.shape_cast %max3A_802 : vector<16xf32> to vector<1x16xf32>
          tpu.vector_store %arg9[%swap3A_803, %swap3A_804], %swap3A_807 {strides = array<i32>} : memref<336x64xf32, #tpu.memory_space<vmem>>, vector<1x16xf32>,
          %get3A_808 = arith.index_cast %select_n3A_535 : i32 to index
          %get3A_809 = arith.constant 48 : index
          %get3A_810 = tpu.vector_load %arg9[%get3A_808, %get3A_809] {strides = array<i32>} : memref<336x64xf32, #tpu.memory_space<vmem>>, vector<1x16xf32>,
          %get3A_811 = vector.shape_cast %get3A_810 : vector<1x16xf32> to vector<16xf32>
          %max3A_812 = arith.maximumf %get3A_811, %max3A_567 : vector<16xf32>
          %swap3A_813 = arith.index_cast %select_n3A_535 : i32 to index
          %swap3A_814 = arith.constant 48 : index
          %swap3A_815 = tpu.vector_load %arg9[%swap3A_813, %swap3A_814] {strides = array<i32>} : memref<336x64xf32, #tpu.memory_space<vmem>>, vector<1x16xf32>,
          %swap3A_816 = vector.shape_cast %swap3A_815 : vector<1x16xf32> to vector<16xf32>
          %swap3A_817 = vector.shape_cast %max3A_812 : vector<16xf32> to vector<1x16xf32>
          tpu.vector_store %arg9[%swap3A_813, %swap3A_814], %swap3A_817 {strides = array<i32>} : memref<336x64xf32, #tpu.memory_space<vmem>>, vector<1x16xf32>,
        } else {
        }
        %mul3A_582 = arith.constant 16 : i32
        %mul3A_583 = arith.muli %scan3A_99, %mul3A_582 : i32
        %add3A_584 = arith.constant 11 : i32
        %add3A_585 = arith.addi %mul3A_583, %add3A_584 : i32
        %select_n3A_586 = arith.select %ne3A_578, %broadcast_in_dim3A_33, %max3A_549 : vector<16xf32>
        %get3A_587 = arith.index_cast %add3A_585 : i32 to index
        %get3A_588 = arith.constant 0 : index
        %get3A_589 = tpu.vector_load %arg8[%get3A_587, %get3A_588] {strides = array<i32>} : memref<512x64xf32, #tpu.memory_space<vmem>>, vector<1x16xf32>,
        %get3A_590 = vector.shape_cast %get3A_589 : vector<1x16xf32> to vector<16xf32>
        %max3A_591 = arith.maximumf %select_n3A_586, %get3A_590 : vector<16xf32>
        %select_n3A_592 = arith.select %ne3A_578, %broadcast_in_dim3A_33, %max3A_555 : vector<16xf32>
        %get3A_593 = arith.index_cast %add3A_585 : i32 to index
        %get3A_594 = arith.constant 16 : index
        %get3A_595 = tpu.vector_load %arg8[%get3A_593, %get3A_594] {strides = array<i32>} : memref<512x64xf32, #tpu.memory_space<vmem>>, vector<1x16xf32>,
        %get3A_596 = vector.shape_cast %get3A_595 : vector<1x16xf32> to vector<16xf32>
        %max3A_597 = arith.maximumf %select_n3A_592, %get3A_596 : vector<16xf32>
        %select_n3A_598 = arith.select %ne3A_578, %broadcast_in_dim3A_33, %max3A_561 : vector<16xf32>
        %get3A_599 = arith.index_cast %add3A_585 : i32 to index
        %get3A_600 = arith.constant 32 : index
        %get3A_601 = tpu.vector_load %arg8[%get3A_599, %get3A_600] {strides = array<i32>} : memref<512x64xf32, #tpu.memory_space<vmem>>, vector<1x16xf32>,
        %get3A_602 = vector.shape_cast %get3A_601 : vector<1x16xf32> to vector<16xf32>
        %max3A_603 = arith.maximumf %select_n3A_598, %get3A_602 : vector<16xf32>
        %select_n3A_604 = arith.select %ne3A_578, %broadcast_in_dim3A_33, %max3A_567 : vector<16xf32>
        %get3A_605 = arith.index_cast %add3A_585 : i32 to index
        %get3A_606 = arith.constant 48 : index
        %get3A_607 = tpu.vector_load %arg8[%get3A_605, %get3A_606] {strides = array<i32>} : memref<512x64xf32, #tpu.memory_space<vmem>>, vector<1x16xf32>,
        %get3A_608 = vector.shape_cast %get3A_607 : vector<1x16xf32> to vector<16xf32>
        %max3A_609 = arith.maximumf %select_n3A_604, %get3A_608 : vector<16xf32>
        %slice3A_610 = vector.extract_strided_slice %get3A_109 {offsets = [12], sizes = [1], strides = [1]} : vector<16xi32> to vector<1xi32>
        %squeeze3A_611 = vector.extract %slice3A_610[0] : i32 from vector<1xi32>
        %sub3A_612 = arith.subi %squeeze3A_611, %mul3A_7 : i32
        %ge3A_613 = arith.constant 0 : i32
        %ge3A_614 = arith.cmpi sge, %sub3A_612, %ge3A_613 : i32
        %lt3A_615 = arith.constant 320 : i32
        %lt3A_616 = arith.cmpi slt, %sub3A_612, %lt3A_615 : i32
        %and3A_617 = arith.andi %ge3A_614, %lt3A_616 : i1
        %jit3A_618 = arith.constant 320 : i32
        %select_n3A_619 = arith.select %and3A_617, %sub3A_612, %jit3A_618 : i32
        %ne3A_620 = arith.cmpi ne, %select_n3A_619, %select_n3A_577 : i32
        %convert_element_type3A_621 = arith.extui %ne3A_620 : i1 to i32
        %cond3A_622 = arith.constant 0 : i32
        %cond3A_623 = arith.cmpi ne, %convert_element_type3A_621, %cond3A_622 : i32
        scf.if %cond3A_623 {
          %get3A_778 = arith.index_cast %select_n3A_577 : i32 to index
          %get3A_779 = arith.constant 0 : index
          %get3A_780 = tpu.vector_load %arg9[%get3A_778, %get3A_779] {strides = array<i32>} : memref<336x64xf32, #tpu.memory_space<vmem>>, vector<1x16xf32>,
          %get3A_781 = vector.shape_cast %get3A_780 : vector<1x16xf32> to vector<16xf32>
          %max3A_782 = arith.maximumf %get3A_781, %max3A_591 : vector<16xf32>
          %swap3A_783 = arith.index_cast %select_n3A_577 : i32 to index
          %swap3A_784 = arith.constant 0 : index
          %swap3A_785 = tpu.vector_load %arg9[%swap3A_783, %swap3A_784] {strides = array<i32>} : memref<336x64xf32, #tpu.memory_space<vmem>>, vector<1x16xf32>,
          %swap3A_786 = vector.shape_cast %swap3A_785 : vector<1x16xf32> to vector<16xf32>
          %swap3A_787 = vector.shape_cast %max3A_782 : vector<16xf32> to vector<1x16xf32>
          tpu.vector_store %arg9[%swap3A_783, %swap3A_784], %swap3A_787 {strides = array<i32>} : memref<336x64xf32, #tpu.memory_space<vmem>>, vector<1x16xf32>,
          %get3A_788 = arith.index_cast %select_n3A_577 : i32 to index
          %get3A_789 = arith.constant 16 : index
          %get3A_790 = tpu.vector_load %arg9[%get3A_788, %get3A_789] {strides = array<i32>} : memref<336x64xf32, #tpu.memory_space<vmem>>, vector<1x16xf32>,
          %get3A_791 = vector.shape_cast %get3A_790 : vector<1x16xf32> to vector<16xf32>
          %max3A_792 = arith.maximumf %get3A_791, %max3A_597 : vector<16xf32>
          %swap3A_793 = arith.index_cast %select_n3A_577 : i32 to index
          %swap3A_794 = arith.constant 16 : index
          %swap3A_795 = tpu.vector_load %arg9[%swap3A_793, %swap3A_794] {strides = array<i32>} : memref<336x64xf32, #tpu.memory_space<vmem>>, vector<1x16xf32>,
          %swap3A_796 = vector.shape_cast %swap3A_795 : vector<1x16xf32> to vector<16xf32>
          %swap3A_797 = vector.shape_cast %max3A_792 : vector<16xf32> to vector<1x16xf32>
          tpu.vector_store %arg9[%swap3A_793, %swap3A_794], %swap3A_797 {strides = array<i32>} : memref<336x64xf32, #tpu.memory_space<vmem>>, vector<1x16xf32>,
          %get3A_798 = arith.index_cast %select_n3A_577 : i32 to index
          %get3A_799 = arith.constant 32 : index
          %get3A_800 = tpu.vector_load %arg9[%get3A_798, %get3A_799] {strides = array<i32>} : memref<336x64xf32, #tpu.memory_space<vmem>>, vector<1x16xf32>,
          %get3A_801 = vector.shape_cast %get3A_800 : vector<1x16xf32> to vector<16xf32>
          %max3A_802 = arith.maximumf %get3A_801, %max3A_603 : vector<16xf32>
          %swap3A_803 = arith.index_cast %select_n3A_577 : i32 to index
          %swap3A_804 = arith.constant 32 : index
          %swap3A_805 = tpu.vector_load %arg9[%swap3A_803, %swap3A_804] {strides = array<i32>} : memref<336x64xf32, #tpu.memory_space<vmem>>, vector<1x16xf32>,
          %swap3A_806 = vector.shape_cast %swap3A_805 : vector<1x16xf32> to vector<16xf32>
          %swap3A_807 = vector.shape_cast %max3A_802 : vector<16xf32> to vector<1x16xf32>
          tpu.vector_store %arg9[%swap3A_803, %swap3A_804], %swap3A_807 {strides = array<i32>} : memref<336x64xf32, #tpu.memory_space<vmem>>, vector<1x16xf32>,
          %get3A_808 = arith.index_cast %select_n3A_577 : i32 to index
          %get3A_809 = arith.constant 48 : index
          %get3A_810 = tpu.vector_load %arg9[%get3A_808, %get3A_809] {strides = array<i32>} : memref<336x64xf32, #tpu.memory_space<vmem>>, vector<1x16xf32>,
          %get3A_811 = vector.shape_cast %get3A_810 : vector<1x16xf32> to vector<16xf32>
          %max3A_812 = arith.maximumf %get3A_811, %max3A_609 : vector<16xf32>
          %swap3A_813 = arith.index_cast %select_n3A_577 : i32 to index
          %swap3A_814 = arith.constant 48 : index
          %swap3A_815 = tpu.vector_load %arg9[%swap3A_813, %swap3A_814] {strides = array<i32>} : memref<336x64xf32, #tpu.memory_space<vmem>>, vector<1x16xf32>,
          %swap3A_816 = vector.shape_cast %swap3A_815 : vector<1x16xf32> to vector<16xf32>
          %swap3A_817 = vector.shape_cast %max3A_812 : vector<16xf32> to vector<1x16xf32>
          tpu.vector_store %arg9[%swap3A_813, %swap3A_814], %swap3A_817 {strides = array<i32>} : memref<336x64xf32, #tpu.memory_space<vmem>>, vector<1x16xf32>,
        } else {
        }
        %mul3A_624 = arith.constant 16 : i32
        %mul3A_625 = arith.muli %scan3A_99, %mul3A_624 : i32
        %add3A_626 = arith.constant 12 : i32
        %add3A_627 = arith.addi %mul3A_625, %add3A_626 : i32
        %select_n3A_628 = arith.select %ne3A_620, %broadcast_in_dim3A_33, %max3A_591 : vector<16xf32>
        %get3A_629 = arith.index_cast %add3A_627 : i32 to index
        %get3A_630 = arith.constant 0 : index
        %get3A_631 = tpu.vector_load %arg8[%get3A_629, %get3A_630] {strides = array<i32>} : memref<512x64xf32, #tpu.memory_space<vmem>>, vector<1x16xf32>,
        %get3A_632 = vector.shape_cast %get3A_631 : vector<1x16xf32> to vector<16xf32>
        %max3A_633 = arith.maximumf %select_n3A_628, %get3A_632 : vector<16xf32>
        %select_n3A_634 = arith.select %ne3A_620, %broadcast_in_dim3A_33, %max3A_597 : vector<16xf32>
        %get3A_635 = arith.index_cast %add3A_627 : i32 to index
        %get3A_636 = arith.constant 16 : index
        %get3A_637 = tpu.vector_load %arg8[%get3A_635, %get3A_636] {strides = array<i32>} : memref<512x64xf32, #tpu.memory_space<vmem>>, vector<1x16xf32>,
        %get3A_638 = vector.shape_cast %get3A_637 : vector<1x16xf32> to vector<16xf32>
        %max3A_639 = arith.maximumf %select_n3A_634, %get3A_638 : vector<16xf32>
        %select_n3A_640 = arith.select %ne3A_620, %broadcast_in_dim3A_33, %max3A_603 : vector<16xf32>
        %get3A_641 = arith.index_cast %add3A_627 : i32 to index
        %get3A_642 = arith.constant 32 : index
        %get3A_643 = tpu.vector_load %arg8[%get3A_641, %get3A_642] {strides = array<i32>} : memref<512x64xf32, #tpu.memory_space<vmem>>, vector<1x16xf32>,
        %get3A_644 = vector.shape_cast %get3A_643 : vector<1x16xf32> to vector<16xf32>
        %max3A_645 = arith.maximumf %select_n3A_640, %get3A_644 : vector<16xf32>
        %select_n3A_646 = arith.select %ne3A_620, %broadcast_in_dim3A_33, %max3A_609 : vector<16xf32>
        %get3A_647 = arith.index_cast %add3A_627 : i32 to index
        %get3A_648 = arith.constant 48 : index
        %get3A_649 = tpu.vector_load %arg8[%get3A_647, %get3A_648] {strides = array<i32>} : memref<512x64xf32, #tpu.memory_space<vmem>>, vector<1x16xf32>,
        %get3A_650 = vector.shape_cast %get3A_649 : vector<1x16xf32> to vector<16xf32>
        %max3A_651 = arith.maximumf %select_n3A_646, %get3A_650 : vector<16xf32>
        %slice3A_652 = vector.extract_strided_slice %get3A_109 {offsets = [13], sizes = [1], strides = [1]} : vector<16xi32> to vector<1xi32>
        %squeeze3A_653 = vector.extract %slice3A_652[0] : i32 from vector<1xi32>
        %sub3A_654 = arith.subi %squeeze3A_653, %mul3A_7 : i32
        %ge3A_655 = arith.constant 0 : i32
        %ge3A_656 = arith.cmpi sge, %sub3A_654, %ge3A_655 : i32
        %lt3A_657 = arith.constant 320 : i32
        %lt3A_658 = arith.cmpi slt, %sub3A_654, %lt3A_657 : i32
        %and3A_659 = arith.andi %ge3A_656, %lt3A_658 : i1
        %jit3A_660 = arith.constant 320 : i32
        %select_n3A_661 = arith.select %and3A_659, %sub3A_654, %jit3A_660 : i32
        %ne3A_662 = arith.cmpi ne, %select_n3A_661, %select_n3A_619 : i32
        %convert_element_type3A_663 = arith.extui %ne3A_662 : i1 to i32
        %cond3A_664 = arith.constant 0 : i32
        %cond3A_665 = arith.cmpi ne, %convert_element_type3A_663, %cond3A_664 : i32
        scf.if %cond3A_665 {
          %get3A_778 = arith.index_cast %select_n3A_619 : i32 to index
          %get3A_779 = arith.constant 0 : index
          %get3A_780 = tpu.vector_load %arg9[%get3A_778, %get3A_779] {strides = array<i32>} : memref<336x64xf32, #tpu.memory_space<vmem>>, vector<1x16xf32>,
          %get3A_781 = vector.shape_cast %get3A_780 : vector<1x16xf32> to vector<16xf32>
          %max3A_782 = arith.maximumf %get3A_781, %max3A_633 : vector<16xf32>
          %swap3A_783 = arith.index_cast %select_n3A_619 : i32 to index
          %swap3A_784 = arith.constant 0 : index
          %swap3A_785 = tpu.vector_load %arg9[%swap3A_783, %swap3A_784] {strides = array<i32>} : memref<336x64xf32, #tpu.memory_space<vmem>>, vector<1x16xf32>,
          %swap3A_786 = vector.shape_cast %swap3A_785 : vector<1x16xf32> to vector<16xf32>
          %swap3A_787 = vector.shape_cast %max3A_782 : vector<16xf32> to vector<1x16xf32>
          tpu.vector_store %arg9[%swap3A_783, %swap3A_784], %swap3A_787 {strides = array<i32>} : memref<336x64xf32, #tpu.memory_space<vmem>>, vector<1x16xf32>,
          %get3A_788 = arith.index_cast %select_n3A_619 : i32 to index
          %get3A_789 = arith.constant 16 : index
          %get3A_790 = tpu.vector_load %arg9[%get3A_788, %get3A_789] {strides = array<i32>} : memref<336x64xf32, #tpu.memory_space<vmem>>, vector<1x16xf32>,
          %get3A_791 = vector.shape_cast %get3A_790 : vector<1x16xf32> to vector<16xf32>
          %max3A_792 = arith.maximumf %get3A_791, %max3A_639 : vector<16xf32>
          %swap3A_793 = arith.index_cast %select_n3A_619 : i32 to index
          %swap3A_794 = arith.constant 16 : index
          %swap3A_795 = tpu.vector_load %arg9[%swap3A_793, %swap3A_794] {strides = array<i32>} : memref<336x64xf32, #tpu.memory_space<vmem>>, vector<1x16xf32>,
          %swap3A_796 = vector.shape_cast %swap3A_795 : vector<1x16xf32> to vector<16xf32>
          %swap3A_797 = vector.shape_cast %max3A_792 : vector<16xf32> to vector<1x16xf32>
          tpu.vector_store %arg9[%swap3A_793, %swap3A_794], %swap3A_797 {strides = array<i32>} : memref<336x64xf32, #tpu.memory_space<vmem>>, vector<1x16xf32>,
          %get3A_798 = arith.index_cast %select_n3A_619 : i32 to index
          %get3A_799 = arith.constant 32 : index
          %get3A_800 = tpu.vector_load %arg9[%get3A_798, %get3A_799] {strides = array<i32>} : memref<336x64xf32, #tpu.memory_space<vmem>>, vector<1x16xf32>,
          %get3A_801 = vector.shape_cast %get3A_800 : vector<1x16xf32> to vector<16xf32>
          %max3A_802 = arith.maximumf %get3A_801, %max3A_645 : vector<16xf32>
          %swap3A_803 = arith.index_cast %select_n3A_619 : i32 to index
          %swap3A_804 = arith.constant 32 : index
          %swap3A_805 = tpu.vector_load %arg9[%swap3A_803, %swap3A_804] {strides = array<i32>} : memref<336x64xf32, #tpu.memory_space<vmem>>, vector<1x16xf32>,
          %swap3A_806 = vector.shape_cast %swap3A_805 : vector<1x16xf32> to vector<16xf32>
          %swap3A_807 = vector.shape_cast %max3A_802 : vector<16xf32> to vector<1x16xf32>
          tpu.vector_store %arg9[%swap3A_803, %swap3A_804], %swap3A_807 {strides = array<i32>} : memref<336x64xf32, #tpu.memory_space<vmem>>, vector<1x16xf32>,
          %get3A_808 = arith.index_cast %select_n3A_619 : i32 to index
          %get3A_809 = arith.constant 48 : index
          %get3A_810 = tpu.vector_load %arg9[%get3A_808, %get3A_809] {strides = array<i32>} : memref<336x64xf32, #tpu.memory_space<vmem>>, vector<1x16xf32>,
          %get3A_811 = vector.shape_cast %get3A_810 : vector<1x16xf32> to vector<16xf32>
          %max3A_812 = arith.maximumf %get3A_811, %max3A_651 : vector<16xf32>
          %swap3A_813 = arith.index_cast %select_n3A_619 : i32 to index
          %swap3A_814 = arith.constant 48 : index
          %swap3A_815 = tpu.vector_load %arg9[%swap3A_813, %swap3A_814] {strides = array<i32>} : memref<336x64xf32, #tpu.memory_space<vmem>>, vector<1x16xf32>,
          %swap3A_816 = vector.shape_cast %swap3A_815 : vector<1x16xf32> to vector<16xf32>
          %swap3A_817 = vector.shape_cast %max3A_812 : vector<16xf32> to vector<1x16xf32>
          tpu.vector_store %arg9[%swap3A_813, %swap3A_814], %swap3A_817 {strides = array<i32>} : memref<336x64xf32, #tpu.memory_space<vmem>>, vector<1x16xf32>,
        } else {
        }
        %mul3A_666 = arith.constant 16 : i32
        %mul3A_667 = arith.muli %scan3A_99, %mul3A_666 : i32
        %add3A_668 = arith.constant 13 : i32
        %add3A_669 = arith.addi %mul3A_667, %add3A_668 : i32
        %select_n3A_670 = arith.select %ne3A_662, %broadcast_in_dim3A_33, %max3A_633 : vector<16xf32>
        %get3A_671 = arith.index_cast %add3A_669 : i32 to index
        %get3A_672 = arith.constant 0 : index
        %get3A_673 = tpu.vector_load %arg8[%get3A_671, %get3A_672] {strides = array<i32>} : memref<512x64xf32, #tpu.memory_space<vmem>>, vector<1x16xf32>,
        %get3A_674 = vector.shape_cast %get3A_673 : vector<1x16xf32> to vector<16xf32>
        %max3A_675 = arith.maximumf %select_n3A_670, %get3A_674 : vector<16xf32>
        %select_n3A_676 = arith.select %ne3A_662, %broadcast_in_dim3A_33, %max3A_639 : vector<16xf32>
        %get3A_677 = arith.index_cast %add3A_669 : i32 to index
        %get3A_678 = arith.constant 16 : index
        %get3A_679 = tpu.vector_load %arg8[%get3A_677, %get3A_678] {strides = array<i32>} : memref<512x64xf32, #tpu.memory_space<vmem>>, vector<1x16xf32>,
        %get3A_680 = vector.shape_cast %get3A_679 : vector<1x16xf32> to vector<16xf32>
        %max3A_681 = arith.maximumf %select_n3A_676, %get3A_680 : vector<16xf32>
        %select_n3A_682 = arith.select %ne3A_662, %broadcast_in_dim3A_33, %max3A_645 : vector<16xf32>
        %get3A_683 = arith.index_cast %add3A_669 : i32 to index
        %get3A_684 = arith.constant 32 : index
        %get3A_685 = tpu.vector_load %arg8[%get3A_683, %get3A_684] {strides = array<i32>} : memref<512x64xf32, #tpu.memory_space<vmem>>, vector<1x16xf32>,
        %get3A_686 = vector.shape_cast %get3A_685 : vector<1x16xf32> to vector<16xf32>
        %max3A_687 = arith.maximumf %select_n3A_682, %get3A_686 : vector<16xf32>
        %select_n3A_688 = arith.select %ne3A_662, %broadcast_in_dim3A_33, %max3A_651 : vector<16xf32>
        %get3A_689 = arith.index_cast %add3A_669 : i32 to index
        %get3A_690 = arith.constant 48 : index
        %get3A_691 = tpu.vector_load %arg8[%get3A_689, %get3A_690] {strides = array<i32>} : memref<512x64xf32, #tpu.memory_space<vmem>>, vector<1x16xf32>,
        %get3A_692 = vector.shape_cast %get3A_691 : vector<1x16xf32> to vector<16xf32>
        %max3A_693 = arith.maximumf %select_n3A_688, %get3A_692 : vector<16xf32>
        %slice3A_694 = vector.extract_strided_slice %get3A_109 {offsets = [14], sizes = [1], strides = [1]} : vector<16xi32> to vector<1xi32>
        %squeeze3A_695 = vector.extract %slice3A_694[0] : i32 from vector<1xi32>
        %sub3A_696 = arith.subi %squeeze3A_695, %mul3A_7 : i32
        %ge3A_697 = arith.constant 0 : i32
        %ge3A_698 = arith.cmpi sge, %sub3A_696, %ge3A_697 : i32
        %lt3A_699 = arith.constant 320 : i32
        %lt3A_700 = arith.cmpi slt, %sub3A_696, %lt3A_699 : i32
        %and3A_701 = arith.andi %ge3A_698, %lt3A_700 : i1
        %jit3A_702 = arith.constant 320 : i32
        %select_n3A_703 = arith.select %and3A_701, %sub3A_696, %jit3A_702 : i32
        %ne3A_704 = arith.cmpi ne, %select_n3A_703, %select_n3A_661 : i32
        %convert_element_type3A_705 = arith.extui %ne3A_704 : i1 to i32
        %cond3A_706 = arith.constant 0 : i32
        %cond3A_707 = arith.cmpi ne, %convert_element_type3A_705, %cond3A_706 : i32
        scf.if %cond3A_707 {
          %get3A_778 = arith.index_cast %select_n3A_661 : i32 to index
          %get3A_779 = arith.constant 0 : index
          %get3A_780 = tpu.vector_load %arg9[%get3A_778, %get3A_779] {strides = array<i32>} : memref<336x64xf32, #tpu.memory_space<vmem>>, vector<1x16xf32>,
          %get3A_781 = vector.shape_cast %get3A_780 : vector<1x16xf32> to vector<16xf32>
          %max3A_782 = arith.maximumf %get3A_781, %max3A_675 : vector<16xf32>
          %swap3A_783 = arith.index_cast %select_n3A_661 : i32 to index
          %swap3A_784 = arith.constant 0 : index
          %swap3A_785 = tpu.vector_load %arg9[%swap3A_783, %swap3A_784] {strides = array<i32>} : memref<336x64xf32, #tpu.memory_space<vmem>>, vector<1x16xf32>,
          %swap3A_786 = vector.shape_cast %swap3A_785 : vector<1x16xf32> to vector<16xf32>
          %swap3A_787 = vector.shape_cast %max3A_782 : vector<16xf32> to vector<1x16xf32>
          tpu.vector_store %arg9[%swap3A_783, %swap3A_784], %swap3A_787 {strides = array<i32>} : memref<336x64xf32, #tpu.memory_space<vmem>>, vector<1x16xf32>,
          %get3A_788 = arith.index_cast %select_n3A_661 : i32 to index
          %get3A_789 = arith.constant 16 : index
          %get3A_790 = tpu.vector_load %arg9[%get3A_788, %get3A_789] {strides = array<i32>} : memref<336x64xf32, #tpu.memory_space<vmem>>, vector<1x16xf32>,
          %get3A_791 = vector.shape_cast %get3A_790 : vector<1x16xf32> to vector<16xf32>
          %max3A_792 = arith.maximumf %get3A_791, %max3A_681 : vector<16xf32>
          %swap3A_793 = arith.index_cast %select_n3A_661 : i32 to index
          %swap3A_794 = arith.constant 16 : index
          %swap3A_795 = tpu.vector_load %arg9[%swap3A_793, %swap3A_794] {strides = array<i32>} : memref<336x64xf32, #tpu.memory_space<vmem>>, vector<1x16xf32>,
          %swap3A_796 = vector.shape_cast %swap3A_795 : vector<1x16xf32> to vector<16xf32>
          %swap3A_797 = vector.shape_cast %max3A_792 : vector<16xf32> to vector<1x16xf32>
          tpu.vector_store %arg9[%swap3A_793, %swap3A_794], %swap3A_797 {strides = array<i32>} : memref<336x64xf32, #tpu.memory_space<vmem>>, vector<1x16xf32>,
          %get3A_798 = arith.index_cast %select_n3A_661 : i32 to index
          %get3A_799 = arith.constant 32 : index
          %get3A_800 = tpu.vector_load %arg9[%get3A_798, %get3A_799] {strides = array<i32>} : memref<336x64xf32, #tpu.memory_space<vmem>>, vector<1x16xf32>,
          %get3A_801 = vector.shape_cast %get3A_800 : vector<1x16xf32> to vector<16xf32>
          %max3A_802 = arith.maximumf %get3A_801, %max3A_687 : vector<16xf32>
          %swap3A_803 = arith.index_cast %select_n3A_661 : i32 to index
          %swap3A_804 = arith.constant 32 : index
          %swap3A_805 = tpu.vector_load %arg9[%swap3A_803, %swap3A_804] {strides = array<i32>} : memref<336x64xf32, #tpu.memory_space<vmem>>, vector<1x16xf32>,
          %swap3A_806 = vector.shape_cast %swap3A_805 : vector<1x16xf32> to vector<16xf32>
          %swap3A_807 = vector.shape_cast %max3A_802 : vector<16xf32> to vector<1x16xf32>
          tpu.vector_store %arg9[%swap3A_803, %swap3A_804], %swap3A_807 {strides = array<i32>} : memref<336x64xf32, #tpu.memory_space<vmem>>, vector<1x16xf32>,
          %get3A_808 = arith.index_cast %select_n3A_661 : i32 to index
          %get3A_809 = arith.constant 48 : index
          %get3A_810 = tpu.vector_load %arg9[%get3A_808, %get3A_809] {strides = array<i32>} : memref<336x64xf32, #tpu.memory_space<vmem>>, vector<1x16xf32>,
          %get3A_811 = vector.shape_cast %get3A_810 : vector<1x16xf32> to vector<16xf32>
          %max3A_812 = arith.maximumf %get3A_811, %max3A_693 : vector<16xf32>
          %swap3A_813 = arith.index_cast %select_n3A_661 : i32 to index
          %swap3A_814 = arith.constant 48 : index
          %swap3A_815 = tpu.vector_load %arg9[%swap3A_813, %swap3A_814] {strides = array<i32>} : memref<336x64xf32, #tpu.memory_space<vmem>>, vector<1x16xf32>,
          %swap3A_816 = vector.shape_cast %swap3A_815 : vector<1x16xf32> to vector<16xf32>
          %swap3A_817 = vector.shape_cast %max3A_812 : vector<16xf32> to vector<1x16xf32>
          tpu.vector_store %arg9[%swap3A_813, %swap3A_814], %swap3A_817 {strides = array<i32>} : memref<336x64xf32, #tpu.memory_space<vmem>>, vector<1x16xf32>,
        } else {
        }
        %mul3A_708 = arith.constant 16 : i32
        %mul3A_709 = arith.muli %scan3A_99, %mul3A_708 : i32
        %add3A_710 = arith.constant 14 : i32
        %add3A_711 = arith.addi %mul3A_709, %add3A_710 : i32
        %select_n3A_712 = arith.select %ne3A_704, %broadcast_in_dim3A_33, %max3A_675 : vector<16xf32>
        %get3A_713 = arith.index_cast %add3A_711 : i32 to index
        %get3A_714 = arith.constant 0 : index
        %get3A_715 = tpu.vector_load %arg8[%get3A_713, %get3A_714] {strides = array<i32>} : memref<512x64xf32, #tpu.memory_space<vmem>>, vector<1x16xf32>,
        %get3A_716 = vector.shape_cast %get3A_715 : vector<1x16xf32> to vector<16xf32>
        %max3A_717 = arith.maximumf %select_n3A_712, %get3A_716 : vector<16xf32>
        %select_n3A_718 = arith.select %ne3A_704, %broadcast_in_dim3A_33, %max3A_681 : vector<16xf32>
        %get3A_719 = arith.index_cast %add3A_711 : i32 to index
        %get3A_720 = arith.constant 16 : index
        %get3A_721 = tpu.vector_load %arg8[%get3A_719, %get3A_720] {strides = array<i32>} : memref<512x64xf32, #tpu.memory_space<vmem>>, vector<1x16xf32>,
        %get3A_722 = vector.shape_cast %get3A_721 : vector<1x16xf32> to vector<16xf32>
        %max3A_723 = arith.maximumf %select_n3A_718, %get3A_722 : vector<16xf32>
        %select_n3A_724 = arith.select %ne3A_704, %broadcast_in_dim3A_33, %max3A_687 : vector<16xf32>
        %get3A_725 = arith.index_cast %add3A_711 : i32 to index
        %get3A_726 = arith.constant 32 : index
        %get3A_727 = tpu.vector_load %arg8[%get3A_725, %get3A_726] {strides = array<i32>} : memref<512x64xf32, #tpu.memory_space<vmem>>, vector<1x16xf32>,
        %get3A_728 = vector.shape_cast %get3A_727 : vector<1x16xf32> to vector<16xf32>
        %max3A_729 = arith.maximumf %select_n3A_724, %get3A_728 : vector<16xf32>
        %select_n3A_730 = arith.select %ne3A_704, %broadcast_in_dim3A_33, %max3A_693 : vector<16xf32>
        %get3A_731 = arith.index_cast %add3A_711 : i32 to index
        %get3A_732 = arith.constant 48 : index
        %get3A_733 = tpu.vector_load %arg8[%get3A_731, %get3A_732] {strides = array<i32>} : memref<512x64xf32, #tpu.memory_space<vmem>>, vector<1x16xf32>,
        %get3A_734 = vector.shape_cast %get3A_733 : vector<1x16xf32> to vector<16xf32>
        %max3A_735 = arith.maximumf %select_n3A_730, %get3A_734 : vector<16xf32>
        %slice3A_736 = vector.extract_strided_slice %get3A_109 {offsets = [15], sizes = [1], strides = [1]} : vector<16xi32> to vector<1xi32>
        %squeeze3A_737 = vector.extract %slice3A_736[0] : i32 from vector<1xi32>
        %sub3A_738 = arith.subi %squeeze3A_737, %mul3A_7 : i32
        %ge3A_739 = arith.constant 0 : i32
        %ge3A_740 = arith.cmpi sge, %sub3A_738, %ge3A_739 : i32
        %lt3A_741 = arith.constant 320 : i32
        %lt3A_742 = arith.cmpi slt, %sub3A_738, %lt3A_741 : i32
        %and3A_743 = arith.andi %ge3A_740, %lt3A_742 : i1
        %jit3A_744 = arith.constant 320 : i32
        %select_n3A_745 = arith.select %and3A_743, %sub3A_738, %jit3A_744 : i32
        %ne3A_746 = arith.cmpi ne, %select_n3A_745, %select_n3A_703 : i32
        %convert_element_type3A_747 = arith.extui %ne3A_746 : i1 to i32
        %cond3A_748 = arith.constant 0 : i32
        %cond3A_749 = arith.cmpi ne, %convert_element_type3A_747, %cond3A_748 : i32
        scf.if %cond3A_749 {
          %get3A_778 = arith.index_cast %select_n3A_703 : i32 to index
          %get3A_779 = arith.constant 0 : index
          %get3A_780 = tpu.vector_load %arg9[%get3A_778, %get3A_779] {strides = array<i32>} : memref<336x64xf32, #tpu.memory_space<vmem>>, vector<1x16xf32>,
          %get3A_781 = vector.shape_cast %get3A_780 : vector<1x16xf32> to vector<16xf32>
          %max3A_782 = arith.maximumf %get3A_781, %max3A_717 : vector<16xf32>
          %swap3A_783 = arith.index_cast %select_n3A_703 : i32 to index
          %swap3A_784 = arith.constant 0 : index
          %swap3A_785 = tpu.vector_load %arg9[%swap3A_783, %swap3A_784] {strides = array<i32>} : memref<336x64xf32, #tpu.memory_space<vmem>>, vector<1x16xf32>,
          %swap3A_786 = vector.shape_cast %swap3A_785 : vector<1x16xf32> to vector<16xf32>
          %swap3A_787 = vector.shape_cast %max3A_782 : vector<16xf32> to vector<1x16xf32>
          tpu.vector_store %arg9[%swap3A_783, %swap3A_784], %swap3A_787 {strides = array<i32>} : memref<336x64xf32, #tpu.memory_space<vmem>>, vector<1x16xf32>,
          %get3A_788 = arith.index_cast %select_n3A_703 : i32 to index
          %get3A_789 = arith.constant 16 : index
          %get3A_790 = tpu.vector_load %arg9[%get3A_788, %get3A_789] {strides = array<i32>} : memref<336x64xf32, #tpu.memory_space<vmem>>, vector<1x16xf32>,
          %get3A_791 = vector.shape_cast %get3A_790 : vector<1x16xf32> to vector<16xf32>
          %max3A_792 = arith.maximumf %get3A_791, %max3A_723 : vector<16xf32>
          %swap3A_793 = arith.index_cast %select_n3A_703 : i32 to index
          %swap3A_794 = arith.constant 16 : index
          %swap3A_795 = tpu.vector_load %arg9[%swap3A_793, %swap3A_794] {strides = array<i32>} : memref<336x64xf32, #tpu.memory_space<vmem>>, vector<1x16xf32>,
          %swap3A_796 = vector.shape_cast %swap3A_795 : vector<1x16xf32> to vector<16xf32>
          %swap3A_797 = vector.shape_cast %max3A_792 : vector<16xf32> to vector<1x16xf32>
          tpu.vector_store %arg9[%swap3A_793, %swap3A_794], %swap3A_797 {strides = array<i32>} : memref<336x64xf32, #tpu.memory_space<vmem>>, vector<1x16xf32>,
          %get3A_798 = arith.index_cast %select_n3A_703 : i32 to index
          %get3A_799 = arith.constant 32 : index
          %get3A_800 = tpu.vector_load %arg9[%get3A_798, %get3A_799] {strides = array<i32>} : memref<336x64xf32, #tpu.memory_space<vmem>>, vector<1x16xf32>,
          %get3A_801 = vector.shape_cast %get3A_800 : vector<1x16xf32> to vector<16xf32>
          %max3A_802 = arith.maximumf %get3A_801, %max3A_729 : vector<16xf32>
          %swap3A_803 = arith.index_cast %select_n3A_703 : i32 to index
          %swap3A_804 = arith.constant 32 : index
          %swap3A_805 = tpu.vector_load %arg9[%swap3A_803, %swap3A_804] {strides = array<i32>} : memref<336x64xf32, #tpu.memory_space<vmem>>, vector<1x16xf32>,
          %swap3A_806 = vector.shape_cast %swap3A_805 : vector<1x16xf32> to vector<16xf32>
          %swap3A_807 = vector.shape_cast %max3A_802 : vector<16xf32> to vector<1x16xf32>
          tpu.vector_store %arg9[%swap3A_803, %swap3A_804], %swap3A_807 {strides = array<i32>} : memref<336x64xf32, #tpu.memory_space<vmem>>, vector<1x16xf32>,
          %get3A_808 = arith.index_cast %select_n3A_703 : i32 to index
          %get3A_809 = arith.constant 48 : index
          %get3A_810 = tpu.vector_load %arg9[%get3A_808, %get3A_809] {strides = array<i32>} : memref<336x64xf32, #tpu.memory_space<vmem>>, vector<1x16xf32>,
          %get3A_811 = vector.shape_cast %get3A_810 : vector<1x16xf32> to vector<16xf32>
          %max3A_812 = arith.maximumf %get3A_811, %max3A_735 : vector<16xf32>
          %swap3A_813 = arith.index_cast %select_n3A_703 : i32 to index
          %swap3A_814 = arith.constant 48 : index
          %swap3A_815 = tpu.vector_load %arg9[%swap3A_813, %swap3A_814] {strides = array<i32>} : memref<336x64xf32, #tpu.memory_space<vmem>>, vector<1x16xf32>,
          %swap3A_816 = vector.shape_cast %swap3A_815 : vector<1x16xf32> to vector<16xf32>
          %swap3A_817 = vector.shape_cast %max3A_812 : vector<16xf32> to vector<1x16xf32>
          tpu.vector_store %arg9[%swap3A_813, %swap3A_814], %swap3A_817 {strides = array<i32>} : memref<336x64xf32, #tpu.memory_space<vmem>>, vector<1x16xf32>,
        } else {
        }
        %mul3A_750 = arith.constant 16 : i32
        %mul3A_751 = arith.muli %scan3A_99, %mul3A_750 : i32
        %add3A_752 = arith.constant 15 : i32
        %add3A_753 = arith.addi %mul3A_751, %add3A_752 : i32
        %select_n3A_754 = arith.select %ne3A_746, %broadcast_in_dim3A_33, %max3A_717 : vector<16xf32>
        %get3A_755 = arith.index_cast %add3A_753 : i32 to index
        %get3A_756 = arith.constant 0 : index
        %get3A_757 = tpu.vector_load %arg8[%get3A_755, %get3A_756] {strides = array<i32>} : memref<512x64xf32, #tpu.memory_space<vmem>>, vector<1x16xf32>,
        %get3A_758 = vector.shape_cast %get3A_757 : vector<1x16xf32> to vector<16xf32>
        %max3A_759 = arith.maximumf %select_n3A_754, %get3A_758 : vector<16xf32>
        %select_n3A_760 = arith.select %ne3A_746, %broadcast_in_dim3A_33, %max3A_723 : vector<16xf32>
        %get3A_761 = arith.index_cast %add3A_753 : i32 to index
        %get3A_762 = arith.constant 16 : index
        %get3A_763 = tpu.vector_load %arg8[%get3A_761, %get3A_762] {strides = array<i32>} : memref<512x64xf32, #tpu.memory_space<vmem>>, vector<1x16xf32>,
        %get3A_764 = vector.shape_cast %get3A_763 : vector<1x16xf32> to vector<16xf32>
        %max3A_765 = arith.maximumf %select_n3A_760, %get3A_764 : vector<16xf32>
        %select_n3A_766 = arith.select %ne3A_746, %broadcast_in_dim3A_33, %max3A_729 : vector<16xf32>
        %get3A_767 = arith.index_cast %add3A_753 : i32 to index
        %get3A_768 = arith.constant 32 : index
        %get3A_769 = tpu.vector_load %arg8[%get3A_767, %get3A_768] {strides = array<i32>} : memref<512x64xf32, #tpu.memory_space<vmem>>, vector<1x16xf32>,
        %get3A_770 = vector.shape_cast %get3A_769 : vector<1x16xf32> to vector<16xf32>
        %max3A_771 = arith.maximumf %select_n3A_766, %get3A_770 : vector<16xf32>
        %select_n3A_772 = arith.select %ne3A_746, %broadcast_in_dim3A_33, %max3A_735 : vector<16xf32>
        %get3A_773 = arith.index_cast %add3A_753 : i32 to index
        %get3A_774 = arith.constant 48 : index
        %get3A_775 = tpu.vector_load %arg8[%get3A_773, %get3A_774] {strides = array<i32>} : memref<512x64xf32, #tpu.memory_space<vmem>>, vector<1x16xf32>,
        %get3A_776 = vector.shape_cast %get3A_775 : vector<1x16xf32> to vector<16xf32>
        %max3A_777 = arith.maximumf %select_n3A_772, %get3A_776 : vector<16xf32>
        scf.yield %select_n3A_745, %max3A_759, %max3A_765, %max3A_771, %max3A_777 : i32, vector<16xf32>, vector<16xf32>, vector<16xf32>, vector<16xf32>
      }
      %scan3A_98 = arith.constant 32 : i32
      scf.yield %scan3A_97#0, %scan3A_97#1, %scan3A_97#2, %scan3A_97#3, %scan3A_97#4 : i32, vector<16xf32>, vector<16xf32>, vector<16xf32>, vector<16xf32>
    }
    %while3A_43 = arith.constant 1 : i32
    %while3A_44:5 = scf.for %while3A_83 = %while3A_40 to %while3A_36 step %while3A_43 iter_args(%while3A_84 = %while3A_42#0, %while3A_85 = %while3A_42#1, %while3A_86 = %while3A_42#2, %while3A_87 = %while3A_42#3, %while3A_88 = %while3A_42#4) -> (i32, vector<16xf32>, vector<16xf32>, vector<16xf32>, vector<16xf32>)  : i32 {
      %mul3A_89 = arith.constant 512 : i32
      %mul3A_90 = arith.muli %while3A_83, %mul3A_89 : i32
      %add3A_91 = arith.addi %and3A_5, %mul3A_90 : i32
      %min3A = arith.constant 639488 : i32
      %min3A_92 = arith.minsi %add3A_91, %min3A : i32
      %multiple_of3A = tpu.assume_multiple %min3A_92, 16 : i32
      "tpu.region"() ({
        %run_scoped3A = tpu.sem_alloc : memref<!tpu.dma_semaphore, #tpu.memory_space<semaphore_mem>>
        %dma_start3A = tpu.memref_slice %arg3[%multiple_of3A] : memref<640000xi32, #tpu.memory_space<hbm>> -> memref<512xi32, #tpu.memory_space<hbm>>
        %dma_start3A_99 = tpu.memref_slice %arg3[%multiple_of3A] : memref<640000xi32, #tpu.memory_space<hbm>> -> memref<512xi32, #tpu.memory_space<hbm>>
        tpu.enqueue_dma source(%dma_start3A_99 : memref<512xi32, #tpu.memory_space<hbm>>) target(%arg7 : memref<512xi32, #tpu.memory_space<vmem>>) target_semaphore(%run_scoped3A : memref<!tpu.dma_semaphore, #tpu.memory_space<semaphore_mem>>)
        %dma_wait3A = tpu.memref_slice %arg3[%multiple_of3A] : memref<640000xi32, #tpu.memory_space<hbm>> -> memref<512xi32, #tpu.memory_space<hbm>>
        %dma_wait3A_100 = tpu.memref_slice %arg3[%multiple_of3A] : memref<640000xi32, #tpu.memory_space<hbm>> -> memref<512xi32, #tpu.memory_space<hbm>>
        tpu.wait_dma2 semaphore(%run_scoped3A : memref<!tpu.dma_semaphore, #tpu.memory_space<semaphore_mem>>) src(%dma_wait3A_100 : memref<512xi32, #tpu.memory_space<hbm>>) dst(%arg7 : memref<512xi32, #tpu.memory_space<vmem>>)
        tpu.yield
      }) : () -> ()
      "tpu.region"() ({
        %run_scoped3A = tpu.sem_alloc : memref<!tpu.dma_semaphore, #tpu.memory_space<semaphore_mem>>
        %dma_start3A = arith.constant 0 : i32
        %dma_start3A_99 = tpu.memref_slice %arg2[%multiple_of3A, %dma_start3A] : memref<640000x64xf32, #tpu.memory_space<hbm>> -> memref<512x64xf32, #tpu.memory_space<hbm>>
        %dma_start3A_100 = arith.constant 0 : i32
        %dma_start3A_101 = tpu.memref_slice %arg2[%multiple_of3A, %dma_start3A_100] : memref<640000x64xf32, #tpu.memory_space<hbm>> -> memref<512x64xf32, #tpu.memory_space<hbm>>
        tpu.enqueue_dma source(%dma_start3A_101 : memref<512x64xf32, #tpu.memory_space<hbm>>) target(%arg8 : memref<512x64xf32, #tpu.memory_space<vmem>>) target_semaphore(%run_scoped3A : memref<!tpu.dma_semaphore, #tpu.memory_space<semaphore_mem>>)
        %dma_wait3A = arith.constant 0 : i32
        %dma_wait3A_102 = tpu.memref_slice %arg2[%multiple_of3A, %dma_wait3A] : memref<640000x64xf32, #tpu.memory_space<hbm>> -> memref<512x64xf32, #tpu.memory_space<hbm>>
        %dma_wait3A_103 = arith.constant 0 : i32
        %dma_wait3A_104 = tpu.memref_slice %arg2[%multiple_of3A, %dma_wait3A_103] : memref<640000x64xf32, #tpu.memory_space<hbm>> -> memref<512x64xf32, #tpu.memory_space<hbm>>
        tpu.wait_dma2 semaphore(%run_scoped3A : memref<!tpu.dma_semaphore, #tpu.memory_space<semaphore_mem>>) src(%dma_wait3A_104 : memref<512x64xf32, #tpu.memory_space<hbm>>) dst(%arg8 : memref<512x64xf32, #tpu.memory_space<vmem>>)
        tpu.yield
      }) : () -> ()
      %scan3A_93 = arith.constant 0 : i32
      %scan3A_94 = arith.constant 32 : i32
      %scan3A_95 = arith.addi %scan3A_93, %scan3A_94 : i32
      %scan3A_96 = arith.constant 1 : i32
      %scan3A_97:5 = scf.for %scan3A_99 = %scan3A_93 to %scan3A_95 step %scan3A_96 iter_args(%scan3A_100 = %while3A_84, %scan3A_101 = %while3A_85, %scan3A_102 = %while3A_86, %scan3A_103 = %while3A_87, %scan3A_104 = %while3A_88) -> (i32, vector<16xf32>, vector<16xf32>, vector<16xf32>, vector<16xf32>)  : i32 {
        %mul3A_105 = arith.constant 16 : i32
        %mul3A_106 = arith.muli %scan3A_99, %mul3A_105 : i32
        %get3A_107 = arith.index_cast %mul3A_106 : i32 to index
        %get3A_108 = tpu.vector_load %arg7[%get3A_107] {strides = array<i32>} : memref<512xi32, #tpu.memory_space<vmem>>, vector<16xi32>,
        %get3A_109 = vector.shape_cast %get3A_108 : vector<16xi32> to vector<16xi32>
        %slice3A_110 = vector.extract_strided_slice %get3A_109 {offsets = [0], sizes = [1], strides = [1]} : vector<16xi32> to vector<1xi32>
        %squeeze3A_111 = vector.extract %slice3A_110[0] : i32 from vector<1xi32>
        %sub3A_112 = arith.subi %squeeze3A_111, %mul3A_7 : i32
        %ge3A = arith.constant 0 : i32
        %ge3A_113 = arith.cmpi sge, %sub3A_112, %ge3A : i32
        %lt3A = arith.constant 320 : i32
        %lt3A_114 = arith.cmpi slt, %sub3A_112, %lt3A : i32
        %and3A_115 = arith.andi %ge3A_113, %lt3A_114 : i1
        %jit3A_116 = arith.constant 320 : i32
        %select_n3A_117 = arith.select %and3A_115, %sub3A_112, %jit3A_116 : i32
        %ne3A_118 = arith.cmpi ne, %select_n3A_117, %scan3A_100 : i32
        %convert_element_type3A = arith.extui %ne3A_118 : i1 to i32
        %cond3A = arith.constant 0 : i32
        %cond3A_119 = arith.cmpi ne, %convert_element_type3A, %cond3A : i32
        scf.if %cond3A_119 {
          %get3A_778 = arith.index_cast %scan3A_100 : i32 to index
          %get3A_779 = arith.constant 0 : index
          %get3A_780 = tpu.vector_load %arg9[%get3A_778, %get3A_779] {strides = array<i32>} : memref<336x64xf32, #tpu.memory_space<vmem>>, vector<1x16xf32>,
          %get3A_781 = vector.shape_cast %get3A_780 : vector<1x16xf32> to vector<16xf32>
          %max3A_782 = arith.maximumf %get3A_781, %scan3A_101 : vector<16xf32>
          %swap3A_783 = arith.index_cast %scan3A_100 : i32 to index
          %swap3A_784 = arith.constant 0 : index
          %swap3A_785 = tpu.vector_load %arg9[%swap3A_783, %swap3A_784] {strides = array<i32>} : memref<336x64xf32, #tpu.memory_space<vmem>>, vector<1x16xf32>,
          %swap3A_786 = vector.shape_cast %swap3A_785 : vector<1x16xf32> to vector<16xf32>
          %swap3A_787 = vector.shape_cast %max3A_782 : vector<16xf32> to vector<1x16xf32>
          tpu.vector_store %arg9[%swap3A_783, %swap3A_784], %swap3A_787 {strides = array<i32>} : memref<336x64xf32, #tpu.memory_space<vmem>>, vector<1x16xf32>,
          %get3A_788 = arith.index_cast %scan3A_100 : i32 to index
          %get3A_789 = arith.constant 16 : index
          %get3A_790 = tpu.vector_load %arg9[%get3A_788, %get3A_789] {strides = array<i32>} : memref<336x64xf32, #tpu.memory_space<vmem>>, vector<1x16xf32>,
          %get3A_791 = vector.shape_cast %get3A_790 : vector<1x16xf32> to vector<16xf32>
          %max3A_792 = arith.maximumf %get3A_791, %scan3A_102 : vector<16xf32>
          %swap3A_793 = arith.index_cast %scan3A_100 : i32 to index
          %swap3A_794 = arith.constant 16 : index
          %swap3A_795 = tpu.vector_load %arg9[%swap3A_793, %swap3A_794] {strides = array<i32>} : memref<336x64xf32, #tpu.memory_space<vmem>>, vector<1x16xf32>,
          %swap3A_796 = vector.shape_cast %swap3A_795 : vector<1x16xf32> to vector<16xf32>
          %swap3A_797 = vector.shape_cast %max3A_792 : vector<16xf32> to vector<1x16xf32>
          tpu.vector_store %arg9[%swap3A_793, %swap3A_794], %swap3A_797 {strides = array<i32>} : memref<336x64xf32, #tpu.memory_space<vmem>>, vector<1x16xf32>,
          %get3A_798 = arith.index_cast %scan3A_100 : i32 to index
          %get3A_799 = arith.constant 32 : index
          %get3A_800 = tpu.vector_load %arg9[%get3A_798, %get3A_799] {strides = array<i32>} : memref<336x64xf32, #tpu.memory_space<vmem>>, vector<1x16xf32>,
          %get3A_801 = vector.shape_cast %get3A_800 : vector<1x16xf32> to vector<16xf32>
          %max3A_802 = arith.maximumf %get3A_801, %scan3A_103 : vector<16xf32>
          %swap3A_803 = arith.index_cast %scan3A_100 : i32 to index
          %swap3A_804 = arith.constant 32 : index
          %swap3A_805 = tpu.vector_load %arg9[%swap3A_803, %swap3A_804] {strides = array<i32>} : memref<336x64xf32, #tpu.memory_space<vmem>>, vector<1x16xf32>,
          %swap3A_806 = vector.shape_cast %swap3A_805 : vector<1x16xf32> to vector<16xf32>
          %swap3A_807 = vector.shape_cast %max3A_802 : vector<16xf32> to vector<1x16xf32>
          tpu.vector_store %arg9[%swap3A_803, %swap3A_804], %swap3A_807 {strides = array<i32>} : memref<336x64xf32, #tpu.memory_space<vmem>>, vector<1x16xf32>,
          %get3A_808 = arith.index_cast %scan3A_100 : i32 to index
          %get3A_809 = arith.constant 48 : index
          %get3A_810 = tpu.vector_load %arg9[%get3A_808, %get3A_809] {strides = array<i32>} : memref<336x64xf32, #tpu.memory_space<vmem>>, vector<1x16xf32>,
          %get3A_811 = vector.shape_cast %get3A_810 : vector<1x16xf32> to vector<16xf32>
          %max3A_812 = arith.maximumf %get3A_811, %scan3A_104 : vector<16xf32>
          %swap3A_813 = arith.index_cast %scan3A_100 : i32 to index
          %swap3A_814 = arith.constant 48 : index
          %swap3A_815 = tpu.vector_load %arg9[%swap3A_813, %swap3A_814] {strides = array<i32>} : memref<336x64xf32, #tpu.memory_space<vmem>>, vector<1x16xf32>,
          %swap3A_816 = vector.shape_cast %swap3A_815 : vector<1x16xf32> to vector<16xf32>
          %swap3A_817 = vector.shape_cast %max3A_812 : vector<16xf32> to vector<1x16xf32>
          tpu.vector_store %arg9[%swap3A_813, %swap3A_814], %swap3A_817 {strides = array<i32>} : memref<336x64xf32, #tpu.memory_space<vmem>>, vector<1x16xf32>,
        } else {
        }
        %mul3A_120 = arith.constant 16 : i32
        %mul3A_121 = arith.muli %scan3A_99, %mul3A_120 : i32
        %add3A_122 = arith.constant 0 : i32
        %add3A_123 = arith.addi %mul3A_121, %add3A_122 : i32
        %select_n3A_124 = arith.select %ne3A_118, %broadcast_in_dim3A_33, %scan3A_101 : vector<16xf32>
        %get3A_125 = arith.index_cast %add3A_123 : i32 to index
        %get3A_126 = arith.constant 0 : index
        %get3A_127 = tpu.vector_load %arg8[%get3A_125, %get3A_126] {strides = array<i32>} : memref<512x64xf32, #tpu.memory_space<vmem>>, vector<1x16xf32>,
        %get3A_128 = vector.shape_cast %get3A_127 : vector<1x16xf32> to vector<16xf32>
        %max3A_129 = arith.maximumf %select_n3A_124, %get3A_128 : vector<16xf32>
        %select_n3A_130 = arith.select %ne3A_118, %broadcast_in_dim3A_33, %scan3A_102 : vector<16xf32>
        %get3A_131 = arith.index_cast %add3A_123 : i32 to index
        %get3A_132 = arith.constant 16 : index
        %get3A_133 = tpu.vector_load %arg8[%get3A_131, %get3A_132] {strides = array<i32>} : memref<512x64xf32, #tpu.memory_space<vmem>>, vector<1x16xf32>,
        %get3A_134 = vector.shape_cast %get3A_133 : vector<1x16xf32> to vector<16xf32>
        %max3A_135 = arith.maximumf %select_n3A_130, %get3A_134 : vector<16xf32>
        %select_n3A_136 = arith.select %ne3A_118, %broadcast_in_dim3A_33, %scan3A_103 : vector<16xf32>
        %get3A_137 = arith.index_cast %add3A_123 : i32 to index
        %get3A_138 = arith.constant 32 : index
        %get3A_139 = tpu.vector_load %arg8[%get3A_137, %get3A_138] {strides = array<i32>} : memref<512x64xf32, #tpu.memory_space<vmem>>, vector<1x16xf32>,
        %get3A_140 = vector.shape_cast %get3A_139 : vector<1x16xf32> to vector<16xf32>
        %max3A_141 = arith.maximumf %select_n3A_136, %get3A_140 : vector<16xf32>
        %select_n3A_142 = arith.select %ne3A_118, %broadcast_in_dim3A_33, %scan3A_104 : vector<16xf32>
        %get3A_143 = arith.index_cast %add3A_123 : i32 to index
        %get3A_144 = arith.constant 48 : index
        %get3A_145 = tpu.vector_load %arg8[%get3A_143, %get3A_144] {strides = array<i32>} : memref<512x64xf32, #tpu.memory_space<vmem>>, vector<1x16xf32>,
        %get3A_146 = vector.shape_cast %get3A_145 : vector<1x16xf32> to vector<16xf32>
        %max3A_147 = arith.maximumf %select_n3A_142, %get3A_146 : vector<16xf32>
        %slice3A_148 = vector.extract_strided_slice %get3A_109 {offsets = [1], sizes = [1], strides = [1]} : vector<16xi32> to vector<1xi32>
        %squeeze3A_149 = vector.extract %slice3A_148[0] : i32 from vector<1xi32>
        %sub3A_150 = arith.subi %squeeze3A_149, %mul3A_7 : i32
        %ge3A_151 = arith.constant 0 : i32
        %ge3A_152 = arith.cmpi sge, %sub3A_150, %ge3A_151 : i32
        %lt3A_153 = arith.constant 320 : i32
        %lt3A_154 = arith.cmpi slt, %sub3A_150, %lt3A_153 : i32
        %and3A_155 = arith.andi %ge3A_152, %lt3A_154 : i1
        %jit3A_156 = arith.constant 320 : i32
        %select_n3A_157 = arith.select %and3A_155, %sub3A_150, %jit3A_156 : i32
        %ne3A_158 = arith.cmpi ne, %select_n3A_157, %select_n3A_117 : i32
        %convert_element_type3A_159 = arith.extui %ne3A_158 : i1 to i32
        %cond3A_160 = arith.constant 0 : i32
        %cond3A_161 = arith.cmpi ne, %convert_element_type3A_159, %cond3A_160 : i32
        scf.if %cond3A_161 {
          %get3A_778 = arith.index_cast %select_n3A_117 : i32 to index
          %get3A_779 = arith.constant 0 : index
          %get3A_780 = tpu.vector_load %arg9[%get3A_778, %get3A_779] {strides = array<i32>} : memref<336x64xf32, #tpu.memory_space<vmem>>, vector<1x16xf32>,
          %get3A_781 = vector.shape_cast %get3A_780 : vector<1x16xf32> to vector<16xf32>
          %max3A_782 = arith.maximumf %get3A_781, %max3A_129 : vector<16xf32>
          %swap3A_783 = arith.index_cast %select_n3A_117 : i32 to index
          %swap3A_784 = arith.constant 0 : index
          %swap3A_785 = tpu.vector_load %arg9[%swap3A_783, %swap3A_784] {strides = array<i32>} : memref<336x64xf32, #tpu.memory_space<vmem>>, vector<1x16xf32>,
          %swap3A_786 = vector.shape_cast %swap3A_785 : vector<1x16xf32> to vector<16xf32>
          %swap3A_787 = vector.shape_cast %max3A_782 : vector<16xf32> to vector<1x16xf32>
          tpu.vector_store %arg9[%swap3A_783, %swap3A_784], %swap3A_787 {strides = array<i32>} : memref<336x64xf32, #tpu.memory_space<vmem>>, vector<1x16xf32>,
          %get3A_788 = arith.index_cast %select_n3A_117 : i32 to index
          %get3A_789 = arith.constant 16 : index
          %get3A_790 = tpu.vector_load %arg9[%get3A_788, %get3A_789] {strides = array<i32>} : memref<336x64xf32, #tpu.memory_space<vmem>>, vector<1x16xf32>,
          %get3A_791 = vector.shape_cast %get3A_790 : vector<1x16xf32> to vector<16xf32>
          %max3A_792 = arith.maximumf %get3A_791, %max3A_135 : vector<16xf32>
          %swap3A_793 = arith.index_cast %select_n3A_117 : i32 to index
          %swap3A_794 = arith.constant 16 : index
          %swap3A_795 = tpu.vector_load %arg9[%swap3A_793, %swap3A_794] {strides = array<i32>} : memref<336x64xf32, #tpu.memory_space<vmem>>, vector<1x16xf32>,
          %swap3A_796 = vector.shape_cast %swap3A_795 : vector<1x16xf32> to vector<16xf32>
          %swap3A_797 = vector.shape_cast %max3A_792 : vector<16xf32> to vector<1x16xf32>
          tpu.vector_store %arg9[%swap3A_793, %swap3A_794], %swap3A_797 {strides = array<i32>} : memref<336x64xf32, #tpu.memory_space<vmem>>, vector<1x16xf32>,
          %get3A_798 = arith.index_cast %select_n3A_117 : i32 to index
          %get3A_799 = arith.constant 32 : index
          %get3A_800 = tpu.vector_load %arg9[%get3A_798, %get3A_799] {strides = array<i32>} : memref<336x64xf32, #tpu.memory_space<vmem>>, vector<1x16xf32>,
          %get3A_801 = vector.shape_cast %get3A_800 : vector<1x16xf32> to vector<16xf32>
          %max3A_802 = arith.maximumf %get3A_801, %max3A_141 : vector<16xf32>
          %swap3A_803 = arith.index_cast %select_n3A_117 : i32 to index
          %swap3A_804 = arith.constant 32 : index
          %swap3A_805 = tpu.vector_load %arg9[%swap3A_803, %swap3A_804] {strides = array<i32>} : memref<336x64xf32, #tpu.memory_space<vmem>>, vector<1x16xf32>,
          %swap3A_806 = vector.shape_cast %swap3A_805 : vector<1x16xf32> to vector<16xf32>
          %swap3A_807 = vector.shape_cast %max3A_802 : vector<16xf32> to vector<1x16xf32>
          tpu.vector_store %arg9[%swap3A_803, %swap3A_804], %swap3A_807 {strides = array<i32>} : memref<336x64xf32, #tpu.memory_space<vmem>>, vector<1x16xf32>,
          %get3A_808 = arith.index_cast %select_n3A_117 : i32 to index
          %get3A_809 = arith.constant 48 : index
          %get3A_810 = tpu.vector_load %arg9[%get3A_808, %get3A_809] {strides = array<i32>} : memref<336x64xf32, #tpu.memory_space<vmem>>, vector<1x16xf32>,
          %get3A_811 = vector.shape_cast %get3A_810 : vector<1x16xf32> to vector<16xf32>
          %max3A_812 = arith.maximumf %get3A_811, %max3A_147 : vector<16xf32>
          %swap3A_813 = arith.index_cast %select_n3A_117 : i32 to index
          %swap3A_814 = arith.constant 48 : index
          %swap3A_815 = tpu.vector_load %arg9[%swap3A_813, %swap3A_814] {strides = array<i32>} : memref<336x64xf32, #tpu.memory_space<vmem>>, vector<1x16xf32>,
          %swap3A_816 = vector.shape_cast %swap3A_815 : vector<1x16xf32> to vector<16xf32>
          %swap3A_817 = vector.shape_cast %max3A_812 : vector<16xf32> to vector<1x16xf32>
          tpu.vector_store %arg9[%swap3A_813, %swap3A_814], %swap3A_817 {strides = array<i32>} : memref<336x64xf32, #tpu.memory_space<vmem>>, vector<1x16xf32>,
        } else {
        }
        %mul3A_162 = arith.constant 16 : i32
        %mul3A_163 = arith.muli %scan3A_99, %mul3A_162 : i32
        %add3A_164 = arith.constant 1 : i32
        %add3A_165 = arith.addi %mul3A_163, %add3A_164 : i32
        %select_n3A_166 = arith.select %ne3A_158, %broadcast_in_dim3A_33, %max3A_129 : vector<16xf32>
        %get3A_167 = arith.index_cast %add3A_165 : i32 to index
        %get3A_168 = arith.constant 0 : index
        %get3A_169 = tpu.vector_load %arg8[%get3A_167, %get3A_168] {strides = array<i32>} : memref<512x64xf32, #tpu.memory_space<vmem>>, vector<1x16xf32>,
        %get3A_170 = vector.shape_cast %get3A_169 : vector<1x16xf32> to vector<16xf32>
        %max3A_171 = arith.maximumf %select_n3A_166, %get3A_170 : vector<16xf32>
        %select_n3A_172 = arith.select %ne3A_158, %broadcast_in_dim3A_33, %max3A_135 : vector<16xf32>
        %get3A_173 = arith.index_cast %add3A_165 : i32 to index
        %get3A_174 = arith.constant 16 : index
        %get3A_175 = tpu.vector_load %arg8[%get3A_173, %get3A_174] {strides = array<i32>} : memref<512x64xf32, #tpu.memory_space<vmem>>, vector<1x16xf32>,
        %get3A_176 = vector.shape_cast %get3A_175 : vector<1x16xf32> to vector<16xf32>
        %max3A_177 = arith.maximumf %select_n3A_172, %get3A_176 : vector<16xf32>
        %select_n3A_178 = arith.select %ne3A_158, %broadcast_in_dim3A_33, %max3A_141 : vector<16xf32>
        %get3A_179 = arith.index_cast %add3A_165 : i32 to index
        %get3A_180 = arith.constant 32 : index
        %get3A_181 = tpu.vector_load %arg8[%get3A_179, %get3A_180] {strides = array<i32>} : memref<512x64xf32, #tpu.memory_space<vmem>>, vector<1x16xf32>,
        %get3A_182 = vector.shape_cast %get3A_181 : vector<1x16xf32> to vector<16xf32>
        %max3A_183 = arith.maximumf %select_n3A_178, %get3A_182 : vector<16xf32>
        %select_n3A_184 = arith.select %ne3A_158, %broadcast_in_dim3A_33, %max3A_147 : vector<16xf32>
        %get3A_185 = arith.index_cast %add3A_165 : i32 to index
        %get3A_186 = arith.constant 48 : index
        %get3A_187 = tpu.vector_load %arg8[%get3A_185, %get3A_186] {strides = array<i32>} : memref<512x64xf32, #tpu.memory_space<vmem>>, vector<1x16xf32>,
        %get3A_188 = vector.shape_cast %get3A_187 : vector<1x16xf32> to vector<16xf32>
        %max3A_189 = arith.maximumf %select_n3A_184, %get3A_188 : vector<16xf32>
        %slice3A_190 = vector.extract_strided_slice %get3A_109 {offsets = [2], sizes = [1], strides = [1]} : vector<16xi32> to vector<1xi32>
        %squeeze3A_191 = vector.extract %slice3A_190[0] : i32 from vector<1xi32>
        %sub3A_192 = arith.subi %squeeze3A_191, %mul3A_7 : i32
        %ge3A_193 = arith.constant 0 : i32
        %ge3A_194 = arith.cmpi sge, %sub3A_192, %ge3A_193 : i32
        %lt3A_195 = arith.constant 320 : i32
        %lt3A_196 = arith.cmpi slt, %sub3A_192, %lt3A_195 : i32
        %and3A_197 = arith.andi %ge3A_194, %lt3A_196 : i1
        %jit3A_198 = arith.constant 320 : i32
        %select_n3A_199 = arith.select %and3A_197, %sub3A_192, %jit3A_198 : i32
        %ne3A_200 = arith.cmpi ne, %select_n3A_199, %select_n3A_157 : i32
        %convert_element_type3A_201 = arith.extui %ne3A_200 : i1 to i32
        %cond3A_202 = arith.constant 0 : i32
        %cond3A_203 = arith.cmpi ne, %convert_element_type3A_201, %cond3A_202 : i32
        scf.if %cond3A_203 {
          %get3A_778 = arith.index_cast %select_n3A_157 : i32 to index
          %get3A_779 = arith.constant 0 : index
          %get3A_780 = tpu.vector_load %arg9[%get3A_778, %get3A_779] {strides = array<i32>} : memref<336x64xf32, #tpu.memory_space<vmem>>, vector<1x16xf32>,
          %get3A_781 = vector.shape_cast %get3A_780 : vector<1x16xf32> to vector<16xf32>
          %max3A_782 = arith.maximumf %get3A_781, %max3A_171 : vector<16xf32>
          %swap3A_783 = arith.index_cast %select_n3A_157 : i32 to index
          %swap3A_784 = arith.constant 0 : index
          %swap3A_785 = tpu.vector_load %arg9[%swap3A_783, %swap3A_784] {strides = array<i32>} : memref<336x64xf32, #tpu.memory_space<vmem>>, vector<1x16xf32>,
          %swap3A_786 = vector.shape_cast %swap3A_785 : vector<1x16xf32> to vector<16xf32>
          %swap3A_787 = vector.shape_cast %max3A_782 : vector<16xf32> to vector<1x16xf32>
          tpu.vector_store %arg9[%swap3A_783, %swap3A_784], %swap3A_787 {strides = array<i32>} : memref<336x64xf32, #tpu.memory_space<vmem>>, vector<1x16xf32>,
          %get3A_788 = arith.index_cast %select_n3A_157 : i32 to index
          %get3A_789 = arith.constant 16 : index
          %get3A_790 = tpu.vector_load %arg9[%get3A_788, %get3A_789] {strides = array<i32>} : memref<336x64xf32, #tpu.memory_space<vmem>>, vector<1x16xf32>,
          %get3A_791 = vector.shape_cast %get3A_790 : vector<1x16xf32> to vector<16xf32>
          %max3A_792 = arith.maximumf %get3A_791, %max3A_177 : vector<16xf32>
          %swap3A_793 = arith.index_cast %select_n3A_157 : i32 to index
          %swap3A_794 = arith.constant 16 : index
          %swap3A_795 = tpu.vector_load %arg9[%swap3A_793, %swap3A_794] {strides = array<i32>} : memref<336x64xf32, #tpu.memory_space<vmem>>, vector<1x16xf32>,
          %swap3A_796 = vector.shape_cast %swap3A_795 : vector<1x16xf32> to vector<16xf32>
          %swap3A_797 = vector.shape_cast %max3A_792 : vector<16xf32> to vector<1x16xf32>
          tpu.vector_store %arg9[%swap3A_793, %swap3A_794], %swap3A_797 {strides = array<i32>} : memref<336x64xf32, #tpu.memory_space<vmem>>, vector<1x16xf32>,
          %get3A_798 = arith.index_cast %select_n3A_157 : i32 to index
          %get3A_799 = arith.constant 32 : index
          %get3A_800 = tpu.vector_load %arg9[%get3A_798, %get3A_799] {strides = array<i32>} : memref<336x64xf32, #tpu.memory_space<vmem>>, vector<1x16xf32>,
          %get3A_801 = vector.shape_cast %get3A_800 : vector<1x16xf32> to vector<16xf32>
          %max3A_802 = arith.maximumf %get3A_801, %max3A_183 : vector<16xf32>
          %swap3A_803 = arith.index_cast %select_n3A_157 : i32 to index
          %swap3A_804 = arith.constant 32 : index
          %swap3A_805 = tpu.vector_load %arg9[%swap3A_803, %swap3A_804] {strides = array<i32>} : memref<336x64xf32, #tpu.memory_space<vmem>>, vector<1x16xf32>,
          %swap3A_806 = vector.shape_cast %swap3A_805 : vector<1x16xf32> to vector<16xf32>
          %swap3A_807 = vector.shape_cast %max3A_802 : vector<16xf32> to vector<1x16xf32>
          tpu.vector_store %arg9[%swap3A_803, %swap3A_804], %swap3A_807 {strides = array<i32>} : memref<336x64xf32, #tpu.memory_space<vmem>>, vector<1x16xf32>,
          %get3A_808 = arith.index_cast %select_n3A_157 : i32 to index
          %get3A_809 = arith.constant 48 : index
          %get3A_810 = tpu.vector_load %arg9[%get3A_808, %get3A_809] {strides = array<i32>} : memref<336x64xf32, #tpu.memory_space<vmem>>, vector<1x16xf32>,
          %get3A_811 = vector.shape_cast %get3A_810 : vector<1x16xf32> to vector<16xf32>
          %max3A_812 = arith.maximumf %get3A_811, %max3A_189 : vector<16xf32>
          %swap3A_813 = arith.index_cast %select_n3A_157 : i32 to index
          %swap3A_814 = arith.constant 48 : index
          %swap3A_815 = tpu.vector_load %arg9[%swap3A_813, %swap3A_814] {strides = array<i32>} : memref<336x64xf32, #tpu.memory_space<vmem>>, vector<1x16xf32>,
          %swap3A_816 = vector.shape_cast %swap3A_815 : vector<1x16xf32> to vector<16xf32>
          %swap3A_817 = vector.shape_cast %max3A_812 : vector<16xf32> to vector<1x16xf32>
          tpu.vector_store %arg9[%swap3A_813, %swap3A_814], %swap3A_817 {strides = array<i32>} : memref<336x64xf32, #tpu.memory_space<vmem>>, vector<1x16xf32>,
        } else {
        }
        %mul3A_204 = arith.constant 16 : i32
        %mul3A_205 = arith.muli %scan3A_99, %mul3A_204 : i32
        %add3A_206 = arith.constant 2 : i32
        %add3A_207 = arith.addi %mul3A_205, %add3A_206 : i32
        %select_n3A_208 = arith.select %ne3A_200, %broadcast_in_dim3A_33, %max3A_171 : vector<16xf32>
        %get3A_209 = arith.index_cast %add3A_207 : i32 to index
        %get3A_210 = arith.constant 0 : index
        %get3A_211 = tpu.vector_load %arg8[%get3A_209, %get3A_210] {strides = array<i32>} : memref<512x64xf32, #tpu.memory_space<vmem>>, vector<1x16xf32>,
        %get3A_212 = vector.shape_cast %get3A_211 : vector<1x16xf32> to vector<16xf32>
        %max3A_213 = arith.maximumf %select_n3A_208, %get3A_212 : vector<16xf32>
        %select_n3A_214 = arith.select %ne3A_200, %broadcast_in_dim3A_33, %max3A_177 : vector<16xf32>
        %get3A_215 = arith.index_cast %add3A_207 : i32 to index
        %get3A_216 = arith.constant 16 : index
        %get3A_217 = tpu.vector_load %arg8[%get3A_215, %get3A_216] {strides = array<i32>} : memref<512x64xf32, #tpu.memory_space<vmem>>, vector<1x16xf32>,
        %get3A_218 = vector.shape_cast %get3A_217 : vector<1x16xf32> to vector<16xf32>
        %max3A_219 = arith.maximumf %select_n3A_214, %get3A_218 : vector<16xf32>
        %select_n3A_220 = arith.select %ne3A_200, %broadcast_in_dim3A_33, %max3A_183 : vector<16xf32>
        %get3A_221 = arith.index_cast %add3A_207 : i32 to index
        %get3A_222 = arith.constant 32 : index
        %get3A_223 = tpu.vector_load %arg8[%get3A_221, %get3A_222] {strides = array<i32>} : memref<512x64xf32, #tpu.memory_space<vmem>>, vector<1x16xf32>,
        %get3A_224 = vector.shape_cast %get3A_223 : vector<1x16xf32> to vector<16xf32>
        %max3A_225 = arith.maximumf %select_n3A_220, %get3A_224 : vector<16xf32>
        %select_n3A_226 = arith.select %ne3A_200, %broadcast_in_dim3A_33, %max3A_189 : vector<16xf32>
        %get3A_227 = arith.index_cast %add3A_207 : i32 to index
        %get3A_228 = arith.constant 48 : index
        %get3A_229 = tpu.vector_load %arg8[%get3A_227, %get3A_228] {strides = array<i32>} : memref<512x64xf32, #tpu.memory_space<vmem>>, vector<1x16xf32>,
        %get3A_230 = vector.shape_cast %get3A_229 : vector<1x16xf32> to vector<16xf32>
        %max3A_231 = arith.maximumf %select_n3A_226, %get3A_230 : vector<16xf32>
        %slice3A_232 = vector.extract_strided_slice %get3A_109 {offsets = [3], sizes = [1], strides = [1]} : vector<16xi32> to vector<1xi32>
        %squeeze3A_233 = vector.extract %slice3A_232[0] : i32 from vector<1xi32>
        %sub3A_234 = arith.subi %squeeze3A_233, %mul3A_7 : i32
        %ge3A_235 = arith.constant 0 : i32
        %ge3A_236 = arith.cmpi sge, %sub3A_234, %ge3A_235 : i32
        %lt3A_237 = arith.constant 320 : i32
        %lt3A_238 = arith.cmpi slt, %sub3A_234, %lt3A_237 : i32
        %and3A_239 = arith.andi %ge3A_236, %lt3A_238 : i1
        %jit3A_240 = arith.constant 320 : i32
        %select_n3A_241 = arith.select %and3A_239, %sub3A_234, %jit3A_240 : i32
        %ne3A_242 = arith.cmpi ne, %select_n3A_241, %select_n3A_199 : i32
        %convert_element_type3A_243 = arith.extui %ne3A_242 : i1 to i32
        %cond3A_244 = arith.constant 0 : i32
        %cond3A_245 = arith.cmpi ne, %convert_element_type3A_243, %cond3A_244 : i32
        scf.if %cond3A_245 {
          %get3A_778 = arith.index_cast %select_n3A_199 : i32 to index
          %get3A_779 = arith.constant 0 : index
          %get3A_780 = tpu.vector_load %arg9[%get3A_778, %get3A_779] {strides = array<i32>} : memref<336x64xf32, #tpu.memory_space<vmem>>, vector<1x16xf32>,
          %get3A_781 = vector.shape_cast %get3A_780 : vector<1x16xf32> to vector<16xf32>
          %max3A_782 = arith.maximumf %get3A_781, %max3A_213 : vector<16xf32>
          %swap3A_783 = arith.index_cast %select_n3A_199 : i32 to index
          %swap3A_784 = arith.constant 0 : index
          %swap3A_785 = tpu.vector_load %arg9[%swap3A_783, %swap3A_784] {strides = array<i32>} : memref<336x64xf32, #tpu.memory_space<vmem>>, vector<1x16xf32>,
          %swap3A_786 = vector.shape_cast %swap3A_785 : vector<1x16xf32> to vector<16xf32>
          %swap3A_787 = vector.shape_cast %max3A_782 : vector<16xf32> to vector<1x16xf32>
          tpu.vector_store %arg9[%swap3A_783, %swap3A_784], %swap3A_787 {strides = array<i32>} : memref<336x64xf32, #tpu.memory_space<vmem>>, vector<1x16xf32>,
          %get3A_788 = arith.index_cast %select_n3A_199 : i32 to index
          %get3A_789 = arith.constant 16 : index
          %get3A_790 = tpu.vector_load %arg9[%get3A_788, %get3A_789] {strides = array<i32>} : memref<336x64xf32, #tpu.memory_space<vmem>>, vector<1x16xf32>,
          %get3A_791 = vector.shape_cast %get3A_790 : vector<1x16xf32> to vector<16xf32>
          %max3A_792 = arith.maximumf %get3A_791, %max3A_219 : vector<16xf32>
          %swap3A_793 = arith.index_cast %select_n3A_199 : i32 to index
          %swap3A_794 = arith.constant 16 : index
          %swap3A_795 = tpu.vector_load %arg9[%swap3A_793, %swap3A_794] {strides = array<i32>} : memref<336x64xf32, #tpu.memory_space<vmem>>, vector<1x16xf32>,
          %swap3A_796 = vector.shape_cast %swap3A_795 : vector<1x16xf32> to vector<16xf32>
          %swap3A_797 = vector.shape_cast %max3A_792 : vector<16xf32> to vector<1x16xf32>
          tpu.vector_store %arg9[%swap3A_793, %swap3A_794], %swap3A_797 {strides = array<i32>} : memref<336x64xf32, #tpu.memory_space<vmem>>, vector<1x16xf32>,
          %get3A_798 = arith.index_cast %select_n3A_199 : i32 to index
          %get3A_799 = arith.constant 32 : index
          %get3A_800 = tpu.vector_load %arg9[%get3A_798, %get3A_799] {strides = array<i32>} : memref<336x64xf32, #tpu.memory_space<vmem>>, vector<1x16xf32>,
          %get3A_801 = vector.shape_cast %get3A_800 : vector<1x16xf32> to vector<16xf32>
          %max3A_802 = arith.maximumf %get3A_801, %max3A_225 : vector<16xf32>
          %swap3A_803 = arith.index_cast %select_n3A_199 : i32 to index
          %swap3A_804 = arith.constant 32 : index
          %swap3A_805 = tpu.vector_load %arg9[%swap3A_803, %swap3A_804] {strides = array<i32>} : memref<336x64xf32, #tpu.memory_space<vmem>>, vector<1x16xf32>,
          %swap3A_806 = vector.shape_cast %swap3A_805 : vector<1x16xf32> to vector<16xf32>
          %swap3A_807 = vector.shape_cast %max3A_802 : vector<16xf32> to vector<1x16xf32>
          tpu.vector_store %arg9[%swap3A_803, %swap3A_804], %swap3A_807 {strides = array<i32>} : memref<336x64xf32, #tpu.memory_space<vmem>>, vector<1x16xf32>,
          %get3A_808 = arith.index_cast %select_n3A_199 : i32 to index
          %get3A_809 = arith.constant 48 : index
          %get3A_810 = tpu.vector_load %arg9[%get3A_808, %get3A_809] {strides = array<i32>} : memref<336x64xf32, #tpu.memory_space<vmem>>, vector<1x16xf32>,
          %get3A_811 = vector.shape_cast %get3A_810 : vector<1x16xf32> to vector<16xf32>
          %max3A_812 = arith.maximumf %get3A_811, %max3A_231 : vector<16xf32>
          %swap3A_813 = arith.index_cast %select_n3A_199 : i32 to index
          %swap3A_814 = arith.constant 48 : index
          %swap3A_815 = tpu.vector_load %arg9[%swap3A_813, %swap3A_814] {strides = array<i32>} : memref<336x64xf32, #tpu.memory_space<vmem>>, vector<1x16xf32>,
          %swap3A_816 = vector.shape_cast %swap3A_815 : vector<1x16xf32> to vector<16xf32>
          %swap3A_817 = vector.shape_cast %max3A_812 : vector<16xf32> to vector<1x16xf32>
          tpu.vector_store %arg9[%swap3A_813, %swap3A_814], %swap3A_817 {strides = array<i32>} : memref<336x64xf32, #tpu.memory_space<vmem>>, vector<1x16xf32>,
        } else {
        }
        %mul3A_246 = arith.constant 16 : i32
        %mul3A_247 = arith.muli %scan3A_99, %mul3A_246 : i32
        %add3A_248 = arith.constant 3 : i32
        %add3A_249 = arith.addi %mul3A_247, %add3A_248 : i32
        %select_n3A_250 = arith.select %ne3A_242, %broadcast_in_dim3A_33, %max3A_213 : vector<16xf32>
        %get3A_251 = arith.index_cast %add3A_249 : i32 to index
        %get3A_252 = arith.constant 0 : index
        %get3A_253 = tpu.vector_load %arg8[%get3A_251, %get3A_252] {strides = array<i32>} : memref<512x64xf32, #tpu.memory_space<vmem>>, vector<1x16xf32>,
        %get3A_254 = vector.shape_cast %get3A_253 : vector<1x16xf32> to vector<16xf32>
        %max3A_255 = arith.maximumf %select_n3A_250, %get3A_254 : vector<16xf32>
        %select_n3A_256 = arith.select %ne3A_242, %broadcast_in_dim3A_33, %max3A_219 : vector<16xf32>
        %get3A_257 = arith.index_cast %add3A_249 : i32 to index
        %get3A_258 = arith.constant 16 : index
        %get3A_259 = tpu.vector_load %arg8[%get3A_257, %get3A_258] {strides = array<i32>} : memref<512x64xf32, #tpu.memory_space<vmem>>, vector<1x16xf32>,
        %get3A_260 = vector.shape_cast %get3A_259 : vector<1x16xf32> to vector<16xf32>
        %max3A_261 = arith.maximumf %select_n3A_256, %get3A_260 : vector<16xf32>
        %select_n3A_262 = arith.select %ne3A_242, %broadcast_in_dim3A_33, %max3A_225 : vector<16xf32>
        %get3A_263 = arith.index_cast %add3A_249 : i32 to index
        %get3A_264 = arith.constant 32 : index
        %get3A_265 = tpu.vector_load %arg8[%get3A_263, %get3A_264] {strides = array<i32>} : memref<512x64xf32, #tpu.memory_space<vmem>>, vector<1x16xf32>,
        %get3A_266 = vector.shape_cast %get3A_265 : vector<1x16xf32> to vector<16xf32>
        %max3A_267 = arith.maximumf %select_n3A_262, %get3A_266 : vector<16xf32>
        %select_n3A_268 = arith.select %ne3A_242, %broadcast_in_dim3A_33, %max3A_231 : vector<16xf32>
        %get3A_269 = arith.index_cast %add3A_249 : i32 to index
        %get3A_270 = arith.constant 48 : index
        %get3A_271 = tpu.vector_load %arg8[%get3A_269, %get3A_270] {strides = array<i32>} : memref<512x64xf32, #tpu.memory_space<vmem>>, vector<1x16xf32>,
        %get3A_272 = vector.shape_cast %get3A_271 : vector<1x16xf32> to vector<16xf32>
        %max3A_273 = arith.maximumf %select_n3A_268, %get3A_272 : vector<16xf32>
        %slice3A_274 = vector.extract_strided_slice %get3A_109 {offsets = [4], sizes = [1], strides = [1]} : vector<16xi32> to vector<1xi32>
        %squeeze3A_275 = vector.extract %slice3A_274[0] : i32 from vector<1xi32>
        %sub3A_276 = arith.subi %squeeze3A_275, %mul3A_7 : i32
        %ge3A_277 = arith.constant 0 : i32
        %ge3A_278 = arith.cmpi sge, %sub3A_276, %ge3A_277 : i32
        %lt3A_279 = arith.constant 320 : i32
        %lt3A_280 = arith.cmpi slt, %sub3A_276, %lt3A_279 : i32
        %and3A_281 = arith.andi %ge3A_278, %lt3A_280 : i1
        %jit3A_282 = arith.constant 320 : i32
        %select_n3A_283 = arith.select %and3A_281, %sub3A_276, %jit3A_282 : i32
        %ne3A_284 = arith.cmpi ne, %select_n3A_283, %select_n3A_241 : i32
        %convert_element_type3A_285 = arith.extui %ne3A_284 : i1 to i32
        %cond3A_286 = arith.constant 0 : i32
        %cond3A_287 = arith.cmpi ne, %convert_element_type3A_285, %cond3A_286 : i32
        scf.if %cond3A_287 {
          %get3A_778 = arith.index_cast %select_n3A_241 : i32 to index
          %get3A_779 = arith.constant 0 : index
          %get3A_780 = tpu.vector_load %arg9[%get3A_778, %get3A_779] {strides = array<i32>} : memref<336x64xf32, #tpu.memory_space<vmem>>, vector<1x16xf32>,
          %get3A_781 = vector.shape_cast %get3A_780 : vector<1x16xf32> to vector<16xf32>
          %max3A_782 = arith.maximumf %get3A_781, %max3A_255 : vector<16xf32>
          %swap3A_783 = arith.index_cast %select_n3A_241 : i32 to index
          %swap3A_784 = arith.constant 0 : index
          %swap3A_785 = tpu.vector_load %arg9[%swap3A_783, %swap3A_784] {strides = array<i32>} : memref<336x64xf32, #tpu.memory_space<vmem>>, vector<1x16xf32>,
          %swap3A_786 = vector.shape_cast %swap3A_785 : vector<1x16xf32> to vector<16xf32>
          %swap3A_787 = vector.shape_cast %max3A_782 : vector<16xf32> to vector<1x16xf32>
          tpu.vector_store %arg9[%swap3A_783, %swap3A_784], %swap3A_787 {strides = array<i32>} : memref<336x64xf32, #tpu.memory_space<vmem>>, vector<1x16xf32>,
          %get3A_788 = arith.index_cast %select_n3A_241 : i32 to index
          %get3A_789 = arith.constant 16 : index
          %get3A_790 = tpu.vector_load %arg9[%get3A_788, %get3A_789] {strides = array<i32>} : memref<336x64xf32, #tpu.memory_space<vmem>>, vector<1x16xf32>,
          %get3A_791 = vector.shape_cast %get3A_790 : vector<1x16xf32> to vector<16xf32>
          %max3A_792 = arith.maximumf %get3A_791, %max3A_261 : vector<16xf32>
          %swap3A_793 = arith.index_cast %select_n3A_241 : i32 to index
          %swap3A_794 = arith.constant 16 : index
          %swap3A_795 = tpu.vector_load %arg9[%swap3A_793, %swap3A_794] {strides = array<i32>} : memref<336x64xf32, #tpu.memory_space<vmem>>, vector<1x16xf32>,
          %swap3A_796 = vector.shape_cast %swap3A_795 : vector<1x16xf32> to vector<16xf32>
          %swap3A_797 = vector.shape_cast %max3A_792 : vector<16xf32> to vector<1x16xf32>
          tpu.vector_store %arg9[%swap3A_793, %swap3A_794], %swap3A_797 {strides = array<i32>} : memref<336x64xf32, #tpu.memory_space<vmem>>, vector<1x16xf32>,
          %get3A_798 = arith.index_cast %select_n3A_241 : i32 to index
          %get3A_799 = arith.constant 32 : index
          %get3A_800 = tpu.vector_load %arg9[%get3A_798, %get3A_799] {strides = array<i32>} : memref<336x64xf32, #tpu.memory_space<vmem>>, vector<1x16xf32>,
          %get3A_801 = vector.shape_cast %get3A_800 : vector<1x16xf32> to vector<16xf32>
          %max3A_802 = arith.maximumf %get3A_801, %max3A_267 : vector<16xf32>
          %swap3A_803 = arith.index_cast %select_n3A_241 : i32 to index
          %swap3A_804 = arith.constant 32 : index
          %swap3A_805 = tpu.vector_load %arg9[%swap3A_803, %swap3A_804] {strides = array<i32>} : memref<336x64xf32, #tpu.memory_space<vmem>>, vector<1x16xf32>,
          %swap3A_806 = vector.shape_cast %swap3A_805 : vector<1x16xf32> to vector<16xf32>
          %swap3A_807 = vector.shape_cast %max3A_802 : vector<16xf32> to vector<1x16xf32>
          tpu.vector_store %arg9[%swap3A_803, %swap3A_804], %swap3A_807 {strides = array<i32>} : memref<336x64xf32, #tpu.memory_space<vmem>>, vector<1x16xf32>,
          %get3A_808 = arith.index_cast %select_n3A_241 : i32 to index
          %get3A_809 = arith.constant 48 : index
          %get3A_810 = tpu.vector_load %arg9[%get3A_808, %get3A_809] {strides = array<i32>} : memref<336x64xf32, #tpu.memory_space<vmem>>, vector<1x16xf32>,
          %get3A_811 = vector.shape_cast %get3A_810 : vector<1x16xf32> to vector<16xf32>
          %max3A_812 = arith.maximumf %get3A_811, %max3A_273 : vector<16xf32>
          %swap3A_813 = arith.index_cast %select_n3A_241 : i32 to index
          %swap3A_814 = arith.constant 48 : index
          %swap3A_815 = tpu.vector_load %arg9[%swap3A_813, %swap3A_814] {strides = array<i32>} : memref<336x64xf32, #tpu.memory_space<vmem>>, vector<1x16xf32>,
          %swap3A_816 = vector.shape_cast %swap3A_815 : vector<1x16xf32> to vector<16xf32>
          %swap3A_817 = vector.shape_cast %max3A_812 : vector<16xf32> to vector<1x16xf32>
          tpu.vector_store %arg9[%swap3A_813, %swap3A_814], %swap3A_817 {strides = array<i32>} : memref<336x64xf32, #tpu.memory_space<vmem>>, vector<1x16xf32>,
        } else {
        }
        %mul3A_288 = arith.constant 16 : i32
        %mul3A_289 = arith.muli %scan3A_99, %mul3A_288 : i32
        %add3A_290 = arith.constant 4 : i32
        %add3A_291 = arith.addi %mul3A_289, %add3A_290 : i32
        %select_n3A_292 = arith.select %ne3A_284, %broadcast_in_dim3A_33, %max3A_255 : vector<16xf32>
        %get3A_293 = arith.index_cast %add3A_291 : i32 to index
        %get3A_294 = arith.constant 0 : index
        %get3A_295 = tpu.vector_load %arg8[%get3A_293, %get3A_294] {strides = array<i32>} : memref<512x64xf32, #tpu.memory_space<vmem>>, vector<1x16xf32>,
        %get3A_296 = vector.shape_cast %get3A_295 : vector<1x16xf32> to vector<16xf32>
        %max3A_297 = arith.maximumf %select_n3A_292, %get3A_296 : vector<16xf32>
        %select_n3A_298 = arith.select %ne3A_284, %broadcast_in_dim3A_33, %max3A_261 : vector<16xf32>
        %get3A_299 = arith.index_cast %add3A_291 : i32 to index
        %get3A_300 = arith.constant 16 : index
        %get3A_301 = tpu.vector_load %arg8[%get3A_299, %get3A_300] {strides = array<i32>} : memref<512x64xf32, #tpu.memory_space<vmem>>, vector<1x16xf32>,
        %get3A_302 = vector.shape_cast %get3A_301 : vector<1x16xf32> to vector<16xf32>
        %max3A_303 = arith.maximumf %select_n3A_298, %get3A_302 : vector<16xf32>
        %select_n3A_304 = arith.select %ne3A_284, %broadcast_in_dim3A_33, %max3A_267 : vector<16xf32>
        %get3A_305 = arith.index_cast %add3A_291 : i32 to index
        %get3A_306 = arith.constant 32 : index
        %get3A_307 = tpu.vector_load %arg8[%get3A_305, %get3A_306] {strides = array<i32>} : memref<512x64xf32, #tpu.memory_space<vmem>>, vector<1x16xf32>,
        %get3A_308 = vector.shape_cast %get3A_307 : vector<1x16xf32> to vector<16xf32>
        %max3A_309 = arith.maximumf %select_n3A_304, %get3A_308 : vector<16xf32>
        %select_n3A_310 = arith.select %ne3A_284, %broadcast_in_dim3A_33, %max3A_273 : vector<16xf32>
        %get3A_311 = arith.index_cast %add3A_291 : i32 to index
        %get3A_312 = arith.constant 48 : index
        %get3A_313 = tpu.vector_load %arg8[%get3A_311, %get3A_312] {strides = array<i32>} : memref<512x64xf32, #tpu.memory_space<vmem>>, vector<1x16xf32>,
        %get3A_314 = vector.shape_cast %get3A_313 : vector<1x16xf32> to vector<16xf32>
        %max3A_315 = arith.maximumf %select_n3A_310, %get3A_314 : vector<16xf32>
        %slice3A_316 = vector.extract_strided_slice %get3A_109 {offsets = [5], sizes = [1], strides = [1]} : vector<16xi32> to vector<1xi32>
        %squeeze3A_317 = vector.extract %slice3A_316[0] : i32 from vector<1xi32>
        %sub3A_318 = arith.subi %squeeze3A_317, %mul3A_7 : i32
        %ge3A_319 = arith.constant 0 : i32
        %ge3A_320 = arith.cmpi sge, %sub3A_318, %ge3A_319 : i32
        %lt3A_321 = arith.constant 320 : i32
        %lt3A_322 = arith.cmpi slt, %sub3A_318, %lt3A_321 : i32
        %and3A_323 = arith.andi %ge3A_320, %lt3A_322 : i1
        %jit3A_324 = arith.constant 320 : i32
        %select_n3A_325 = arith.select %and3A_323, %sub3A_318, %jit3A_324 : i32
        %ne3A_326 = arith.cmpi ne, %select_n3A_325, %select_n3A_283 : i32
        %convert_element_type3A_327 = arith.extui %ne3A_326 : i1 to i32
        %cond3A_328 = arith.constant 0 : i32
        %cond3A_329 = arith.cmpi ne, %convert_element_type3A_327, %cond3A_328 : i32
        scf.if %cond3A_329 {
          %get3A_778 = arith.index_cast %select_n3A_283 : i32 to index
          %get3A_779 = arith.constant 0 : index
          %get3A_780 = tpu.vector_load %arg9[%get3A_778, %get3A_779] {strides = array<i32>} : memref<336x64xf32, #tpu.memory_space<vmem>>, vector<1x16xf32>,
          %get3A_781 = vector.shape_cast %get3A_780 : vector<1x16xf32> to vector<16xf32>
          %max3A_782 = arith.maximumf %get3A_781, %max3A_297 : vector<16xf32>
          %swap3A_783 = arith.index_cast %select_n3A_283 : i32 to index
          %swap3A_784 = arith.constant 0 : index
          %swap3A_785 = tpu.vector_load %arg9[%swap3A_783, %swap3A_784] {strides = array<i32>} : memref<336x64xf32, #tpu.memory_space<vmem>>, vector<1x16xf32>,
          %swap3A_786 = vector.shape_cast %swap3A_785 : vector<1x16xf32> to vector<16xf32>
          %swap3A_787 = vector.shape_cast %max3A_782 : vector<16xf32> to vector<1x16xf32>
          tpu.vector_store %arg9[%swap3A_783, %swap3A_784], %swap3A_787 {strides = array<i32>} : memref<336x64xf32, #tpu.memory_space<vmem>>, vector<1x16xf32>,
          %get3A_788 = arith.index_cast %select_n3A_283 : i32 to index
          %get3A_789 = arith.constant 16 : index
          %get3A_790 = tpu.vector_load %arg9[%get3A_788, %get3A_789] {strides = array<i32>} : memref<336x64xf32, #tpu.memory_space<vmem>>, vector<1x16xf32>,
          %get3A_791 = vector.shape_cast %get3A_790 : vector<1x16xf32> to vector<16xf32>
          %max3A_792 = arith.maximumf %get3A_791, %max3A_303 : vector<16xf32>
          %swap3A_793 = arith.index_cast %select_n3A_283 : i32 to index
          %swap3A_794 = arith.constant 16 : index
          %swap3A_795 = tpu.vector_load %arg9[%swap3A_793, %swap3A_794] {strides = array<i32>} : memref<336x64xf32, #tpu.memory_space<vmem>>, vector<1x16xf32>,
          %swap3A_796 = vector.shape_cast %swap3A_795 : vector<1x16xf32> to vector<16xf32>
          %swap3A_797 = vector.shape_cast %max3A_792 : vector<16xf32> to vector<1x16xf32>
          tpu.vector_store %arg9[%swap3A_793, %swap3A_794], %swap3A_797 {strides = array<i32>} : memref<336x64xf32, #tpu.memory_space<vmem>>, vector<1x16xf32>,
          %get3A_798 = arith.index_cast %select_n3A_283 : i32 to index
          %get3A_799 = arith.constant 32 : index
          %get3A_800 = tpu.vector_load %arg9[%get3A_798, %get3A_799] {strides = array<i32>} : memref<336x64xf32, #tpu.memory_space<vmem>>, vector<1x16xf32>,
          %get3A_801 = vector.shape_cast %get3A_800 : vector<1x16xf32> to vector<16xf32>
          %max3A_802 = arith.maximumf %get3A_801, %max3A_309 : vector<16xf32>
          %swap3A_803 = arith.index_cast %select_n3A_283 : i32 to index
          %swap3A_804 = arith.constant 32 : index
          %swap3A_805 = tpu.vector_load %arg9[%swap3A_803, %swap3A_804] {strides = array<i32>} : memref<336x64xf32, #tpu.memory_space<vmem>>, vector<1x16xf32>,
          %swap3A_806 = vector.shape_cast %swap3A_805 : vector<1x16xf32> to vector<16xf32>
          %swap3A_807 = vector.shape_cast %max3A_802 : vector<16xf32> to vector<1x16xf32>
          tpu.vector_store %arg9[%swap3A_803, %swap3A_804], %swap3A_807 {strides = array<i32>} : memref<336x64xf32, #tpu.memory_space<vmem>>, vector<1x16xf32>,
          %get3A_808 = arith.index_cast %select_n3A_283 : i32 to index
          %get3A_809 = arith.constant 48 : index
          %get3A_810 = tpu.vector_load %arg9[%get3A_808, %get3A_809] {strides = array<i32>} : memref<336x64xf32, #tpu.memory_space<vmem>>, vector<1x16xf32>,
          %get3A_811 = vector.shape_cast %get3A_810 : vector<1x16xf32> to vector<16xf32>
          %max3A_812 = arith.maximumf %get3A_811, %max3A_315 : vector<16xf32>
          %swap3A_813 = arith.index_cast %select_n3A_283 : i32 to index
          %swap3A_814 = arith.constant 48 : index
          %swap3A_815 = tpu.vector_load %arg9[%swap3A_813, %swap3A_814] {strides = array<i32>} : memref<336x64xf32, #tpu.memory_space<vmem>>, vector<1x16xf32>,
          %swap3A_816 = vector.shape_cast %swap3A_815 : vector<1x16xf32> to vector<16xf32>
          %swap3A_817 = vector.shape_cast %max3A_812 : vector<16xf32> to vector<1x16xf32>
          tpu.vector_store %arg9[%swap3A_813, %swap3A_814], %swap3A_817 {strides = array<i32>} : memref<336x64xf32, #tpu.memory_space<vmem>>, vector<1x16xf32>,
        } else {
        }
        %mul3A_330 = arith.constant 16 : i32
        %mul3A_331 = arith.muli %scan3A_99, %mul3A_330 : i32
        %add3A_332 = arith.constant 5 : i32
        %add3A_333 = arith.addi %mul3A_331, %add3A_332 : i32
        %select_n3A_334 = arith.select %ne3A_326, %broadcast_in_dim3A_33, %max3A_297 : vector<16xf32>
        %get3A_335 = arith.index_cast %add3A_333 : i32 to index
        %get3A_336 = arith.constant 0 : index
        %get3A_337 = tpu.vector_load %arg8[%get3A_335, %get3A_336] {strides = array<i32>} : memref<512x64xf32, #tpu.memory_space<vmem>>, vector<1x16xf32>,
        %get3A_338 = vector.shape_cast %get3A_337 : vector<1x16xf32> to vector<16xf32>
        %max3A_339 = arith.maximumf %select_n3A_334, %get3A_338 : vector<16xf32>
        %select_n3A_340 = arith.select %ne3A_326, %broadcast_in_dim3A_33, %max3A_303 : vector<16xf32>
        %get3A_341 = arith.index_cast %add3A_333 : i32 to index
        %get3A_342 = arith.constant 16 : index
        %get3A_343 = tpu.vector_load %arg8[%get3A_341, %get3A_342] {strides = array<i32>} : memref<512x64xf32, #tpu.memory_space<vmem>>, vector<1x16xf32>,
        %get3A_344 = vector.shape_cast %get3A_343 : vector<1x16xf32> to vector<16xf32>
        %max3A_345 = arith.maximumf %select_n3A_340, %get3A_344 : vector<16xf32>
        %select_n3A_346 = arith.select %ne3A_326, %broadcast_in_dim3A_33, %max3A_309 : vector<16xf32>
        %get3A_347 = arith.index_cast %add3A_333 : i32 to index
        %get3A_348 = arith.constant 32 : index
        %get3A_349 = tpu.vector_load %arg8[%get3A_347, %get3A_348] {strides = array<i32>} : memref<512x64xf32, #tpu.memory_space<vmem>>, vector<1x16xf32>,
        %get3A_350 = vector.shape_cast %get3A_349 : vector<1x16xf32> to vector<16xf32>
        %max3A_351 = arith.maximumf %select_n3A_346, %get3A_350 : vector<16xf32>
        %select_n3A_352 = arith.select %ne3A_326, %broadcast_in_dim3A_33, %max3A_315 : vector<16xf32>
        %get3A_353 = arith.index_cast %add3A_333 : i32 to index
        %get3A_354 = arith.constant 48 : index
        %get3A_355 = tpu.vector_load %arg8[%get3A_353, %get3A_354] {strides = array<i32>} : memref<512x64xf32, #tpu.memory_space<vmem>>, vector<1x16xf32>,
        %get3A_356 = vector.shape_cast %get3A_355 : vector<1x16xf32> to vector<16xf32>
        %max3A_357 = arith.maximumf %select_n3A_352, %get3A_356 : vector<16xf32>
        %slice3A_358 = vector.extract_strided_slice %get3A_109 {offsets = [6], sizes = [1], strides = [1]} : vector<16xi32> to vector<1xi32>
        %squeeze3A_359 = vector.extract %slice3A_358[0] : i32 from vector<1xi32>
        %sub3A_360 = arith.subi %squeeze3A_359, %mul3A_7 : i32
        %ge3A_361 = arith.constant 0 : i32
        %ge3A_362 = arith.cmpi sge, %sub3A_360, %ge3A_361 : i32
        %lt3A_363 = arith.constant 320 : i32
        %lt3A_364 = arith.cmpi slt, %sub3A_360, %lt3A_363 : i32
        %and3A_365 = arith.andi %ge3A_362, %lt3A_364 : i1
        %jit3A_366 = arith.constant 320 : i32
        %select_n3A_367 = arith.select %and3A_365, %sub3A_360, %jit3A_366 : i32
        %ne3A_368 = arith.cmpi ne, %select_n3A_367, %select_n3A_325 : i32
        %convert_element_type3A_369 = arith.extui %ne3A_368 : i1 to i32
        %cond3A_370 = arith.constant 0 : i32
        %cond3A_371 = arith.cmpi ne, %convert_element_type3A_369, %cond3A_370 : i32
        scf.if %cond3A_371 {
          %get3A_778 = arith.index_cast %select_n3A_325 : i32 to index
          %get3A_779 = arith.constant 0 : index
          %get3A_780 = tpu.vector_load %arg9[%get3A_778, %get3A_779] {strides = array<i32>} : memref<336x64xf32, #tpu.memory_space<vmem>>, vector<1x16xf32>,
          %get3A_781 = vector.shape_cast %get3A_780 : vector<1x16xf32> to vector<16xf32>
          %max3A_782 = arith.maximumf %get3A_781, %max3A_339 : vector<16xf32>
          %swap3A_783 = arith.index_cast %select_n3A_325 : i32 to index
          %swap3A_784 = arith.constant 0 : index
          %swap3A_785 = tpu.vector_load %arg9[%swap3A_783, %swap3A_784] {strides = array<i32>} : memref<336x64xf32, #tpu.memory_space<vmem>>, vector<1x16xf32>,
          %swap3A_786 = vector.shape_cast %swap3A_785 : vector<1x16xf32> to vector<16xf32>
          %swap3A_787 = vector.shape_cast %max3A_782 : vector<16xf32> to vector<1x16xf32>
          tpu.vector_store %arg9[%swap3A_783, %swap3A_784], %swap3A_787 {strides = array<i32>} : memref<336x64xf32, #tpu.memory_space<vmem>>, vector<1x16xf32>,
          %get3A_788 = arith.index_cast %select_n3A_325 : i32 to index
          %get3A_789 = arith.constant 16 : index
          %get3A_790 = tpu.vector_load %arg9[%get3A_788, %get3A_789] {strides = array<i32>} : memref<336x64xf32, #tpu.memory_space<vmem>>, vector<1x16xf32>,
          %get3A_791 = vector.shape_cast %get3A_790 : vector<1x16xf32> to vector<16xf32>
          %max3A_792 = arith.maximumf %get3A_791, %max3A_345 : vector<16xf32>
          %swap3A_793 = arith.index_cast %select_n3A_325 : i32 to index
          %swap3A_794 = arith.constant 16 : index
          %swap3A_795 = tpu.vector_load %arg9[%swap3A_793, %swap3A_794] {strides = array<i32>} : memref<336x64xf32, #tpu.memory_space<vmem>>, vector<1x16xf32>,
          %swap3A_796 = vector.shape_cast %swap3A_795 : vector<1x16xf32> to vector<16xf32>
          %swap3A_797 = vector.shape_cast %max3A_792 : vector<16xf32> to vector<1x16xf32>
          tpu.vector_store %arg9[%swap3A_793, %swap3A_794], %swap3A_797 {strides = array<i32>} : memref<336x64xf32, #tpu.memory_space<vmem>>, vector<1x16xf32>,
          %get3A_798 = arith.index_cast %select_n3A_325 : i32 to index
          %get3A_799 = arith.constant 32 : index
          %get3A_800 = tpu.vector_load %arg9[%get3A_798, %get3A_799] {strides = array<i32>} : memref<336x64xf32, #tpu.memory_space<vmem>>, vector<1x16xf32>,
          %get3A_801 = vector.shape_cast %get3A_800 : vector<1x16xf32> to vector<16xf32>
          %max3A_802 = arith.maximumf %get3A_801, %max3A_351 : vector<16xf32>
          %swap3A_803 = arith.index_cast %select_n3A_325 : i32 to index
          %swap3A_804 = arith.constant 32 : index
          %swap3A_805 = tpu.vector_load %arg9[%swap3A_803, %swap3A_804] {strides = array<i32>} : memref<336x64xf32, #tpu.memory_space<vmem>>, vector<1x16xf32>,
          %swap3A_806 = vector.shape_cast %swap3A_805 : vector<1x16xf32> to vector<16xf32>
          %swap3A_807 = vector.shape_cast %max3A_802 : vector<16xf32> to vector<1x16xf32>
          tpu.vector_store %arg9[%swap3A_803, %swap3A_804], %swap3A_807 {strides = array<i32>} : memref<336x64xf32, #tpu.memory_space<vmem>>, vector<1x16xf32>,
          %get3A_808 = arith.index_cast %select_n3A_325 : i32 to index
          %get3A_809 = arith.constant 48 : index
          %get3A_810 = tpu.vector_load %arg9[%get3A_808, %get3A_809] {strides = array<i32>} : memref<336x64xf32, #tpu.memory_space<vmem>>, vector<1x16xf32>,
          %get3A_811 = vector.shape_cast %get3A_810 : vector<1x16xf32> to vector<16xf32>
          %max3A_812 = arith.maximumf %get3A_811, %max3A_357 : vector<16xf32>
          %swap3A_813 = arith.index_cast %select_n3A_325 : i32 to index
          %swap3A_814 = arith.constant 48 : index
          %swap3A_815 = tpu.vector_load %arg9[%swap3A_813, %swap3A_814] {strides = array<i32>} : memref<336x64xf32, #tpu.memory_space<vmem>>, vector<1x16xf32>,
          %swap3A_816 = vector.shape_cast %swap3A_815 : vector<1x16xf32> to vector<16xf32>
          %swap3A_817 = vector.shape_cast %max3A_812 : vector<16xf32> to vector<1x16xf32>
          tpu.vector_store %arg9[%swap3A_813, %swap3A_814], %swap3A_817 {strides = array<i32>} : memref<336x64xf32, #tpu.memory_space<vmem>>, vector<1x16xf32>,
        } else {
        }
        %mul3A_372 = arith.constant 16 : i32
        %mul3A_373 = arith.muli %scan3A_99, %mul3A_372 : i32
        %add3A_374 = arith.constant 6 : i32
        %add3A_375 = arith.addi %mul3A_373, %add3A_374 : i32
        %select_n3A_376 = arith.select %ne3A_368, %broadcast_in_dim3A_33, %max3A_339 : vector<16xf32>
        %get3A_377 = arith.index_cast %add3A_375 : i32 to index
        %get3A_378 = arith.constant 0 : index
        %get3A_379 = tpu.vector_load %arg8[%get3A_377, %get3A_378] {strides = array<i32>} : memref<512x64xf32, #tpu.memory_space<vmem>>, vector<1x16xf32>,
        %get3A_380 = vector.shape_cast %get3A_379 : vector<1x16xf32> to vector<16xf32>
        %max3A_381 = arith.maximumf %select_n3A_376, %get3A_380 : vector<16xf32>
        %select_n3A_382 = arith.select %ne3A_368, %broadcast_in_dim3A_33, %max3A_345 : vector<16xf32>
        %get3A_383 = arith.index_cast %add3A_375 : i32 to index
        %get3A_384 = arith.constant 16 : index
        %get3A_385 = tpu.vector_load %arg8[%get3A_383, %get3A_384] {strides = array<i32>} : memref<512x64xf32, #tpu.memory_space<vmem>>, vector<1x16xf32>,
        %get3A_386 = vector.shape_cast %get3A_385 : vector<1x16xf32> to vector<16xf32>
        %max3A_387 = arith.maximumf %select_n3A_382, %get3A_386 : vector<16xf32>
        %select_n3A_388 = arith.select %ne3A_368, %broadcast_in_dim3A_33, %max3A_351 : vector<16xf32>
        %get3A_389 = arith.index_cast %add3A_375 : i32 to index
        %get3A_390 = arith.constant 32 : index
        %get3A_391 = tpu.vector_load %arg8[%get3A_389, %get3A_390] {strides = array<i32>} : memref<512x64xf32, #tpu.memory_space<vmem>>, vector<1x16xf32>,
        %get3A_392 = vector.shape_cast %get3A_391 : vector<1x16xf32> to vector<16xf32>
        %max3A_393 = arith.maximumf %select_n3A_388, %get3A_392 : vector<16xf32>
        %select_n3A_394 = arith.select %ne3A_368, %broadcast_in_dim3A_33, %max3A_357 : vector<16xf32>
        %get3A_395 = arith.index_cast %add3A_375 : i32 to index
        %get3A_396 = arith.constant 48 : index
        %get3A_397 = tpu.vector_load %arg8[%get3A_395, %get3A_396] {strides = array<i32>} : memref<512x64xf32, #tpu.memory_space<vmem>>, vector<1x16xf32>,
        %get3A_398 = vector.shape_cast %get3A_397 : vector<1x16xf32> to vector<16xf32>
        %max3A_399 = arith.maximumf %select_n3A_394, %get3A_398 : vector<16xf32>
        %slice3A_400 = vector.extract_strided_slice %get3A_109 {offsets = [7], sizes = [1], strides = [1]} : vector<16xi32> to vector<1xi32>
        %squeeze3A_401 = vector.extract %slice3A_400[0] : i32 from vector<1xi32>
        %sub3A_402 = arith.subi %squeeze3A_401, %mul3A_7 : i32
        %ge3A_403 = arith.constant 0 : i32
        %ge3A_404 = arith.cmpi sge, %sub3A_402, %ge3A_403 : i32
        %lt3A_405 = arith.constant 320 : i32
        %lt3A_406 = arith.cmpi slt, %sub3A_402, %lt3A_405 : i32
        %and3A_407 = arith.andi %ge3A_404, %lt3A_406 : i1
        %jit3A_408 = arith.constant 320 : i32
        %select_n3A_409 = arith.select %and3A_407, %sub3A_402, %jit3A_408 : i32
        %ne3A_410 = arith.cmpi ne, %select_n3A_409, %select_n3A_367 : i32
        %convert_element_type3A_411 = arith.extui %ne3A_410 : i1 to i32
        %cond3A_412 = arith.constant 0 : i32
        %cond3A_413 = arith.cmpi ne, %convert_element_type3A_411, %cond3A_412 : i32
        scf.if %cond3A_413 {
          %get3A_778 = arith.index_cast %select_n3A_367 : i32 to index
          %get3A_779 = arith.constant 0 : index
          %get3A_780 = tpu.vector_load %arg9[%get3A_778, %get3A_779] {strides = array<i32>} : memref<336x64xf32, #tpu.memory_space<vmem>>, vector<1x16xf32>,
          %get3A_781 = vector.shape_cast %get3A_780 : vector<1x16xf32> to vector<16xf32>
          %max3A_782 = arith.maximumf %get3A_781, %max3A_381 : vector<16xf32>
          %swap3A_783 = arith.index_cast %select_n3A_367 : i32 to index
          %swap3A_784 = arith.constant 0 : index
          %swap3A_785 = tpu.vector_load %arg9[%swap3A_783, %swap3A_784] {strides = array<i32>} : memref<336x64xf32, #tpu.memory_space<vmem>>, vector<1x16xf32>,
          %swap3A_786 = vector.shape_cast %swap3A_785 : vector<1x16xf32> to vector<16xf32>
          %swap3A_787 = vector.shape_cast %max3A_782 : vector<16xf32> to vector<1x16xf32>
          tpu.vector_store %arg9[%swap3A_783, %swap3A_784], %swap3A_787 {strides = array<i32>} : memref<336x64xf32, #tpu.memory_space<vmem>>, vector<1x16xf32>,
          %get3A_788 = arith.index_cast %select_n3A_367 : i32 to index
          %get3A_789 = arith.constant 16 : index
          %get3A_790 = tpu.vector_load %arg9[%get3A_788, %get3A_789] {strides = array<i32>} : memref<336x64xf32, #tpu.memory_space<vmem>>, vector<1x16xf32>,
          %get3A_791 = vector.shape_cast %get3A_790 : vector<1x16xf32> to vector<16xf32>
          %max3A_792 = arith.maximumf %get3A_791, %max3A_387 : vector<16xf32>
          %swap3A_793 = arith.index_cast %select_n3A_367 : i32 to index
          %swap3A_794 = arith.constant 16 : index
          %swap3A_795 = tpu.vector_load %arg9[%swap3A_793, %swap3A_794] {strides = array<i32>} : memref<336x64xf32, #tpu.memory_space<vmem>>, vector<1x16xf32>,
          %swap3A_796 = vector.shape_cast %swap3A_795 : vector<1x16xf32> to vector<16xf32>
          %swap3A_797 = vector.shape_cast %max3A_792 : vector<16xf32> to vector<1x16xf32>
          tpu.vector_store %arg9[%swap3A_793, %swap3A_794], %swap3A_797 {strides = array<i32>} : memref<336x64xf32, #tpu.memory_space<vmem>>, vector<1x16xf32>,
          %get3A_798 = arith.index_cast %select_n3A_367 : i32 to index
          %get3A_799 = arith.constant 32 : index
          %get3A_800 = tpu.vector_load %arg9[%get3A_798, %get3A_799] {strides = array<i32>} : memref<336x64xf32, #tpu.memory_space<vmem>>, vector<1x16xf32>,
          %get3A_801 = vector.shape_cast %get3A_800 : vector<1x16xf32> to vector<16xf32>
          %max3A_802 = arith.maximumf %get3A_801, %max3A_393 : vector<16xf32>
          %swap3A_803 = arith.index_cast %select_n3A_367 : i32 to index
          %swap3A_804 = arith.constant 32 : index
          %swap3A_805 = tpu.vector_load %arg9[%swap3A_803, %swap3A_804] {strides = array<i32>} : memref<336x64xf32, #tpu.memory_space<vmem>>, vector<1x16xf32>,
          %swap3A_806 = vector.shape_cast %swap3A_805 : vector<1x16xf32> to vector<16xf32>
          %swap3A_807 = vector.shape_cast %max3A_802 : vector<16xf32> to vector<1x16xf32>
          tpu.vector_store %arg9[%swap3A_803, %swap3A_804], %swap3A_807 {strides = array<i32>} : memref<336x64xf32, #tpu.memory_space<vmem>>, vector<1x16xf32>,
          %get3A_808 = arith.index_cast %select_n3A_367 : i32 to index
          %get3A_809 = arith.constant 48 : index
          %get3A_810 = tpu.vector_load %arg9[%get3A_808, %get3A_809] {strides = array<i32>} : memref<336x64xf32, #tpu.memory_space<vmem>>, vector<1x16xf32>,
          %get3A_811 = vector.shape_cast %get3A_810 : vector<1x16xf32> to vector<16xf32>
          %max3A_812 = arith.maximumf %get3A_811, %max3A_399 : vector<16xf32>
          %swap3A_813 = arith.index_cast %select_n3A_367 : i32 to index
          %swap3A_814 = arith.constant 48 : index
          %swap3A_815 = tpu.vector_load %arg9[%swap3A_813, %swap3A_814] {strides = array<i32>} : memref<336x64xf32, #tpu.memory_space<vmem>>, vector<1x16xf32>,
          %swap3A_816 = vector.shape_cast %swap3A_815 : vector<1x16xf32> to vector<16xf32>
          %swap3A_817 = vector.shape_cast %max3A_812 : vector<16xf32> to vector<1x16xf32>
          tpu.vector_store %arg9[%swap3A_813, %swap3A_814], %swap3A_817 {strides = array<i32>} : memref<336x64xf32, #tpu.memory_space<vmem>>, vector<1x16xf32>,
        } else {
        }
        %mul3A_414 = arith.constant 16 : i32
        %mul3A_415 = arith.muli %scan3A_99, %mul3A_414 : i32
        %add3A_416 = arith.constant 7 : i32
        %add3A_417 = arith.addi %mul3A_415, %add3A_416 : i32
        %select_n3A_418 = arith.select %ne3A_410, %broadcast_in_dim3A_33, %max3A_381 : vector<16xf32>
        %get3A_419 = arith.index_cast %add3A_417 : i32 to index
        %get3A_420 = arith.constant 0 : index
        %get3A_421 = tpu.vector_load %arg8[%get3A_419, %get3A_420] {strides = array<i32>} : memref<512x64xf32, #tpu.memory_space<vmem>>, vector<1x16xf32>,
        %get3A_422 = vector.shape_cast %get3A_421 : vector<1x16xf32> to vector<16xf32>
        %max3A_423 = arith.maximumf %select_n3A_418, %get3A_422 : vector<16xf32>
        %select_n3A_424 = arith.select %ne3A_410, %broadcast_in_dim3A_33, %max3A_387 : vector<16xf32>
        %get3A_425 = arith.index_cast %add3A_417 : i32 to index
        %get3A_426 = arith.constant 16 : index
        %get3A_427 = tpu.vector_load %arg8[%get3A_425, %get3A_426] {strides = array<i32>} : memref<512x64xf32, #tpu.memory_space<vmem>>, vector<1x16xf32>,
        %get3A_428 = vector.shape_cast %get3A_427 : vector<1x16xf32> to vector<16xf32>
        %max3A_429 = arith.maximumf %select_n3A_424, %get3A_428 : vector<16xf32>
        %select_n3A_430 = arith.select %ne3A_410, %broadcast_in_dim3A_33, %max3A_393 : vector<16xf32>
        %get3A_431 = arith.index_cast %add3A_417 : i32 to index
        %get3A_432 = arith.constant 32 : index
        %get3A_433 = tpu.vector_load %arg8[%get3A_431, %get3A_432] {strides = array<i32>} : memref<512x64xf32, #tpu.memory_space<vmem>>, vector<1x16xf32>,
        %get3A_434 = vector.shape_cast %get3A_433 : vector<1x16xf32> to vector<16xf32>
        %max3A_435 = arith.maximumf %select_n3A_430, %get3A_434 : vector<16xf32>
        %select_n3A_436 = arith.select %ne3A_410, %broadcast_in_dim3A_33, %max3A_399 : vector<16xf32>
        %get3A_437 = arith.index_cast %add3A_417 : i32 to index
        %get3A_438 = arith.constant 48 : index
        %get3A_439 = tpu.vector_load %arg8[%get3A_437, %get3A_438] {strides = array<i32>} : memref<512x64xf32, #tpu.memory_space<vmem>>, vector<1x16xf32>,
        %get3A_440 = vector.shape_cast %get3A_439 : vector<1x16xf32> to vector<16xf32>
        %max3A_441 = arith.maximumf %select_n3A_436, %get3A_440 : vector<16xf32>
        %slice3A_442 = vector.extract_strided_slice %get3A_109 {offsets = [8], sizes = [1], strides = [1]} : vector<16xi32> to vector<1xi32>
        %squeeze3A_443 = vector.extract %slice3A_442[0] : i32 from vector<1xi32>
        %sub3A_444 = arith.subi %squeeze3A_443, %mul3A_7 : i32
        %ge3A_445 = arith.constant 0 : i32
        %ge3A_446 = arith.cmpi sge, %sub3A_444, %ge3A_445 : i32
        %lt3A_447 = arith.constant 320 : i32
        %lt3A_448 = arith.cmpi slt, %sub3A_444, %lt3A_447 : i32
        %and3A_449 = arith.andi %ge3A_446, %lt3A_448 : i1
        %jit3A_450 = arith.constant 320 : i32
        %select_n3A_451 = arith.select %and3A_449, %sub3A_444, %jit3A_450 : i32
        %ne3A_452 = arith.cmpi ne, %select_n3A_451, %select_n3A_409 : i32
        %convert_element_type3A_453 = arith.extui %ne3A_452 : i1 to i32
        %cond3A_454 = arith.constant 0 : i32
        %cond3A_455 = arith.cmpi ne, %convert_element_type3A_453, %cond3A_454 : i32
        scf.if %cond3A_455 {
          %get3A_778 = arith.index_cast %select_n3A_409 : i32 to index
          %get3A_779 = arith.constant 0 : index
          %get3A_780 = tpu.vector_load %arg9[%get3A_778, %get3A_779] {strides = array<i32>} : memref<336x64xf32, #tpu.memory_space<vmem>>, vector<1x16xf32>,
          %get3A_781 = vector.shape_cast %get3A_780 : vector<1x16xf32> to vector<16xf32>
          %max3A_782 = arith.maximumf %get3A_781, %max3A_423 : vector<16xf32>
          %swap3A_783 = arith.index_cast %select_n3A_409 : i32 to index
          %swap3A_784 = arith.constant 0 : index
          %swap3A_785 = tpu.vector_load %arg9[%swap3A_783, %swap3A_784] {strides = array<i32>} : memref<336x64xf32, #tpu.memory_space<vmem>>, vector<1x16xf32>,
          %swap3A_786 = vector.shape_cast %swap3A_785 : vector<1x16xf32> to vector<16xf32>
          %swap3A_787 = vector.shape_cast %max3A_782 : vector<16xf32> to vector<1x16xf32>
          tpu.vector_store %arg9[%swap3A_783, %swap3A_784], %swap3A_787 {strides = array<i32>} : memref<336x64xf32, #tpu.memory_space<vmem>>, vector<1x16xf32>,
          %get3A_788 = arith.index_cast %select_n3A_409 : i32 to index
          %get3A_789 = arith.constant 16 : index
          %get3A_790 = tpu.vector_load %arg9[%get3A_788, %get3A_789] {strides = array<i32>} : memref<336x64xf32, #tpu.memory_space<vmem>>, vector<1x16xf32>,
          %get3A_791 = vector.shape_cast %get3A_790 : vector<1x16xf32> to vector<16xf32>
          %max3A_792 = arith.maximumf %get3A_791, %max3A_429 : vector<16xf32>
          %swap3A_793 = arith.index_cast %select_n3A_409 : i32 to index
          %swap3A_794 = arith.constant 16 : index
          %swap3A_795 = tpu.vector_load %arg9[%swap3A_793, %swap3A_794] {strides = array<i32>} : memref<336x64xf32, #tpu.memory_space<vmem>>, vector<1x16xf32>,
          %swap3A_796 = vector.shape_cast %swap3A_795 : vector<1x16xf32> to vector<16xf32>
          %swap3A_797 = vector.shape_cast %max3A_792 : vector<16xf32> to vector<1x16xf32>
          tpu.vector_store %arg9[%swap3A_793, %swap3A_794], %swap3A_797 {strides = array<i32>} : memref<336x64xf32, #tpu.memory_space<vmem>>, vector<1x16xf32>,
          %get3A_798 = arith.index_cast %select_n3A_409 : i32 to index
          %get3A_799 = arith.constant 32 : index
          %get3A_800 = tpu.vector_load %arg9[%get3A_798, %get3A_799] {strides = array<i32>} : memref<336x64xf32, #tpu.memory_space<vmem>>, vector<1x16xf32>,
          %get3A_801 = vector.shape_cast %get3A_800 : vector<1x16xf32> to vector<16xf32>
          %max3A_802 = arith.maximumf %get3A_801, %max3A_435 : vector<16xf32>
          %swap3A_803 = arith.index_cast %select_n3A_409 : i32 to index
          %swap3A_804 = arith.constant 32 : index
          %swap3A_805 = tpu.vector_load %arg9[%swap3A_803, %swap3A_804] {strides = array<i32>} : memref<336x64xf32, #tpu.memory_space<vmem>>, vector<1x16xf32>,
          %swap3A_806 = vector.shape_cast %swap3A_805 : vector<1x16xf32> to vector<16xf32>
          %swap3A_807 = vector.shape_cast %max3A_802 : vector<16xf32> to vector<1x16xf32>
          tpu.vector_store %arg9[%swap3A_803, %swap3A_804], %swap3A_807 {strides = array<i32>} : memref<336x64xf32, #tpu.memory_space<vmem>>, vector<1x16xf32>,
          %get3A_808 = arith.index_cast %select_n3A_409 : i32 to index
          %get3A_809 = arith.constant 48 : index
          %get3A_810 = tpu.vector_load %arg9[%get3A_808, %get3A_809] {strides = array<i32>} : memref<336x64xf32, #tpu.memory_space<vmem>>, vector<1x16xf32>,
          %get3A_811 = vector.shape_cast %get3A_810 : vector<1x16xf32> to vector<16xf32>
          %max3A_812 = arith.maximumf %get3A_811, %max3A_441 : vector<16xf32>
          %swap3A_813 = arith.index_cast %select_n3A_409 : i32 to index
          %swap3A_814 = arith.constant 48 : index
          %swap3A_815 = tpu.vector_load %arg9[%swap3A_813, %swap3A_814] {strides = array<i32>} : memref<336x64xf32, #tpu.memory_space<vmem>>, vector<1x16xf32>,
          %swap3A_816 = vector.shape_cast %swap3A_815 : vector<1x16xf32> to vector<16xf32>
          %swap3A_817 = vector.shape_cast %max3A_812 : vector<16xf32> to vector<1x16xf32>
          tpu.vector_store %arg9[%swap3A_813, %swap3A_814], %swap3A_817 {strides = array<i32>} : memref<336x64xf32, #tpu.memory_space<vmem>>, vector<1x16xf32>,
        } else {
        }
        %mul3A_456 = arith.constant 16 : i32
        %mul3A_457 = arith.muli %scan3A_99, %mul3A_456 : i32
        %add3A_458 = arith.constant 8 : i32
        %add3A_459 = arith.addi %mul3A_457, %add3A_458 : i32
        %select_n3A_460 = arith.select %ne3A_452, %broadcast_in_dim3A_33, %max3A_423 : vector<16xf32>
        %get3A_461 = arith.index_cast %add3A_459 : i32 to index
        %get3A_462 = arith.constant 0 : index
        %get3A_463 = tpu.vector_load %arg8[%get3A_461, %get3A_462] {strides = array<i32>} : memref<512x64xf32, #tpu.memory_space<vmem>>, vector<1x16xf32>,
        %get3A_464 = vector.shape_cast %get3A_463 : vector<1x16xf32> to vector<16xf32>
        %max3A_465 = arith.maximumf %select_n3A_460, %get3A_464 : vector<16xf32>
        %select_n3A_466 = arith.select %ne3A_452, %broadcast_in_dim3A_33, %max3A_429 : vector<16xf32>
        %get3A_467 = arith.index_cast %add3A_459 : i32 to index
        %get3A_468 = arith.constant 16 : index
        %get3A_469 = tpu.vector_load %arg8[%get3A_467, %get3A_468] {strides = array<i32>} : memref<512x64xf32, #tpu.memory_space<vmem>>, vector<1x16xf32>,
        %get3A_470 = vector.shape_cast %get3A_469 : vector<1x16xf32> to vector<16xf32>
        %max3A_471 = arith.maximumf %select_n3A_466, %get3A_470 : vector<16xf32>
        %select_n3A_472 = arith.select %ne3A_452, %broadcast_in_dim3A_33, %max3A_435 : vector<16xf32>
        %get3A_473 = arith.index_cast %add3A_459 : i32 to index
        %get3A_474 = arith.constant 32 : index
        %get3A_475 = tpu.vector_load %arg8[%get3A_473, %get3A_474] {strides = array<i32>} : memref<512x64xf32, #tpu.memory_space<vmem>>, vector<1x16xf32>,
        %get3A_476 = vector.shape_cast %get3A_475 : vector<1x16xf32> to vector<16xf32>
        %max3A_477 = arith.maximumf %select_n3A_472, %get3A_476 : vector<16xf32>
        %select_n3A_478 = arith.select %ne3A_452, %broadcast_in_dim3A_33, %max3A_441 : vector<16xf32>
        %get3A_479 = arith.index_cast %add3A_459 : i32 to index
        %get3A_480 = arith.constant 48 : index
        %get3A_481 = tpu.vector_load %arg8[%get3A_479, %get3A_480] {strides = array<i32>} : memref<512x64xf32, #tpu.memory_space<vmem>>, vector<1x16xf32>,
        %get3A_482 = vector.shape_cast %get3A_481 : vector<1x16xf32> to vector<16xf32>
        %max3A_483 = arith.maximumf %select_n3A_478, %get3A_482 : vector<16xf32>
        %slice3A_484 = vector.extract_strided_slice %get3A_109 {offsets = [9], sizes = [1], strides = [1]} : vector<16xi32> to vector<1xi32>
        %squeeze3A_485 = vector.extract %slice3A_484[0] : i32 from vector<1xi32>
        %sub3A_486 = arith.subi %squeeze3A_485, %mul3A_7 : i32
        %ge3A_487 = arith.constant 0 : i32
        %ge3A_488 = arith.cmpi sge, %sub3A_486, %ge3A_487 : i32
        %lt3A_489 = arith.constant 320 : i32
        %lt3A_490 = arith.cmpi slt, %sub3A_486, %lt3A_489 : i32
        %and3A_491 = arith.andi %ge3A_488, %lt3A_490 : i1
        %jit3A_492 = arith.constant 320 : i32
        %select_n3A_493 = arith.select %and3A_491, %sub3A_486, %jit3A_492 : i32
        %ne3A_494 = arith.cmpi ne, %select_n3A_493, %select_n3A_451 : i32
        %convert_element_type3A_495 = arith.extui %ne3A_494 : i1 to i32
        %cond3A_496 = arith.constant 0 : i32
        %cond3A_497 = arith.cmpi ne, %convert_element_type3A_495, %cond3A_496 : i32
        scf.if %cond3A_497 {
          %get3A_778 = arith.index_cast %select_n3A_451 : i32 to index
          %get3A_779 = arith.constant 0 : index
          %get3A_780 = tpu.vector_load %arg9[%get3A_778, %get3A_779] {strides = array<i32>} : memref<336x64xf32, #tpu.memory_space<vmem>>, vector<1x16xf32>,
          %get3A_781 = vector.shape_cast %get3A_780 : vector<1x16xf32> to vector<16xf32>
          %max3A_782 = arith.maximumf %get3A_781, %max3A_465 : vector<16xf32>
          %swap3A_783 = arith.index_cast %select_n3A_451 : i32 to index
          %swap3A_784 = arith.constant 0 : index
          %swap3A_785 = tpu.vector_load %arg9[%swap3A_783, %swap3A_784] {strides = array<i32>} : memref<336x64xf32, #tpu.memory_space<vmem>>, vector<1x16xf32>,
          %swap3A_786 = vector.shape_cast %swap3A_785 : vector<1x16xf32> to vector<16xf32>
          %swap3A_787 = vector.shape_cast %max3A_782 : vector<16xf32> to vector<1x16xf32>
          tpu.vector_store %arg9[%swap3A_783, %swap3A_784], %swap3A_787 {strides = array<i32>} : memref<336x64xf32, #tpu.memory_space<vmem>>, vector<1x16xf32>,
          %get3A_788 = arith.index_cast %select_n3A_451 : i32 to index
          %get3A_789 = arith.constant 16 : index
          %get3A_790 = tpu.vector_load %arg9[%get3A_788, %get3A_789] {strides = array<i32>} : memref<336x64xf32, #tpu.memory_space<vmem>>, vector<1x16xf32>,
          %get3A_791 = vector.shape_cast %get3A_790 : vector<1x16xf32> to vector<16xf32>
          %max3A_792 = arith.maximumf %get3A_791, %max3A_471 : vector<16xf32>
          %swap3A_793 = arith.index_cast %select_n3A_451 : i32 to index
          %swap3A_794 = arith.constant 16 : index
          %swap3A_795 = tpu.vector_load %arg9[%swap3A_793, %swap3A_794] {strides = array<i32>} : memref<336x64xf32, #tpu.memory_space<vmem>>, vector<1x16xf32>,
          %swap3A_796 = vector.shape_cast %swap3A_795 : vector<1x16xf32> to vector<16xf32>
          %swap3A_797 = vector.shape_cast %max3A_792 : vector<16xf32> to vector<1x16xf32>
          tpu.vector_store %arg9[%swap3A_793, %swap3A_794], %swap3A_797 {strides = array<i32>} : memref<336x64xf32, #tpu.memory_space<vmem>>, vector<1x16xf32>,
          %get3A_798 = arith.index_cast %select_n3A_451 : i32 to index
          %get3A_799 = arith.constant 32 : index
          %get3A_800 = tpu.vector_load %arg9[%get3A_798, %get3A_799] {strides = array<i32>} : memref<336x64xf32, #tpu.memory_space<vmem>>, vector<1x16xf32>,
          %get3A_801 = vector.shape_cast %get3A_800 : vector<1x16xf32> to vector<16xf32>
          %max3A_802 = arith.maximumf %get3A_801, %max3A_477 : vector<16xf32>
          %swap3A_803 = arith.index_cast %select_n3A_451 : i32 to index
          %swap3A_804 = arith.constant 32 : index
          %swap3A_805 = tpu.vector_load %arg9[%swap3A_803, %swap3A_804] {strides = array<i32>} : memref<336x64xf32, #tpu.memory_space<vmem>>, vector<1x16xf32>,
          %swap3A_806 = vector.shape_cast %swap3A_805 : vector<1x16xf32> to vector<16xf32>
          %swap3A_807 = vector.shape_cast %max3A_802 : vector<16xf32> to vector<1x16xf32>
          tpu.vector_store %arg9[%swap3A_803, %swap3A_804], %swap3A_807 {strides = array<i32>} : memref<336x64xf32, #tpu.memory_space<vmem>>, vector<1x16xf32>,
          %get3A_808 = arith.index_cast %select_n3A_451 : i32 to index
          %get3A_809 = arith.constant 48 : index
          %get3A_810 = tpu.vector_load %arg9[%get3A_808, %get3A_809] {strides = array<i32>} : memref<336x64xf32, #tpu.memory_space<vmem>>, vector<1x16xf32>,
          %get3A_811 = vector.shape_cast %get3A_810 : vector<1x16xf32> to vector<16xf32>
          %max3A_812 = arith.maximumf %get3A_811, %max3A_483 : vector<16xf32>
          %swap3A_813 = arith.index_cast %select_n3A_451 : i32 to index
          %swap3A_814 = arith.constant 48 : index
          %swap3A_815 = tpu.vector_load %arg9[%swap3A_813, %swap3A_814] {strides = array<i32>} : memref<336x64xf32, #tpu.memory_space<vmem>>, vector<1x16xf32>,
          %swap3A_816 = vector.shape_cast %swap3A_815 : vector<1x16xf32> to vector<16xf32>
          %swap3A_817 = vector.shape_cast %max3A_812 : vector<16xf32> to vector<1x16xf32>
          tpu.vector_store %arg9[%swap3A_813, %swap3A_814], %swap3A_817 {strides = array<i32>} : memref<336x64xf32, #tpu.memory_space<vmem>>, vector<1x16xf32>,
        } else {
        }
        %mul3A_498 = arith.constant 16 : i32
        %mul3A_499 = arith.muli %scan3A_99, %mul3A_498 : i32
        %add3A_500 = arith.constant 9 : i32
        %add3A_501 = arith.addi %mul3A_499, %add3A_500 : i32
        %select_n3A_502 = arith.select %ne3A_494, %broadcast_in_dim3A_33, %max3A_465 : vector<16xf32>
        %get3A_503 = arith.index_cast %add3A_501 : i32 to index
        %get3A_504 = arith.constant 0 : index
        %get3A_505 = tpu.vector_load %arg8[%get3A_503, %get3A_504] {strides = array<i32>} : memref<512x64xf32, #tpu.memory_space<vmem>>, vector<1x16xf32>,
        %get3A_506 = vector.shape_cast %get3A_505 : vector<1x16xf32> to vector<16xf32>
        %max3A_507 = arith.maximumf %select_n3A_502, %get3A_506 : vector<16xf32>
        %select_n3A_508 = arith.select %ne3A_494, %broadcast_in_dim3A_33, %max3A_471 : vector<16xf32>
        %get3A_509 = arith.index_cast %add3A_501 : i32 to index
        %get3A_510 = arith.constant 16 : index
        %get3A_511 = tpu.vector_load %arg8[%get3A_509, %get3A_510] {strides = array<i32>} : memref<512x64xf32, #tpu.memory_space<vmem>>, vector<1x16xf32>,
        %get3A_512 = vector.shape_cast %get3A_511 : vector<1x16xf32> to vector<16xf32>
        %max3A_513 = arith.maximumf %select_n3A_508, %get3A_512 : vector<16xf32>
        %select_n3A_514 = arith.select %ne3A_494, %broadcast_in_dim3A_33, %max3A_477 : vector<16xf32>
        %get3A_515 = arith.index_cast %add3A_501 : i32 to index
        %get3A_516 = arith.constant 32 : index
        %get3A_517 = tpu.vector_load %arg8[%get3A_515, %get3A_516] {strides = array<i32>} : memref<512x64xf32, #tpu.memory_space<vmem>>, vector<1x16xf32>,
        %get3A_518 = vector.shape_cast %get3A_517 : vector<1x16xf32> to vector<16xf32>
        %max3A_519 = arith.maximumf %select_n3A_514, %get3A_518 : vector<16xf32>
        %select_n3A_520 = arith.select %ne3A_494, %broadcast_in_dim3A_33, %max3A_483 : vector<16xf32>
        %get3A_521 = arith.index_cast %add3A_501 : i32 to index
        %get3A_522 = arith.constant 48 : index
        %get3A_523 = tpu.vector_load %arg8[%get3A_521, %get3A_522] {strides = array<i32>} : memref<512x64xf32, #tpu.memory_space<vmem>>, vector<1x16xf32>,
        %get3A_524 = vector.shape_cast %get3A_523 : vector<1x16xf32> to vector<16xf32>
        %max3A_525 = arith.maximumf %select_n3A_520, %get3A_524 : vector<16xf32>
        %slice3A_526 = vector.extract_strided_slice %get3A_109 {offsets = [10], sizes = [1], strides = [1]} : vector<16xi32> to vector<1xi32>
        %squeeze3A_527 = vector.extract %slice3A_526[0] : i32 from vector<1xi32>
        %sub3A_528 = arith.subi %squeeze3A_527, %mul3A_7 : i32
        %ge3A_529 = arith.constant 0 : i32
        %ge3A_530 = arith.cmpi sge, %sub3A_528, %ge3A_529 : i32
        %lt3A_531 = arith.constant 320 : i32
        %lt3A_532 = arith.cmpi slt, %sub3A_528, %lt3A_531 : i32
        %and3A_533 = arith.andi %ge3A_530, %lt3A_532 : i1
        %jit3A_534 = arith.constant 320 : i32
        %select_n3A_535 = arith.select %and3A_533, %sub3A_528, %jit3A_534 : i32
        %ne3A_536 = arith.cmpi ne, %select_n3A_535, %select_n3A_493 : i32
        %convert_element_type3A_537 = arith.extui %ne3A_536 : i1 to i32
        %cond3A_538 = arith.constant 0 : i32
        %cond3A_539 = arith.cmpi ne, %convert_element_type3A_537, %cond3A_538 : i32
        scf.if %cond3A_539 {
          %get3A_778 = arith.index_cast %select_n3A_493 : i32 to index
          %get3A_779 = arith.constant 0 : index
          %get3A_780 = tpu.vector_load %arg9[%get3A_778, %get3A_779] {strides = array<i32>} : memref<336x64xf32, #tpu.memory_space<vmem>>, vector<1x16xf32>,
          %get3A_781 = vector.shape_cast %get3A_780 : vector<1x16xf32> to vector<16xf32>
          %max3A_782 = arith.maximumf %get3A_781, %max3A_507 : vector<16xf32>
          %swap3A_783 = arith.index_cast %select_n3A_493 : i32 to index
          %swap3A_784 = arith.constant 0 : index
          %swap3A_785 = tpu.vector_load %arg9[%swap3A_783, %swap3A_784] {strides = array<i32>} : memref<336x64xf32, #tpu.memory_space<vmem>>, vector<1x16xf32>,
          %swap3A_786 = vector.shape_cast %swap3A_785 : vector<1x16xf32> to vector<16xf32>
          %swap3A_787 = vector.shape_cast %max3A_782 : vector<16xf32> to vector<1x16xf32>
          tpu.vector_store %arg9[%swap3A_783, %swap3A_784], %swap3A_787 {strides = array<i32>} : memref<336x64xf32, #tpu.memory_space<vmem>>, vector<1x16xf32>,
          %get3A_788 = arith.index_cast %select_n3A_493 : i32 to index
          %get3A_789 = arith.constant 16 : index
          %get3A_790 = tpu.vector_load %arg9[%get3A_788, %get3A_789] {strides = array<i32>} : memref<336x64xf32, #tpu.memory_space<vmem>>, vector<1x16xf32>,
          %get3A_791 = vector.shape_cast %get3A_790 : vector<1x16xf32> to vector<16xf32>
          %max3A_792 = arith.maximumf %get3A_791, %max3A_513 : vector<16xf32>
          %swap3A_793 = arith.index_cast %select_n3A_493 : i32 to index
          %swap3A_794 = arith.constant 16 : index
          %swap3A_795 = tpu.vector_load %arg9[%swap3A_793, %swap3A_794] {strides = array<i32>} : memref<336x64xf32, #tpu.memory_space<vmem>>, vector<1x16xf32>,
          %swap3A_796 = vector.shape_cast %swap3A_795 : vector<1x16xf32> to vector<16xf32>
          %swap3A_797 = vector.shape_cast %max3A_792 : vector<16xf32> to vector<1x16xf32>
          tpu.vector_store %arg9[%swap3A_793, %swap3A_794], %swap3A_797 {strides = array<i32>} : memref<336x64xf32, #tpu.memory_space<vmem>>, vector<1x16xf32>,
          %get3A_798 = arith.index_cast %select_n3A_493 : i32 to index
          %get3A_799 = arith.constant 32 : index
          %get3A_800 = tpu.vector_load %arg9[%get3A_798, %get3A_799] {strides = array<i32>} : memref<336x64xf32, #tpu.memory_space<vmem>>, vector<1x16xf32>,
          %get3A_801 = vector.shape_cast %get3A_800 : vector<1x16xf32> to vector<16xf32>
          %max3A_802 = arith.maximumf %get3A_801, %max3A_519 : vector<16xf32>
          %swap3A_803 = arith.index_cast %select_n3A_493 : i32 to index
          %swap3A_804 = arith.constant 32 : index
          %swap3A_805 = tpu.vector_load %arg9[%swap3A_803, %swap3A_804] {strides = array<i32>} : memref<336x64xf32, #tpu.memory_space<vmem>>, vector<1x16xf32>,
          %swap3A_806 = vector.shape_cast %swap3A_805 : vector<1x16xf32> to vector<16xf32>
          %swap3A_807 = vector.shape_cast %max3A_802 : vector<16xf32> to vector<1x16xf32>
          tpu.vector_store %arg9[%swap3A_803, %swap3A_804], %swap3A_807 {strides = array<i32>} : memref<336x64xf32, #tpu.memory_space<vmem>>, vector<1x16xf32>,
          %get3A_808 = arith.index_cast %select_n3A_493 : i32 to index
          %get3A_809 = arith.constant 48 : index
          %get3A_810 = tpu.vector_load %arg9[%get3A_808, %get3A_809] {strides = array<i32>} : memref<336x64xf32, #tpu.memory_space<vmem>>, vector<1x16xf32>,
          %get3A_811 = vector.shape_cast %get3A_810 : vector<1x16xf32> to vector<16xf32>
          %max3A_812 = arith.maximumf %get3A_811, %max3A_525 : vector<16xf32>
          %swap3A_813 = arith.index_cast %select_n3A_493 : i32 to index
          %swap3A_814 = arith.constant 48 : index
          %swap3A_815 = tpu.vector_load %arg9[%swap3A_813, %swap3A_814] {strides = array<i32>} : memref<336x64xf32, #tpu.memory_space<vmem>>, vector<1x16xf32>,
          %swap3A_816 = vector.shape_cast %swap3A_815 : vector<1x16xf32> to vector<16xf32>
          %swap3A_817 = vector.shape_cast %max3A_812 : vector<16xf32> to vector<1x16xf32>
          tpu.vector_store %arg9[%swap3A_813, %swap3A_814], %swap3A_817 {strides = array<i32>} : memref<336x64xf32, #tpu.memory_space<vmem>>, vector<1x16xf32>,
        } else {
        }
        %mul3A_540 = arith.constant 16 : i32
        %mul3A_541 = arith.muli %scan3A_99, %mul3A_540 : i32
        %add3A_542 = arith.constant 10 : i32
        %add3A_543 = arith.addi %mul3A_541, %add3A_542 : i32
        %select_n3A_544 = arith.select %ne3A_536, %broadcast_in_dim3A_33, %max3A_507 : vector<16xf32>
        %get3A_545 = arith.index_cast %add3A_543 : i32 to index
        %get3A_546 = arith.constant 0 : index
        %get3A_547 = tpu.vector_load %arg8[%get3A_545, %get3A_546] {strides = array<i32>} : memref<512x64xf32, #tpu.memory_space<vmem>>, vector<1x16xf32>,
        %get3A_548 = vector.shape_cast %get3A_547 : vector<1x16xf32> to vector<16xf32>
        %max3A_549 = arith.maximumf %select_n3A_544, %get3A_548 : vector<16xf32>
        %select_n3A_550 = arith.select %ne3A_536, %broadcast_in_dim3A_33, %max3A_513 : vector<16xf32>
        %get3A_551 = arith.index_cast %add3A_543 : i32 to index
        %get3A_552 = arith.constant 16 : index
        %get3A_553 = tpu.vector_load %arg8[%get3A_551, %get3A_552] {strides = array<i32>} : memref<512x64xf32, #tpu.memory_space<vmem>>, vector<1x16xf32>,
        %get3A_554 = vector.shape_cast %get3A_553 : vector<1x16xf32> to vector<16xf32>
        %max3A_555 = arith.maximumf %select_n3A_550, %get3A_554 : vector<16xf32>
        %select_n3A_556 = arith.select %ne3A_536, %broadcast_in_dim3A_33, %max3A_519 : vector<16xf32>
        %get3A_557 = arith.index_cast %add3A_543 : i32 to index
        %get3A_558 = arith.constant 32 : index
        %get3A_559 = tpu.vector_load %arg8[%get3A_557, %get3A_558] {strides = array<i32>} : memref<512x64xf32, #tpu.memory_space<vmem>>, vector<1x16xf32>,
        %get3A_560 = vector.shape_cast %get3A_559 : vector<1x16xf32> to vector<16xf32>
        %max3A_561 = arith.maximumf %select_n3A_556, %get3A_560 : vector<16xf32>
        %select_n3A_562 = arith.select %ne3A_536, %broadcast_in_dim3A_33, %max3A_525 : vector<16xf32>
        %get3A_563 = arith.index_cast %add3A_543 : i32 to index
        %get3A_564 = arith.constant 48 : index
        %get3A_565 = tpu.vector_load %arg8[%get3A_563, %get3A_564] {strides = array<i32>} : memref<512x64xf32, #tpu.memory_space<vmem>>, vector<1x16xf32>,
        %get3A_566 = vector.shape_cast %get3A_565 : vector<1x16xf32> to vector<16xf32>
        %max3A_567 = arith.maximumf %select_n3A_562, %get3A_566 : vector<16xf32>
        %slice3A_568 = vector.extract_strided_slice %get3A_109 {offsets = [11], sizes = [1], strides = [1]} : vector<16xi32> to vector<1xi32>
        %squeeze3A_569 = vector.extract %slice3A_568[0] : i32 from vector<1xi32>
        %sub3A_570 = arith.subi %squeeze3A_569, %mul3A_7 : i32
        %ge3A_571 = arith.constant 0 : i32
        %ge3A_572 = arith.cmpi sge, %sub3A_570, %ge3A_571 : i32
        %lt3A_573 = arith.constant 320 : i32
        %lt3A_574 = arith.cmpi slt, %sub3A_570, %lt3A_573 : i32
        %and3A_575 = arith.andi %ge3A_572, %lt3A_574 : i1
        %jit3A_576 = arith.constant 320 : i32
        %select_n3A_577 = arith.select %and3A_575, %sub3A_570, %jit3A_576 : i32
        %ne3A_578 = arith.cmpi ne, %select_n3A_577, %select_n3A_535 : i32
        %convert_element_type3A_579 = arith.extui %ne3A_578 : i1 to i32
        %cond3A_580 = arith.constant 0 : i32
        %cond3A_581 = arith.cmpi ne, %convert_element_type3A_579, %cond3A_580 : i32
        scf.if %cond3A_581 {
          %get3A_778 = arith.index_cast %select_n3A_535 : i32 to index
          %get3A_779 = arith.constant 0 : index
          %get3A_780 = tpu.vector_load %arg9[%get3A_778, %get3A_779] {strides = array<i32>} : memref<336x64xf32, #tpu.memory_space<vmem>>, vector<1x16xf32>,
          %get3A_781 = vector.shape_cast %get3A_780 : vector<1x16xf32> to vector<16xf32>
          %max3A_782 = arith.maximumf %get3A_781, %max3A_549 : vector<16xf32>
          %swap3A_783 = arith.index_cast %select_n3A_535 : i32 to index
          %swap3A_784 = arith.constant 0 : index
          %swap3A_785 = tpu.vector_load %arg9[%swap3A_783, %swap3A_784] {strides = array<i32>} : memref<336x64xf32, #tpu.memory_space<vmem>>, vector<1x16xf32>,
          %swap3A_786 = vector.shape_cast %swap3A_785 : vector<1x16xf32> to vector<16xf32>
          %swap3A_787 = vector.shape_cast %max3A_782 : vector<16xf32> to vector<1x16xf32>
          tpu.vector_store %arg9[%swap3A_783, %swap3A_784], %swap3A_787 {strides = array<i32>} : memref<336x64xf32, #tpu.memory_space<vmem>>, vector<1x16xf32>,
          %get3A_788 = arith.index_cast %select_n3A_535 : i32 to index
          %get3A_789 = arith.constant 16 : index
          %get3A_790 = tpu.vector_load %arg9[%get3A_788, %get3A_789] {strides = array<i32>} : memref<336x64xf32, #tpu.memory_space<vmem>>, vector<1x16xf32>,
          %get3A_791 = vector.shape_cast %get3A_790 : vector<1x16xf32> to vector<16xf32>
          %max3A_792 = arith.maximumf %get3A_791, %max3A_555 : vector<16xf32>
          %swap3A_793 = arith.index_cast %select_n3A_535 : i32 to index
          %swap3A_794 = arith.constant 16 : index
          %swap3A_795 = tpu.vector_load %arg9[%swap3A_793, %swap3A_794] {strides = array<i32>} : memref<336x64xf32, #tpu.memory_space<vmem>>, vector<1x16xf32>,
          %swap3A_796 = vector.shape_cast %swap3A_795 : vector<1x16xf32> to vector<16xf32>
          %swap3A_797 = vector.shape_cast %max3A_792 : vector<16xf32> to vector<1x16xf32>
          tpu.vector_store %arg9[%swap3A_793, %swap3A_794], %swap3A_797 {strides = array<i32>} : memref<336x64xf32, #tpu.memory_space<vmem>>, vector<1x16xf32>,
          %get3A_798 = arith.index_cast %select_n3A_535 : i32 to index
          %get3A_799 = arith.constant 32 : index
          %get3A_800 = tpu.vector_load %arg9[%get3A_798, %get3A_799] {strides = array<i32>} : memref<336x64xf32, #tpu.memory_space<vmem>>, vector<1x16xf32>,
          %get3A_801 = vector.shape_cast %get3A_800 : vector<1x16xf32> to vector<16xf32>
          %max3A_802 = arith.maximumf %get3A_801, %max3A_561 : vector<16xf32>
          %swap3A_803 = arith.index_cast %select_n3A_535 : i32 to index
          %swap3A_804 = arith.constant 32 : index
          %swap3A_805 = tpu.vector_load %arg9[%swap3A_803, %swap3A_804] {strides = array<i32>} : memref<336x64xf32, #tpu.memory_space<vmem>>, vector<1x16xf32>,
          %swap3A_806 = vector.shape_cast %swap3A_805 : vector<1x16xf32> to vector<16xf32>
          %swap3A_807 = vector.shape_cast %max3A_802 : vector<16xf32> to vector<1x16xf32>
          tpu.vector_store %arg9[%swap3A_803, %swap3A_804], %swap3A_807 {strides = array<i32>} : memref<336x64xf32, #tpu.memory_space<vmem>>, vector<1x16xf32>,
          %get3A_808 = arith.index_cast %select_n3A_535 : i32 to index
          %get3A_809 = arith.constant 48 : index
          %get3A_810 = tpu.vector_load %arg9[%get3A_808, %get3A_809] {strides = array<i32>} : memref<336x64xf32, #tpu.memory_space<vmem>>, vector<1x16xf32>,
          %get3A_811 = vector.shape_cast %get3A_810 : vector<1x16xf32> to vector<16xf32>
          %max3A_812 = arith.maximumf %get3A_811, %max3A_567 : vector<16xf32>
          %swap3A_813 = arith.index_cast %select_n3A_535 : i32 to index
          %swap3A_814 = arith.constant 48 : index
          %swap3A_815 = tpu.vector_load %arg9[%swap3A_813, %swap3A_814] {strides = array<i32>} : memref<336x64xf32, #tpu.memory_space<vmem>>, vector<1x16xf32>,
          %swap3A_816 = vector.shape_cast %swap3A_815 : vector<1x16xf32> to vector<16xf32>
          %swap3A_817 = vector.shape_cast %max3A_812 : vector<16xf32> to vector<1x16xf32>
          tpu.vector_store %arg9[%swap3A_813, %swap3A_814], %swap3A_817 {strides = array<i32>} : memref<336x64xf32, #tpu.memory_space<vmem>>, vector<1x16xf32>,
        } else {
        }
        %mul3A_582 = arith.constant 16 : i32
        %mul3A_583 = arith.muli %scan3A_99, %mul3A_582 : i32
        %add3A_584 = arith.constant 11 : i32
        %add3A_585 = arith.addi %mul3A_583, %add3A_584 : i32
        %select_n3A_586 = arith.select %ne3A_578, %broadcast_in_dim3A_33, %max3A_549 : vector<16xf32>
        %get3A_587 = arith.index_cast %add3A_585 : i32 to index
        %get3A_588 = arith.constant 0 : index
        %get3A_589 = tpu.vector_load %arg8[%get3A_587, %get3A_588] {strides = array<i32>} : memref<512x64xf32, #tpu.memory_space<vmem>>, vector<1x16xf32>,
        %get3A_590 = vector.shape_cast %get3A_589 : vector<1x16xf32> to vector<16xf32>
        %max3A_591 = arith.maximumf %select_n3A_586, %get3A_590 : vector<16xf32>
        %select_n3A_592 = arith.select %ne3A_578, %broadcast_in_dim3A_33, %max3A_555 : vector<16xf32>
        %get3A_593 = arith.index_cast %add3A_585 : i32 to index
        %get3A_594 = arith.constant 16 : index
        %get3A_595 = tpu.vector_load %arg8[%get3A_593, %get3A_594] {strides = array<i32>} : memref<512x64xf32, #tpu.memory_space<vmem>>, vector<1x16xf32>,
        %get3A_596 = vector.shape_cast %get3A_595 : vector<1x16xf32> to vector<16xf32>
        %max3A_597 = arith.maximumf %select_n3A_592, %get3A_596 : vector<16xf32>
        %select_n3A_598 = arith.select %ne3A_578, %broadcast_in_dim3A_33, %max3A_561 : vector<16xf32>
        %get3A_599 = arith.index_cast %add3A_585 : i32 to index
        %get3A_600 = arith.constant 32 : index
        %get3A_601 = tpu.vector_load %arg8[%get3A_599, %get3A_600] {strides = array<i32>} : memref<512x64xf32, #tpu.memory_space<vmem>>, vector<1x16xf32>,
        %get3A_602 = vector.shape_cast %get3A_601 : vector<1x16xf32> to vector<16xf32>
        %max3A_603 = arith.maximumf %select_n3A_598, %get3A_602 : vector<16xf32>
        %select_n3A_604 = arith.select %ne3A_578, %broadcast_in_dim3A_33, %max3A_567 : vector<16xf32>
        %get3A_605 = arith.index_cast %add3A_585 : i32 to index
        %get3A_606 = arith.constant 48 : index
        %get3A_607 = tpu.vector_load %arg8[%get3A_605, %get3A_606] {strides = array<i32>} : memref<512x64xf32, #tpu.memory_space<vmem>>, vector<1x16xf32>,
        %get3A_608 = vector.shape_cast %get3A_607 : vector<1x16xf32> to vector<16xf32>
        %max3A_609 = arith.maximumf %select_n3A_604, %get3A_608 : vector<16xf32>
        %slice3A_610 = vector.extract_strided_slice %get3A_109 {offsets = [12], sizes = [1], strides = [1]} : vector<16xi32> to vector<1xi32>
        %squeeze3A_611 = vector.extract %slice3A_610[0] : i32 from vector<1xi32>
        %sub3A_612 = arith.subi %squeeze3A_611, %mul3A_7 : i32
        %ge3A_613 = arith.constant 0 : i32
        %ge3A_614 = arith.cmpi sge, %sub3A_612, %ge3A_613 : i32
        %lt3A_615 = arith.constant 320 : i32
        %lt3A_616 = arith.cmpi slt, %sub3A_612, %lt3A_615 : i32
        %and3A_617 = arith.andi %ge3A_614, %lt3A_616 : i1
        %jit3A_618 = arith.constant 320 : i32
        %select_n3A_619 = arith.select %and3A_617, %sub3A_612, %jit3A_618 : i32
        %ne3A_620 = arith.cmpi ne, %select_n3A_619, %select_n3A_577 : i32
        %convert_element_type3A_621 = arith.extui %ne3A_620 : i1 to i32
        %cond3A_622 = arith.constant 0 : i32
        %cond3A_623 = arith.cmpi ne, %convert_element_type3A_621, %cond3A_622 : i32
        scf.if %cond3A_623 {
          %get3A_778 = arith.index_cast %select_n3A_577 : i32 to index
          %get3A_779 = arith.constant 0 : index
          %get3A_780 = tpu.vector_load %arg9[%get3A_778, %get3A_779] {strides = array<i32>} : memref<336x64xf32, #tpu.memory_space<vmem>>, vector<1x16xf32>,
          %get3A_781 = vector.shape_cast %get3A_780 : vector<1x16xf32> to vector<16xf32>
          %max3A_782 = arith.maximumf %get3A_781, %max3A_591 : vector<16xf32>
          %swap3A_783 = arith.index_cast %select_n3A_577 : i32 to index
          %swap3A_784 = arith.constant 0 : index
          %swap3A_785 = tpu.vector_load %arg9[%swap3A_783, %swap3A_784] {strides = array<i32>} : memref<336x64xf32, #tpu.memory_space<vmem>>, vector<1x16xf32>,
          %swap3A_786 = vector.shape_cast %swap3A_785 : vector<1x16xf32> to vector<16xf32>
          %swap3A_787 = vector.shape_cast %max3A_782 : vector<16xf32> to vector<1x16xf32>
          tpu.vector_store %arg9[%swap3A_783, %swap3A_784], %swap3A_787 {strides = array<i32>} : memref<336x64xf32, #tpu.memory_space<vmem>>, vector<1x16xf32>,
          %get3A_788 = arith.index_cast %select_n3A_577 : i32 to index
          %get3A_789 = arith.constant 16 : index
          %get3A_790 = tpu.vector_load %arg9[%get3A_788, %get3A_789] {strides = array<i32>} : memref<336x64xf32, #tpu.memory_space<vmem>>, vector<1x16xf32>,
          %get3A_791 = vector.shape_cast %get3A_790 : vector<1x16xf32> to vector<16xf32>
          %max3A_792 = arith.maximumf %get3A_791, %max3A_597 : vector<16xf32>
          %swap3A_793 = arith.index_cast %select_n3A_577 : i32 to index
          %swap3A_794 = arith.constant 16 : index
          %swap3A_795 = tpu.vector_load %arg9[%swap3A_793, %swap3A_794] {strides = array<i32>} : memref<336x64xf32, #tpu.memory_space<vmem>>, vector<1x16xf32>,
          %swap3A_796 = vector.shape_cast %swap3A_795 : vector<1x16xf32> to vector<16xf32>
          %swap3A_797 = vector.shape_cast %max3A_792 : vector<16xf32> to vector<1x16xf32>
          tpu.vector_store %arg9[%swap3A_793, %swap3A_794], %swap3A_797 {strides = array<i32>} : memref<336x64xf32, #tpu.memory_space<vmem>>, vector<1x16xf32>,
          %get3A_798 = arith.index_cast %select_n3A_577 : i32 to index
          %get3A_799 = arith.constant 32 : index
          %get3A_800 = tpu.vector_load %arg9[%get3A_798, %get3A_799] {strides = array<i32>} : memref<336x64xf32, #tpu.memory_space<vmem>>, vector<1x16xf32>,
          %get3A_801 = vector.shape_cast %get3A_800 : vector<1x16xf32> to vector<16xf32>
          %max3A_802 = arith.maximumf %get3A_801, %max3A_603 : vector<16xf32>
          %swap3A_803 = arith.index_cast %select_n3A_577 : i32 to index
          %swap3A_804 = arith.constant 32 : index
          %swap3A_805 = tpu.vector_load %arg9[%swap3A_803, %swap3A_804] {strides = array<i32>} : memref<336x64xf32, #tpu.memory_space<vmem>>, vector<1x16xf32>,
          %swap3A_806 = vector.shape_cast %swap3A_805 : vector<1x16xf32> to vector<16xf32>
          %swap3A_807 = vector.shape_cast %max3A_802 : vector<16xf32> to vector<1x16xf32>
          tpu.vector_store %arg9[%swap3A_803, %swap3A_804], %swap3A_807 {strides = array<i32>} : memref<336x64xf32, #tpu.memory_space<vmem>>, vector<1x16xf32>,
          %get3A_808 = arith.index_cast %select_n3A_577 : i32 to index
          %get3A_809 = arith.constant 48 : index
          %get3A_810 = tpu.vector_load %arg9[%get3A_808, %get3A_809] {strides = array<i32>} : memref<336x64xf32, #tpu.memory_space<vmem>>, vector<1x16xf32>,
          %get3A_811 = vector.shape_cast %get3A_810 : vector<1x16xf32> to vector<16xf32>
          %max3A_812 = arith.maximumf %get3A_811, %max3A_609 : vector<16xf32>
          %swap3A_813 = arith.index_cast %select_n3A_577 : i32 to index
          %swap3A_814 = arith.constant 48 : index
          %swap3A_815 = tpu.vector_load %arg9[%swap3A_813, %swap3A_814] {strides = array<i32>} : memref<336x64xf32, #tpu.memory_space<vmem>>, vector<1x16xf32>,
          %swap3A_816 = vector.shape_cast %swap3A_815 : vector<1x16xf32> to vector<16xf32>
          %swap3A_817 = vector.shape_cast %max3A_812 : vector<16xf32> to vector<1x16xf32>
          tpu.vector_store %arg9[%swap3A_813, %swap3A_814], %swap3A_817 {strides = array<i32>} : memref<336x64xf32, #tpu.memory_space<vmem>>, vector<1x16xf32>,
        } else {
        }
        %mul3A_624 = arith.constant 16 : i32
        %mul3A_625 = arith.muli %scan3A_99, %mul3A_624 : i32
        %add3A_626 = arith.constant 12 : i32
        %add3A_627 = arith.addi %mul3A_625, %add3A_626 : i32
        %select_n3A_628 = arith.select %ne3A_620, %broadcast_in_dim3A_33, %max3A_591 : vector<16xf32>
        %get3A_629 = arith.index_cast %add3A_627 : i32 to index
        %get3A_630 = arith.constant 0 : index
        %get3A_631 = tpu.vector_load %arg8[%get3A_629, %get3A_630] {strides = array<i32>} : memref<512x64xf32, #tpu.memory_space<vmem>>, vector<1x16xf32>,
        %get3A_632 = vector.shape_cast %get3A_631 : vector<1x16xf32> to vector<16xf32>
        %max3A_633 = arith.maximumf %select_n3A_628, %get3A_632 : vector<16xf32>
        %select_n3A_634 = arith.select %ne3A_620, %broadcast_in_dim3A_33, %max3A_597 : vector<16xf32>
        %get3A_635 = arith.index_cast %add3A_627 : i32 to index
        %get3A_636 = arith.constant 16 : index
        %get3A_637 = tpu.vector_load %arg8[%get3A_635, %get3A_636] {strides = array<i32>} : memref<512x64xf32, #tpu.memory_space<vmem>>, vector<1x16xf32>,
        %get3A_638 = vector.shape_cast %get3A_637 : vector<1x16xf32> to vector<16xf32>
        %max3A_639 = arith.maximumf %select_n3A_634, %get3A_638 : vector<16xf32>
        %select_n3A_640 = arith.select %ne3A_620, %broadcast_in_dim3A_33, %max3A_603 : vector<16xf32>
        %get3A_641 = arith.index_cast %add3A_627 : i32 to index
        %get3A_642 = arith.constant 32 : index
        %get3A_643 = tpu.vector_load %arg8[%get3A_641, %get3A_642] {strides = array<i32>} : memref<512x64xf32, #tpu.memory_space<vmem>>, vector<1x16xf32>,
        %get3A_644 = vector.shape_cast %get3A_643 : vector<1x16xf32> to vector<16xf32>
        %max3A_645 = arith.maximumf %select_n3A_640, %get3A_644 : vector<16xf32>
        %select_n3A_646 = arith.select %ne3A_620, %broadcast_in_dim3A_33, %max3A_609 : vector<16xf32>
        %get3A_647 = arith.index_cast %add3A_627 : i32 to index
        %get3A_648 = arith.constant 48 : index
        %get3A_649 = tpu.vector_load %arg8[%get3A_647, %get3A_648] {strides = array<i32>} : memref<512x64xf32, #tpu.memory_space<vmem>>, vector<1x16xf32>,
        %get3A_650 = vector.shape_cast %get3A_649 : vector<1x16xf32> to vector<16xf32>
        %max3A_651 = arith.maximumf %select_n3A_646, %get3A_650 : vector<16xf32>
        %slice3A_652 = vector.extract_strided_slice %get3A_109 {offsets = [13], sizes = [1], strides = [1]} : vector<16xi32> to vector<1xi32>
        %squeeze3A_653 = vector.extract %slice3A_652[0] : i32 from vector<1xi32>
        %sub3A_654 = arith.subi %squeeze3A_653, %mul3A_7 : i32
        %ge3A_655 = arith.constant 0 : i32
        %ge3A_656 = arith.cmpi sge, %sub3A_654, %ge3A_655 : i32
        %lt3A_657 = arith.constant 320 : i32
        %lt3A_658 = arith.cmpi slt, %sub3A_654, %lt3A_657 : i32
        %and3A_659 = arith.andi %ge3A_656, %lt3A_658 : i1
        %jit3A_660 = arith.constant 320 : i32
        %select_n3A_661 = arith.select %and3A_659, %sub3A_654, %jit3A_660 : i32
        %ne3A_662 = arith.cmpi ne, %select_n3A_661, %select_n3A_619 : i32
        %convert_element_type3A_663 = arith.extui %ne3A_662 : i1 to i32
        %cond3A_664 = arith.constant 0 : i32
        %cond3A_665 = arith.cmpi ne, %convert_element_type3A_663, %cond3A_664 : i32
        scf.if %cond3A_665 {
          %get3A_778 = arith.index_cast %select_n3A_619 : i32 to index
          %get3A_779 = arith.constant 0 : index
          %get3A_780 = tpu.vector_load %arg9[%get3A_778, %get3A_779] {strides = array<i32>} : memref<336x64xf32, #tpu.memory_space<vmem>>, vector<1x16xf32>,
          %get3A_781 = vector.shape_cast %get3A_780 : vector<1x16xf32> to vector<16xf32>
          %max3A_782 = arith.maximumf %get3A_781, %max3A_633 : vector<16xf32>
          %swap3A_783 = arith.index_cast %select_n3A_619 : i32 to index
          %swap3A_784 = arith.constant 0 : index
          %swap3A_785 = tpu.vector_load %arg9[%swap3A_783, %swap3A_784] {strides = array<i32>} : memref<336x64xf32, #tpu.memory_space<vmem>>, vector<1x16xf32>,
          %swap3A_786 = vector.shape_cast %swap3A_785 : vector<1x16xf32> to vector<16xf32>
          %swap3A_787 = vector.shape_cast %max3A_782 : vector<16xf32> to vector<1x16xf32>
          tpu.vector_store %arg9[%swap3A_783, %swap3A_784], %swap3A_787 {strides = array<i32>} : memref<336x64xf32, #tpu.memory_space<vmem>>, vector<1x16xf32>,
          %get3A_788 = arith.index_cast %select_n3A_619 : i32 to index
          %get3A_789 = arith.constant 16 : index
          %get3A_790 = tpu.vector_load %arg9[%get3A_788, %get3A_789] {strides = array<i32>} : memref<336x64xf32, #tpu.memory_space<vmem>>, vector<1x16xf32>,
          %get3A_791 = vector.shape_cast %get3A_790 : vector<1x16xf32> to vector<16xf32>
          %max3A_792 = arith.maximumf %get3A_791, %max3A_639 : vector<16xf32>
          %swap3A_793 = arith.index_cast %select_n3A_619 : i32 to index
          %swap3A_794 = arith.constant 16 : index
          %swap3A_795 = tpu.vector_load %arg9[%swap3A_793, %swap3A_794] {strides = array<i32>} : memref<336x64xf32, #tpu.memory_space<vmem>>, vector<1x16xf32>,
          %swap3A_796 = vector.shape_cast %swap3A_795 : vector<1x16xf32> to vector<16xf32>
          %swap3A_797 = vector.shape_cast %max3A_792 : vector<16xf32> to vector<1x16xf32>
          tpu.vector_store %arg9[%swap3A_793, %swap3A_794], %swap3A_797 {strides = array<i32>} : memref<336x64xf32, #tpu.memory_space<vmem>>, vector<1x16xf32>,
          %get3A_798 = arith.index_cast %select_n3A_619 : i32 to index
          %get3A_799 = arith.constant 32 : index
          %get3A_800 = tpu.vector_load %arg9[%get3A_798, %get3A_799] {strides = array<i32>} : memref<336x64xf32, #tpu.memory_space<vmem>>, vector<1x16xf32>,
          %get3A_801 = vector.shape_cast %get3A_800 : vector<1x16xf32> to vector<16xf32>
          %max3A_802 = arith.maximumf %get3A_801, %max3A_645 : vector<16xf32>
          %swap3A_803 = arith.index_cast %select_n3A_619 : i32 to index
          %swap3A_804 = arith.constant 32 : index
          %swap3A_805 = tpu.vector_load %arg9[%swap3A_803, %swap3A_804] {strides = array<i32>} : memref<336x64xf32, #tpu.memory_space<vmem>>, vector<1x16xf32>,
          %swap3A_806 = vector.shape_cast %swap3A_805 : vector<1x16xf32> to vector<16xf32>
          %swap3A_807 = vector.shape_cast %max3A_802 : vector<16xf32> to vector<1x16xf32>
          tpu.vector_store %arg9[%swap3A_803, %swap3A_804], %swap3A_807 {strides = array<i32>} : memref<336x64xf32, #tpu.memory_space<vmem>>, vector<1x16xf32>,
          %get3A_808 = arith.index_cast %select_n3A_619 : i32 to index
          %get3A_809 = arith.constant 48 : index
          %get3A_810 = tpu.vector_load %arg9[%get3A_808, %get3A_809] {strides = array<i32>} : memref<336x64xf32, #tpu.memory_space<vmem>>, vector<1x16xf32>,
          %get3A_811 = vector.shape_cast %get3A_810 : vector<1x16xf32> to vector<16xf32>
          %max3A_812 = arith.maximumf %get3A_811, %max3A_651 : vector<16xf32>
          %swap3A_813 = arith.index_cast %select_n3A_619 : i32 to index
          %swap3A_814 = arith.constant 48 : index
          %swap3A_815 = tpu.vector_load %arg9[%swap3A_813, %swap3A_814] {strides = array<i32>} : memref<336x64xf32, #tpu.memory_space<vmem>>, vector<1x16xf32>,
          %swap3A_816 = vector.shape_cast %swap3A_815 : vector<1x16xf32> to vector<16xf32>
          %swap3A_817 = vector.shape_cast %max3A_812 : vector<16xf32> to vector<1x16xf32>
          tpu.vector_store %arg9[%swap3A_813, %swap3A_814], %swap3A_817 {strides = array<i32>} : memref<336x64xf32, #tpu.memory_space<vmem>>, vector<1x16xf32>,
        } else {
        }
        %mul3A_666 = arith.constant 16 : i32
        %mul3A_667 = arith.muli %scan3A_99, %mul3A_666 : i32
        %add3A_668 = arith.constant 13 : i32
        %add3A_669 = arith.addi %mul3A_667, %add3A_668 : i32
        %select_n3A_670 = arith.select %ne3A_662, %broadcast_in_dim3A_33, %max3A_633 : vector<16xf32>
        %get3A_671 = arith.index_cast %add3A_669 : i32 to index
        %get3A_672 = arith.constant 0 : index
        %get3A_673 = tpu.vector_load %arg8[%get3A_671, %get3A_672] {strides = array<i32>} : memref<512x64xf32, #tpu.memory_space<vmem>>, vector<1x16xf32>,
        %get3A_674 = vector.shape_cast %get3A_673 : vector<1x16xf32> to vector<16xf32>
        %max3A_675 = arith.maximumf %select_n3A_670, %get3A_674 : vector<16xf32>
        %select_n3A_676 = arith.select %ne3A_662, %broadcast_in_dim3A_33, %max3A_639 : vector<16xf32>
        %get3A_677 = arith.index_cast %add3A_669 : i32 to index
        %get3A_678 = arith.constant 16 : index
        %get3A_679 = tpu.vector_load %arg8[%get3A_677, %get3A_678] {strides = array<i32>} : memref<512x64xf32, #tpu.memory_space<vmem>>, vector<1x16xf32>,
        %get3A_680 = vector.shape_cast %get3A_679 : vector<1x16xf32> to vector<16xf32>
        %max3A_681 = arith.maximumf %select_n3A_676, %get3A_680 : vector<16xf32>
        %select_n3A_682 = arith.select %ne3A_662, %broadcast_in_dim3A_33, %max3A_645 : vector<16xf32>
        %get3A_683 = arith.index_cast %add3A_669 : i32 to index
        %get3A_684 = arith.constant 32 : index
        %get3A_685 = tpu.vector_load %arg8[%get3A_683, %get3A_684] {strides = array<i32>} : memref<512x64xf32, #tpu.memory_space<vmem>>, vector<1x16xf32>,
        %get3A_686 = vector.shape_cast %get3A_685 : vector<1x16xf32> to vector<16xf32>
        %max3A_687 = arith.maximumf %select_n3A_682, %get3A_686 : vector<16xf32>
        %select_n3A_688 = arith.select %ne3A_662, %broadcast_in_dim3A_33, %max3A_651 : vector<16xf32>
        %get3A_689 = arith.index_cast %add3A_669 : i32 to index
        %get3A_690 = arith.constant 48 : index
        %get3A_691 = tpu.vector_load %arg8[%get3A_689, %get3A_690] {strides = array<i32>} : memref<512x64xf32, #tpu.memory_space<vmem>>, vector<1x16xf32>,
        %get3A_692 = vector.shape_cast %get3A_691 : vector<1x16xf32> to vector<16xf32>
        %max3A_693 = arith.maximumf %select_n3A_688, %get3A_692 : vector<16xf32>
        %slice3A_694 = vector.extract_strided_slice %get3A_109 {offsets = [14], sizes = [1], strides = [1]} : vector<16xi32> to vector<1xi32>
        %squeeze3A_695 = vector.extract %slice3A_694[0] : i32 from vector<1xi32>
        %sub3A_696 = arith.subi %squeeze3A_695, %mul3A_7 : i32
        %ge3A_697 = arith.constant 0 : i32
        %ge3A_698 = arith.cmpi sge, %sub3A_696, %ge3A_697 : i32
        %lt3A_699 = arith.constant 320 : i32
        %lt3A_700 = arith.cmpi slt, %sub3A_696, %lt3A_699 : i32
        %and3A_701 = arith.andi %ge3A_698, %lt3A_700 : i1
        %jit3A_702 = arith.constant 320 : i32
        %select_n3A_703 = arith.select %and3A_701, %sub3A_696, %jit3A_702 : i32
        %ne3A_704 = arith.cmpi ne, %select_n3A_703, %select_n3A_661 : i32
        %convert_element_type3A_705 = arith.extui %ne3A_704 : i1 to i32
        %cond3A_706 = arith.constant 0 : i32
        %cond3A_707 = arith.cmpi ne, %convert_element_type3A_705, %cond3A_706 : i32
        scf.if %cond3A_707 {
          %get3A_778 = arith.index_cast %select_n3A_661 : i32 to index
          %get3A_779 = arith.constant 0 : index
          %get3A_780 = tpu.vector_load %arg9[%get3A_778, %get3A_779] {strides = array<i32>} : memref<336x64xf32, #tpu.memory_space<vmem>>, vector<1x16xf32>,
          %get3A_781 = vector.shape_cast %get3A_780 : vector<1x16xf32> to vector<16xf32>
          %max3A_782 = arith.maximumf %get3A_781, %max3A_675 : vector<16xf32>
          %swap3A_783 = arith.index_cast %select_n3A_661 : i32 to index
          %swap3A_784 = arith.constant 0 : index
          %swap3A_785 = tpu.vector_load %arg9[%swap3A_783, %swap3A_784] {strides = array<i32>} : memref<336x64xf32, #tpu.memory_space<vmem>>, vector<1x16xf32>,
          %swap3A_786 = vector.shape_cast %swap3A_785 : vector<1x16xf32> to vector<16xf32>
          %swap3A_787 = vector.shape_cast %max3A_782 : vector<16xf32> to vector<1x16xf32>
          tpu.vector_store %arg9[%swap3A_783, %swap3A_784], %swap3A_787 {strides = array<i32>} : memref<336x64xf32, #tpu.memory_space<vmem>>, vector<1x16xf32>,
          %get3A_788 = arith.index_cast %select_n3A_661 : i32 to index
          %get3A_789 = arith.constant 16 : index
          %get3A_790 = tpu.vector_load %arg9[%get3A_788, %get3A_789] {strides = array<i32>} : memref<336x64xf32, #tpu.memory_space<vmem>>, vector<1x16xf32>,
          %get3A_791 = vector.shape_cast %get3A_790 : vector<1x16xf32> to vector<16xf32>
          %max3A_792 = arith.maximumf %get3A_791, %max3A_681 : vector<16xf32>
          %swap3A_793 = arith.index_cast %select_n3A_661 : i32 to index
          %swap3A_794 = arith.constant 16 : index
          %swap3A_795 = tpu.vector_load %arg9[%swap3A_793, %swap3A_794] {strides = array<i32>} : memref<336x64xf32, #tpu.memory_space<vmem>>, vector<1x16xf32>,
          %swap3A_796 = vector.shape_cast %swap3A_795 : vector<1x16xf32> to vector<16xf32>
          %swap3A_797 = vector.shape_cast %max3A_792 : vector<16xf32> to vector<1x16xf32>
          tpu.vector_store %arg9[%swap3A_793, %swap3A_794], %swap3A_797 {strides = array<i32>} : memref<336x64xf32, #tpu.memory_space<vmem>>, vector<1x16xf32>,
          %get3A_798 = arith.index_cast %select_n3A_661 : i32 to index
          %get3A_799 = arith.constant 32 : index
          %get3A_800 = tpu.vector_load %arg9[%get3A_798, %get3A_799] {strides = array<i32>} : memref<336x64xf32, #tpu.memory_space<vmem>>, vector<1x16xf32>,
          %get3A_801 = vector.shape_cast %get3A_800 : vector<1x16xf32> to vector<16xf32>
          %max3A_802 = arith.maximumf %get3A_801, %max3A_687 : vector<16xf32>
          %swap3A_803 = arith.index_cast %select_n3A_661 : i32 to index
          %swap3A_804 = arith.constant 32 : index
          %swap3A_805 = tpu.vector_load %arg9[%swap3A_803, %swap3A_804] {strides = array<i32>} : memref<336x64xf32, #tpu.memory_space<vmem>>, vector<1x16xf32>,
          %swap3A_806 = vector.shape_cast %swap3A_805 : vector<1x16xf32> to vector<16xf32>
          %swap3A_807 = vector.shape_cast %max3A_802 : vector<16xf32> to vector<1x16xf32>
          tpu.vector_store %arg9[%swap3A_803, %swap3A_804], %swap3A_807 {strides = array<i32>} : memref<336x64xf32, #tpu.memory_space<vmem>>, vector<1x16xf32>,
          %get3A_808 = arith.index_cast %select_n3A_661 : i32 to index
          %get3A_809 = arith.constant 48 : index
          %get3A_810 = tpu.vector_load %arg9[%get3A_808, %get3A_809] {strides = array<i32>} : memref<336x64xf32, #tpu.memory_space<vmem>>, vector<1x16xf32>,
          %get3A_811 = vector.shape_cast %get3A_810 : vector<1x16xf32> to vector<16xf32>
          %max3A_812 = arith.maximumf %get3A_811, %max3A_693 : vector<16xf32>
          %swap3A_813 = arith.index_cast %select_n3A_661 : i32 to index
          %swap3A_814 = arith.constant 48 : index
          %swap3A_815 = tpu.vector_load %arg9[%swap3A_813, %swap3A_814] {strides = array<i32>} : memref<336x64xf32, #tpu.memory_space<vmem>>, vector<1x16xf32>,
          %swap3A_816 = vector.shape_cast %swap3A_815 : vector<1x16xf32> to vector<16xf32>
          %swap3A_817 = vector.shape_cast %max3A_812 : vector<16xf32> to vector<1x16xf32>
          tpu.vector_store %arg9[%swap3A_813, %swap3A_814], %swap3A_817 {strides = array<i32>} : memref<336x64xf32, #tpu.memory_space<vmem>>, vector<1x16xf32>,
        } else {
        }
        %mul3A_708 = arith.constant 16 : i32
        %mul3A_709 = arith.muli %scan3A_99, %mul3A_708 : i32
        %add3A_710 = arith.constant 14 : i32
        %add3A_711 = arith.addi %mul3A_709, %add3A_710 : i32
        %select_n3A_712 = arith.select %ne3A_704, %broadcast_in_dim3A_33, %max3A_675 : vector<16xf32>
        %get3A_713 = arith.index_cast %add3A_711 : i32 to index
        %get3A_714 = arith.constant 0 : index
        %get3A_715 = tpu.vector_load %arg8[%get3A_713, %get3A_714] {strides = array<i32>} : memref<512x64xf32, #tpu.memory_space<vmem>>, vector<1x16xf32>,
        %get3A_716 = vector.shape_cast %get3A_715 : vector<1x16xf32> to vector<16xf32>
        %max3A_717 = arith.maximumf %select_n3A_712, %get3A_716 : vector<16xf32>
        %select_n3A_718 = arith.select %ne3A_704, %broadcast_in_dim3A_33, %max3A_681 : vector<16xf32>
        %get3A_719 = arith.index_cast %add3A_711 : i32 to index
        %get3A_720 = arith.constant 16 : index
        %get3A_721 = tpu.vector_load %arg8[%get3A_719, %get3A_720] {strides = array<i32>} : memref<512x64xf32, #tpu.memory_space<vmem>>, vector<1x16xf32>,
        %get3A_722 = vector.shape_cast %get3A_721 : vector<1x16xf32> to vector<16xf32>
        %max3A_723 = arith.maximumf %select_n3A_718, %get3A_722 : vector<16xf32>
        %select_n3A_724 = arith.select %ne3A_704, %broadcast_in_dim3A_33, %max3A_687 : vector<16xf32>
        %get3A_725 = arith.index_cast %add3A_711 : i32 to index
        %get3A_726 = arith.constant 32 : index
        %get3A_727 = tpu.vector_load %arg8[%get3A_725, %get3A_726] {strides = array<i32>} : memref<512x64xf32, #tpu.memory_space<vmem>>, vector<1x16xf32>,
        %get3A_728 = vector.shape_cast %get3A_727 : vector<1x16xf32> to vector<16xf32>
        %max3A_729 = arith.maximumf %select_n3A_724, %get3A_728 : vector<16xf32>
        %select_n3A_730 = arith.select %ne3A_704, %broadcast_in_dim3A_33, %max3A_693 : vector<16xf32>
        %get3A_731 = arith.index_cast %add3A_711 : i32 to index
        %get3A_732 = arith.constant 48 : index
        %get3A_733 = tpu.vector_load %arg8[%get3A_731, %get3A_732] {strides = array<i32>} : memref<512x64xf32, #tpu.memory_space<vmem>>, vector<1x16xf32>,
        %get3A_734 = vector.shape_cast %get3A_733 : vector<1x16xf32> to vector<16xf32>
        %max3A_735 = arith.maximumf %select_n3A_730, %get3A_734 : vector<16xf32>
        %slice3A_736 = vector.extract_strided_slice %get3A_109 {offsets = [15], sizes = [1], strides = [1]} : vector<16xi32> to vector<1xi32>
        %squeeze3A_737 = vector.extract %slice3A_736[0] : i32 from vector<1xi32>
        %sub3A_738 = arith.subi %squeeze3A_737, %mul3A_7 : i32
        %ge3A_739 = arith.constant 0 : i32
        %ge3A_740 = arith.cmpi sge, %sub3A_738, %ge3A_739 : i32
        %lt3A_741 = arith.constant 320 : i32
        %lt3A_742 = arith.cmpi slt, %sub3A_738, %lt3A_741 : i32
        %and3A_743 = arith.andi %ge3A_740, %lt3A_742 : i1
        %jit3A_744 = arith.constant 320 : i32
        %select_n3A_745 = arith.select %and3A_743, %sub3A_738, %jit3A_744 : i32
        %ne3A_746 = arith.cmpi ne, %select_n3A_745, %select_n3A_703 : i32
        %convert_element_type3A_747 = arith.extui %ne3A_746 : i1 to i32
        %cond3A_748 = arith.constant 0 : i32
        %cond3A_749 = arith.cmpi ne, %convert_element_type3A_747, %cond3A_748 : i32
        scf.if %cond3A_749 {
          %get3A_778 = arith.index_cast %select_n3A_703 : i32 to index
          %get3A_779 = arith.constant 0 : index
          %get3A_780 = tpu.vector_load %arg9[%get3A_778, %get3A_779] {strides = array<i32>} : memref<336x64xf32, #tpu.memory_space<vmem>>, vector<1x16xf32>,
          %get3A_781 = vector.shape_cast %get3A_780 : vector<1x16xf32> to vector<16xf32>
          %max3A_782 = arith.maximumf %get3A_781, %max3A_717 : vector<16xf32>
          %swap3A_783 = arith.index_cast %select_n3A_703 : i32 to index
          %swap3A_784 = arith.constant 0 : index
          %swap3A_785 = tpu.vector_load %arg9[%swap3A_783, %swap3A_784] {strides = array<i32>} : memref<336x64xf32, #tpu.memory_space<vmem>>, vector<1x16xf32>,
          %swap3A_786 = vector.shape_cast %swap3A_785 : vector<1x16xf32> to vector<16xf32>
          %swap3A_787 = vector.shape_cast %max3A_782 : vector<16xf32> to vector<1x16xf32>
          tpu.vector_store %arg9[%swap3A_783, %swap3A_784], %swap3A_787 {strides = array<i32>} : memref<336x64xf32, #tpu.memory_space<vmem>>, vector<1x16xf32>,
          %get3A_788 = arith.index_cast %select_n3A_703 : i32 to index
          %get3A_789 = arith.constant 16 : index
          %get3A_790 = tpu.vector_load %arg9[%get3A_788, %get3A_789] {strides = array<i32>} : memref<336x64xf32, #tpu.memory_space<vmem>>, vector<1x16xf32>,
          %get3A_791 = vector.shape_cast %get3A_790 : vector<1x16xf32> to vector<16xf32>
          %max3A_792 = arith.maximumf %get3A_791, %max3A_723 : vector<16xf32>
          %swap3A_793 = arith.index_cast %select_n3A_703 : i32 to index
          %swap3A_794 = arith.constant 16 : index
          %swap3A_795 = tpu.vector_load %arg9[%swap3A_793, %swap3A_794] {strides = array<i32>} : memref<336x64xf32, #tpu.memory_space<vmem>>, vector<1x16xf32>,
          %swap3A_796 = vector.shape_cast %swap3A_795 : vector<1x16xf32> to vector<16xf32>
          %swap3A_797 = vector.shape_cast %max3A_792 : vector<16xf32> to vector<1x16xf32>
          tpu.vector_store %arg9[%swap3A_793, %swap3A_794], %swap3A_797 {strides = array<i32>} : memref<336x64xf32, #tpu.memory_space<vmem>>, vector<1x16xf32>,
          %get3A_798 = arith.index_cast %select_n3A_703 : i32 to index
          %get3A_799 = arith.constant 32 : index
          %get3A_800 = tpu.vector_load %arg9[%get3A_798, %get3A_799] {strides = array<i32>} : memref<336x64xf32, #tpu.memory_space<vmem>>, vector<1x16xf32>,
          %get3A_801 = vector.shape_cast %get3A_800 : vector<1x16xf32> to vector<16xf32>
          %max3A_802 = arith.maximumf %get3A_801, %max3A_729 : vector<16xf32>
          %swap3A_803 = arith.index_cast %select_n3A_703 : i32 to index
          %swap3A_804 = arith.constant 32 : index
          %swap3A_805 = tpu.vector_load %arg9[%swap3A_803, %swap3A_804] {strides = array<i32>} : memref<336x64xf32, #tpu.memory_space<vmem>>, vector<1x16xf32>,
          %swap3A_806 = vector.shape_cast %swap3A_805 : vector<1x16xf32> to vector<16xf32>
          %swap3A_807 = vector.shape_cast %max3A_802 : vector<16xf32> to vector<1x16xf32>
          tpu.vector_store %arg9[%swap3A_803, %swap3A_804], %swap3A_807 {strides = array<i32>} : memref<336x64xf32, #tpu.memory_space<vmem>>, vector<1x16xf32>,
          %get3A_808 = arith.index_cast %select_n3A_703 : i32 to index
          %get3A_809 = arith.constant 48 : index
          %get3A_810 = tpu.vector_load %arg9[%get3A_808, %get3A_809] {strides = array<i32>} : memref<336x64xf32, #tpu.memory_space<vmem>>, vector<1x16xf32>,
          %get3A_811 = vector.shape_cast %get3A_810 : vector<1x16xf32> to vector<16xf32>
          %max3A_812 = arith.maximumf %get3A_811, %max3A_735 : vector<16xf32>
          %swap3A_813 = arith.index_cast %select_n3A_703 : i32 to index
          %swap3A_814 = arith.constant 48 : index
          %swap3A_815 = tpu.vector_load %arg9[%swap3A_813, %swap3A_814] {strides = array<i32>} : memref<336x64xf32, #tpu.memory_space<vmem>>, vector<1x16xf32>,
          %swap3A_816 = vector.shape_cast %swap3A_815 : vector<1x16xf32> to vector<16xf32>
          %swap3A_817 = vector.shape_cast %max3A_812 : vector<16xf32> to vector<1x16xf32>
          tpu.vector_store %arg9[%swap3A_813, %swap3A_814], %swap3A_817 {strides = array<i32>} : memref<336x64xf32, #tpu.memory_space<vmem>>, vector<1x16xf32>,
        } else {
        }
        %mul3A_750 = arith.constant 16 : i32
        %mul3A_751 = arith.muli %scan3A_99, %mul3A_750 : i32
        %add3A_752 = arith.constant 15 : i32
        %add3A_753 = arith.addi %mul3A_751, %add3A_752 : i32
        %select_n3A_754 = arith.select %ne3A_746, %broadcast_in_dim3A_33, %max3A_717 : vector<16xf32>
        %get3A_755 = arith.index_cast %add3A_753 : i32 to index
        %get3A_756 = arith.constant 0 : index
        %get3A_757 = tpu.vector_load %arg8[%get3A_755, %get3A_756] {strides = array<i32>} : memref<512x64xf32, #tpu.memory_space<vmem>>, vector<1x16xf32>,
        %get3A_758 = vector.shape_cast %get3A_757 : vector<1x16xf32> to vector<16xf32>
        %max3A_759 = arith.maximumf %select_n3A_754, %get3A_758 : vector<16xf32>
        %select_n3A_760 = arith.select %ne3A_746, %broadcast_in_dim3A_33, %max3A_723 : vector<16xf32>
        %get3A_761 = arith.index_cast %add3A_753 : i32 to index
        %get3A_762 = arith.constant 16 : index
        %get3A_763 = tpu.vector_load %arg8[%get3A_761, %get3A_762] {strides = array<i32>} : memref<512x64xf32, #tpu.memory_space<vmem>>, vector<1x16xf32>,
        %get3A_764 = vector.shape_cast %get3A_763 : vector<1x16xf32> to vector<16xf32>
        %max3A_765 = arith.maximumf %select_n3A_760, %get3A_764 : vector<16xf32>
        %select_n3A_766 = arith.select %ne3A_746, %broadcast_in_dim3A_33, %max3A_729 : vector<16xf32>
        %get3A_767 = arith.index_cast %add3A_753 : i32 to index
        %get3A_768 = arith.constant 32 : index
        %get3A_769 = tpu.vector_load %arg8[%get3A_767, %get3A_768] {strides = array<i32>} : memref<512x64xf32, #tpu.memory_space<vmem>>, vector<1x16xf32>,
        %get3A_770 = vector.shape_cast %get3A_769 : vector<1x16xf32> to vector<16xf32>
        %max3A_771 = arith.maximumf %select_n3A_766, %get3A_770 : vector<16xf32>
        %select_n3A_772 = arith.select %ne3A_746, %broadcast_in_dim3A_33, %max3A_735 : vector<16xf32>
        %get3A_773 = arith.index_cast %add3A_753 : i32 to index
        %get3A_774 = arith.constant 48 : index
        %get3A_775 = tpu.vector_load %arg8[%get3A_773, %get3A_774] {strides = array<i32>} : memref<512x64xf32, #tpu.memory_space<vmem>>, vector<1x16xf32>,
        %get3A_776 = vector.shape_cast %get3A_775 : vector<1x16xf32> to vector<16xf32>
        %max3A_777 = arith.maximumf %select_n3A_772, %get3A_776 : vector<16xf32>
        scf.yield %select_n3A_745, %max3A_759, %max3A_765, %max3A_771, %max3A_777 : i32, vector<16xf32>, vector<16xf32>, vector<16xf32>, vector<16xf32>
      }
      %scan3A_98 = arith.constant 32 : i32
      scf.yield %scan3A_97#0, %scan3A_97#1, %scan3A_97#2, %scan3A_97#3, %scan3A_97#4 : i32, vector<16xf32>, vector<16xf32>, vector<16xf32>, vector<16xf32>
    }
    %get3A_45 = arith.index_cast %while3A_44#0 : i32 to index
    %get3A_46 = arith.constant 0 : index
    %get3A_47 = tpu.vector_load %arg9[%get3A_45, %get3A_46] {strides = array<i32>} : memref<336x64xf32, #tpu.memory_space<vmem>>, vector<1x16xf32>,
    %get3A_48 = vector.shape_cast %get3A_47 : vector<1x16xf32> to vector<16xf32>
    %max3A = arith.maximumf %get3A_48, %while3A_44#1 : vector<16xf32>
    %swap3A = arith.index_cast %while3A_44#0 : i32 to index
    %swap3A_49 = arith.constant 0 : index
    %swap3A_50 = tpu.vector_load %arg9[%swap3A, %swap3A_49] {strides = array<i32>} : memref<336x64xf32, #tpu.memory_space<vmem>>, vector<1x16xf32>,
    %swap3A_51 = vector.shape_cast %swap3A_50 : vector<1x16xf32> to vector<16xf32>
    %swap3A_52 = vector.shape_cast %max3A : vector<16xf32> to vector<1x16xf32>
    tpu.vector_store %arg9[%swap3A, %swap3A_49], %swap3A_52 {strides = array<i32>} : memref<336x64xf32, #tpu.memory_space<vmem>>, vector<1x16xf32>,
    %get3A_53 = arith.index_cast %while3A_44#0 : i32 to index
    %get3A_54 = arith.constant 16 : index
    %get3A_55 = tpu.vector_load %arg9[%get3A_53, %get3A_54] {strides = array<i32>} : memref<336x64xf32, #tpu.memory_space<vmem>>, vector<1x16xf32>,
    %get3A_56 = vector.shape_cast %get3A_55 : vector<1x16xf32> to vector<16xf32>
    %max3A_57 = arith.maximumf %get3A_56, %while3A_44#2 : vector<16xf32>
    %swap3A_58 = arith.index_cast %while3A_44#0 : i32 to index
    %swap3A_59 = arith.constant 16 : index
    %swap3A_60 = tpu.vector_load %arg9[%swap3A_58, %swap3A_59] {strides = array<i32>} : memref<336x64xf32, #tpu.memory_space<vmem>>, vector<1x16xf32>,
    %swap3A_61 = vector.shape_cast %swap3A_60 : vector<1x16xf32> to vector<16xf32>
    %swap3A_62 = vector.shape_cast %max3A_57 : vector<16xf32> to vector<1x16xf32>
    tpu.vector_store %arg9[%swap3A_58, %swap3A_59], %swap3A_62 {strides = array<i32>} : memref<336x64xf32, #tpu.memory_space<vmem>>, vector<1x16xf32>,
    %get3A_63 = arith.index_cast %while3A_44#0 : i32 to index
    %get3A_64 = arith.constant 32 : index
    %get3A_65 = tpu.vector_load %arg9[%get3A_63, %get3A_64] {strides = array<i32>} : memref<336x64xf32, #tpu.memory_space<vmem>>, vector<1x16xf32>,
    %get3A_66 = vector.shape_cast %get3A_65 : vector<1x16xf32> to vector<16xf32>
    %max3A_67 = arith.maximumf %get3A_66, %while3A_44#3 : vector<16xf32>
    %swap3A_68 = arith.index_cast %while3A_44#0 : i32 to index
    %swap3A_69 = arith.constant 32 : index
    %swap3A_70 = tpu.vector_load %arg9[%swap3A_68, %swap3A_69] {strides = array<i32>} : memref<336x64xf32, #tpu.memory_space<vmem>>, vector<1x16xf32>,
    %swap3A_71 = vector.shape_cast %swap3A_70 : vector<1x16xf32> to vector<16xf32>
    %swap3A_72 = vector.shape_cast %max3A_67 : vector<16xf32> to vector<1x16xf32>
    tpu.vector_store %arg9[%swap3A_68, %swap3A_69], %swap3A_72 {strides = array<i32>} : memref<336x64xf32, #tpu.memory_space<vmem>>, vector<1x16xf32>,
    %get3A_73 = arith.index_cast %while3A_44#0 : i32 to index
    %get3A_74 = arith.constant 48 : index
    %get3A_75 = tpu.vector_load %arg9[%get3A_73, %get3A_74] {strides = array<i32>} : memref<336x64xf32, #tpu.memory_space<vmem>>, vector<1x16xf32>,
    %get3A_76 = vector.shape_cast %get3A_75 : vector<1x16xf32> to vector<16xf32>
    %max3A_77 = arith.maximumf %get3A_76, %while3A_44#4 : vector<16xf32>
    %swap3A_78 = arith.index_cast %while3A_44#0 : i32 to index
    %swap3A_79 = arith.constant 48 : index
    %swap3A_80 = tpu.vector_load %arg9[%swap3A_78, %swap3A_79] {strides = array<i32>} : memref<336x64xf32, #tpu.memory_space<vmem>>, vector<1x16xf32>,
    %swap3A_81 = vector.shape_cast %swap3A_80 : vector<1x16xf32> to vector<16xf32>
    %swap3A_82 = vector.shape_cast %max3A_77 : vector<16xf32> to vector<1x16xf32>
    tpu.vector_store %arg9[%swap3A_78, %swap3A_79], %swap3A_82 {strides = array<i32>} : memref<336x64xf32, #tpu.memory_space<vmem>>, vector<1x16xf32>,
    "tpu.region"() ({
      %run_scoped3A = tpu.sem_alloc : memref<!tpu.dma_semaphore, #tpu.memory_space<semaphore_mem>>
      %dma_start3A = arith.constant 0 : i32
      %dma_start3A_83 = arith.constant 0 : i32
      %dma_start3A_84 = tpu.memref_slice %arg9[%dma_start3A, %dma_start3A_83] : memref<336x64xf32, #tpu.memory_space<vmem>> -> memref<320x64xf32, #tpu.memory_space<vmem>>
      %dma_start3A_85 = arith.constant 0 : i32
      %dma_start3A_86 = tpu.memref_slice %arg5[%mul3A_7, %dma_start3A_85] : memref<10240x64xf32, #tpu.memory_space<hbm>> -> memref<320x64xf32, #tpu.memory_space<hbm>>
      %dma_start3A_87 = arith.constant 0 : i32
      %dma_start3A_88 = tpu.memref_slice %arg5[%mul3A_7, %dma_start3A_87] : memref<10240x64xf32, #tpu.memory_space<hbm>> -> memref<320x64xf32, #tpu.memory_space<hbm>>
      %dma_start3A_89 = arith.constant 0 : i32
      %dma_start3A_90 = arith.constant 0 : i32
      %dma_start3A_91 = tpu.memref_slice %arg9[%dma_start3A_89, %dma_start3A_90] : memref<336x64xf32, #tpu.memory_space<vmem>> -> memref<320x64xf32, #tpu.memory_space<vmem>>
      tpu.enqueue_dma source(%dma_start3A_91 : memref<320x64xf32, #tpu.memory_space<vmem>>) target(%dma_start3A_88 : memref<320x64xf32, #tpu.memory_space<hbm>>) target_semaphore(%run_scoped3A : memref<!tpu.dma_semaphore, #tpu.memory_space<semaphore_mem>>)
      %dma_wait3A = arith.constant 0 : i32
      %dma_wait3A_92 = arith.constant 0 : i32
      %dma_wait3A_93 = tpu.memref_slice %arg9[%dma_wait3A, %dma_wait3A_92] : memref<336x64xf32, #tpu.memory_space<vmem>> -> memref<320x64xf32, #tpu.memory_space<vmem>>
      %dma_wait3A_94 = arith.constant 0 : i32
      %dma_wait3A_95 = tpu.memref_slice %arg5[%mul3A_7, %dma_wait3A_94] : memref<10240x64xf32, #tpu.memory_space<hbm>> -> memref<320x64xf32, #tpu.memory_space<hbm>>
      %dma_wait3A_96 = arith.constant 0 : i32
      %dma_wait3A_97 = tpu.memref_slice %arg5[%mul3A_7, %dma_wait3A_96] : memref<10240x64xf32, #tpu.memory_space<hbm>> -> memref<320x64xf32, #tpu.memory_space<hbm>>
      %dma_wait3A_98 = arith.constant 0 : i32
      %dma_wait3A_99 = arith.constant 0 : i32
      %dma_wait3A_100 = tpu.memref_slice %arg9[%dma_wait3A_98, %dma_wait3A_99] : memref<336x64xf32, #tpu.memory_space<vmem>> -> memref<320x64xf32, #tpu.memory_space<vmem>>
      tpu.wait_dma2 semaphore(%run_scoped3A : memref<!tpu.dma_semaphore, #tpu.memory_space<semaphore_mem>>) src(%dma_wait3A_100 : memref<320x64xf32, #tpu.memory_space<vmem>>) dst(%dma_wait3A_97 : memref<320x64xf32, #tpu.memory_space<hbm>>)
      tpu.yield
    }) : () -> ()
    return
  }
}

module attributes {stable_mosaic.version = 14 : i64} {
  func.func @_mlp_body(%arg0: i32, %arg1: memref<7x5120xbf16, #tpu.memory_space<vmem>>, %arg2: memref<7x64xbf16, #tpu.memory_space<vmem>>, %arg3: memref<8x64xf32, #tpu.memory_space<vmem>>, %arg4: memref<64x64xbf16, #tpu.memory_space<vmem>>, %arg5: memref<8x64xf32, #tpu.memory_space<vmem>>, %arg6: memref<5120x64xf32, #tpu.memory_space<vmem>>) attributes {dimension_semantics = [#tpu.dimension_semantics<arbitrary>], iteration_bounds = array<i64: 125>, scalar_prefetch = 0 : i64, scratch_operands = 0 : i64, tpu.core_type = #tpu.core_type<tc>, window_params = [{transform_indices = @transform_0, window_bounds = array<i64: 7, 5120>}, {pipeline_mode = #tpu.pipeline_mode<synchronous>, transform_indices = @transform_1, window_bounds = array<i64: 7, 64>}, {pipeline_mode = #tpu.pipeline_mode<synchronous>, transform_indices = @transform_2, window_bounds = array<i64: 8, 64>}, {pipeline_mode = #tpu.pipeline_mode<synchronous>, transform_indices = @transform_3, window_bounds = array<i64: 64, 64>}, {pipeline_mode = #tpu.pipeline_mode<synchronous>, transform_indices = @transform_4, window_bounds = array<i64: 8, 64>}, {transform_indices = @transform_5, window_bounds = array<i64: 5120, 64>}]} {
    %get3A = arith.constant 0 : index
    %get3A_0 = arith.constant 0 : index
    %get3A_1 = vector.load %arg1[%get3A, %get3A_0] : memref<7x5120xbf16, #tpu.memory_space<vmem>>, vector<7x5120xbf16>
    %get3A_2 = arith.constant 0 : index
    %get3A_3 = arith.constant 0 : index
    %get3A_4 = vector.load %arg2[%get3A_2, %get3A_3] : memref<7x64xbf16, #tpu.memory_space<vmem>>, vector<7x64xbf16>
    %dot_general3A = arith.constant dense<0.000000e+00> : vector<5120x64xf32>
    %dot_general3A_5 = tpu.matmul %get3A_1, %get3A_4, %dot_general3A {dimension_numbers = #tpu.dot_dimension_numbers<[0], [0], [1], [1], [0, 1, 1, 1], [], []>, transpose_lhs_hint = false} : vector<7x5120xbf16>, vector<7x64xbf16>, vector<5120x64xf32> -> vector<5120x64xf32>
    %get3A_6 = arith.constant 0 : index
    %get3A_7 = arith.constant 0 : index
    %get3A_8 = vector.load %arg3[%get3A_6, %get3A_7] : memref<8x64xf32, #tpu.memory_space<vmem>>, vector<1x64xf32>
    %add3A = vector.broadcast %get3A_8 : vector<1x64xf32> to vector<5120x64xf32>
    %add3A_9 = arith.addf %dot_general3A_5, %add3A : vector<5120x64xf32>
    %max3A = arith.constant 0.000000e+00 : f32
    %max3A_10 = vector.broadcast %max3A : f32 to vector<5120x64xf32>
    %max3A_11 = arith.maximumf %add3A_9, %max3A_10 : vector<5120x64xf32>
    %convert_element_type3A = arith.truncf %max3A_11 : vector<5120x64xf32> to vector<5120x64xbf16>
    %get3A_12 = arith.constant 0 : index
    %get3A_13 = arith.constant 0 : index
    %get3A_14 = vector.load %arg4[%get3A_12, %get3A_13] : memref<64x64xbf16, #tpu.memory_space<vmem>>, vector<64x64xbf16>
    %dot_general3A_15 = arith.constant dense<0.000000e+00> : vector<5120x64xf32>
    %dot_general3A_16 = tpu.matmul %convert_element_type3A, %get3A_14, %dot_general3A_15 {dimension_numbers = #tpu.dot_dimension_numbers<[1], [0], [0], [1], [0, 0, 1, 1], [], []>, transpose_lhs_hint = false} : vector<5120x64xbf16>, vector<64x64xbf16>, vector<5120x64xf32> -> vector<5120x64xf32>
    %get3A_17 = arith.constant 0 : index
    %get3A_18 = arith.constant 0 : index
    %get3A_19 = vector.load %arg5[%get3A_17, %get3A_18] : memref<8x64xf32, #tpu.memory_space<vmem>>, vector<1x64xf32>
    %add3A_20 = vector.broadcast %get3A_19 : vector<1x64xf32> to vector<5120x64xf32>
    %add3A_21 = arith.addf %dot_general3A_16, %add3A_20 : vector<5120x64xf32>
    %max3A_22 = arith.constant 0.000000e+00 : f32
    %max3A_23 = vector.broadcast %max3A_22 : f32 to vector<5120x64xf32>
    %max3A_24 = arith.maximumf %add3A_21, %max3A_23 : vector<5120x64xf32>
    %swap3A = arith.constant 0 : index
    %swap3A_25 = arith.constant 0 : index
    %swap3A_26 = vector.load %arg6[%swap3A, %swap3A_25] : memref<5120x64xf32, #tpu.memory_space<vmem>>, vector<5120x64xf32>
    tpu.vector_store %arg6[%swap3A, %swap3A_25], %max3A_24 {strides = array<i32>} : memref<5120x64xf32, #tpu.memory_space<vmem>>, vector<5120x64xf32>,
    return
  }
  func.func @transform_0(%arg0: i32) -> (i32, i32) {
    %c0_i32 = arith.constant 0 : i32
    %c0_i32_0 = arith.constant 0 : i32
    return %c0_i32, %arg0 : i32, i32
  }
  func.func @transform_1(%arg0: i32) -> (i32, i32) {
    %c0_i32 = arith.constant 0 : i32
    %c0_i32_0 = arith.constant 0 : i32
    %c0_i32_1 = arith.constant 0 : i32
    return %c0_i32, %c0_i32_0 : i32, i32
  }
  func.func @transform_2(%arg0: i32) -> (i32, i32) {
    %c0_i32 = arith.constant 0 : i32
    %c0_i32_0 = arith.constant 0 : i32
    %c0_i32_1 = arith.constant 0 : i32
    return %c0_i32, %c0_i32_0 : i32, i32
  }
  func.func @transform_3(%arg0: i32) -> (i32, i32) {
    %c0_i32 = arith.constant 0 : i32
    %c0_i32_0 = arith.constant 0 : i32
    %c0_i32_1 = arith.constant 0 : i32
    return %c0_i32, %c0_i32_0 : i32, i32
  }
  func.func @transform_4(%arg0: i32) -> (i32, i32) {
    %c0_i32 = arith.constant 0 : i32
    %c0_i32_0 = arith.constant 0 : i32
    %c0_i32_1 = arith.constant 0 : i32
    return %c0_i32, %c0_i32_0 : i32, i32
  }
  func.func @transform_5(%arg0: i32) -> (i32, i32) {
    %c0_i32 = arith.constant 0 : i32
    %c0_i32_0 = arith.constant 0 : i32
    return %arg0, %c0_i32 : i32, i32
  }
}

module attributes {stable_mosaic.version = 14 : i64} {
  func.func @_head_body(%arg0: memref<10240x64xf32, #tpu.memory_space<vmem>>, %arg1: memref<64x8xf32, #tpu.memory_space<vmem>>, %arg2: memref<8x8xf32, #tpu.memory_space<vmem>>, %arg3: memref<8x10240xi32, #tpu.memory_space<vmem>>, %arg4: memref<16x4xf32, #tpu.memory_space<vmem>>) attributes {dimension_semantics = [], scalar_prefetch = 0 : i64, scratch_operands = 0 : i64, tpu.core_type = #tpu.core_type<tc>} {
    %get3A = arith.constant 0 : index
    %get3A_0 = arith.constant 0 : index
    %get3A_1 = vector.load %arg0[%get3A, %get3A_0] : memref<10240x64xf32, #tpu.memory_space<vmem>>, vector<10240x64xf32>
    %get3A_2 = arith.constant 0 : index
    %get3A_3 = arith.constant 0 : index
    %get3A_4 = vector.load %arg1[%get3A_2, %get3A_3] : memref<64x8xf32, #tpu.memory_space<vmem>>, vector<64x8xf32>
    %dot_general3A = arith.constant dense<0.000000e+00> : vector<10240x8xf32>
    %dot_general3A_5 = tpu.matmul %get3A_1, %get3A_4, %dot_general3A {dimension_numbers = #tpu.dot_dimension_numbers<[1], [0], [0], [1], [0, 0, 1, 1], [], []>, transpose_lhs_hint = false} : vector<10240x64xf32>, vector<64x8xf32>, vector<10240x8xf32> -> vector<10240x8xf32>
    %get3A_6 = arith.constant 0 : index
    %get3A_7 = arith.constant 0 : index
    %get3A_8 = vector.load %arg2[%get3A_6, %get3A_7] : memref<8x8xf32, #tpu.memory_space<vmem>>, vector<1x8xf32>
    %add3A = vector.broadcast %get3A_8 : vector<1x8xf32> to vector<10240x8xf32>
    %add3A_9 = arith.addf %dot_general3A_5, %add3A : vector<10240x8xf32>
    %get3A_10 = arith.constant 0 : index
    %get3A_11 = arith.constant 0 : index
    %get3A_12 = vector.load %arg3[%get3A_10, %get3A_11] : memref<8x10240xi32, #tpu.memory_space<vmem>>, vector<1x10240xi32>
    %iota3A = tpu.iota {dimensions = array<i32: 0>} : vector<16x10240xi32>
    %eq3A = vector.broadcast %get3A_12 : vector<1x10240xi32> to vector<16x10240xi32>
    %eq3A_13 = arith.cmpi eq, %iota3A, %eq3A : vector<16x10240xi32>
    %convert_element_type3A = arith.extui %eq3A_13 : vector<16x10240xi1> to vector<16x10240xi32>
    %convert_element_type3A_14 = arith.sitofp %convert_element_type3A : vector<16x10240xi32> to vector<16x10240xf32>
    %dot_general3A_15 = arith.constant dense<0.000000e+00> : vector<16x8xf32>
    %dot_general3A_16 = tpu.matmul %convert_element_type3A_14, %add3A_9, %dot_general3A_15 {dimension_numbers = #tpu.dot_dimension_numbers<[1], [0], [0], [1], [0, 0, 1, 1], [], []>, transpose_lhs_hint = false} : vector<16x10240xf32>, vector<10240x8xf32>, vector<16x8xf32> -> vector<16x8xf32>
    %reduce_sum3A = arith.constant dense<0.000000e+00> : vector<16xf32>
    %reduce_sum3A_17 = vector.multi_reduction <add>, %convert_element_type3A_14, %reduce_sum3A [1] : vector<16x10240xf32> to vector<16xf32>
    %broadcast_in_dim3A = vector.shape_cast %reduce_sum3A_17 : vector<16xf32> to vector<16x1xf32>
    %max3A = arith.constant 1.000000e+00 : f32
    %max3A_18 = vector.broadcast %max3A : f32 to vector<16x1xf32>
    %max3A_19 = arith.maximumf %broadcast_in_dim3A, %max3A_18 : vector<16x1xf32>
    %div3A = vector.broadcast %max3A_19 : vector<16x1xf32> to vector<16x8xf32>
    %div3A_20 = arith.divf %dot_general3A_16, %div3A : vector<16x8xf32>
    %slice3A = vector.extract_strided_slice %div3A_20 {offsets = [0, 0], sizes = [16, 4], strides = [1, 1]} : vector<16x8xf32> to vector<16x4xf32>
    %reduce_max3A = arith.constant dense<0xFF800000> : vector<16xf32>
    %reduce_max3A_21 = vector.multi_reduction <maximumf>, %slice3A, %reduce_max3A [1] : vector<16x4xf32> to vector<16xf32>
    %broadcast_in_dim3A_22 = vector.shape_cast %reduce_max3A_21 : vector<16xf32> to vector<16x1xf32>
    %sub3A = vector.broadcast %broadcast_in_dim3A_22 : vector<16x1xf32> to vector<16x4xf32>
    %sub3A_23 = arith.subf %slice3A, %sub3A : vector<16x4xf32>
    %sub3A_24 = vector.broadcast %broadcast_in_dim3A_22 : vector<16x1xf32> to vector<16x4xf32>
    %sub3A_25 = arith.subf %slice3A, %sub3A_24 : vector<16x4xf32>
    %exp3A = math.exp %sub3A_25 : vector<16x4xf32>
    %reduce_sum3A_26 = arith.constant dense<0.000000e+00> : vector<16xf32>
    %reduce_sum3A_27 = vector.multi_reduction <add>, %exp3A, %reduce_sum3A_26 [1] : vector<16x4xf32> to vector<16xf32>
    %broadcast_in_dim3A_28 = vector.shape_cast %reduce_sum3A_27 : vector<16xf32> to vector<16x1xf32>
    %log3A = math.log %broadcast_in_dim3A_28 : vector<16x1xf32>
    %sub3A_29 = vector.broadcast %log3A : vector<16x1xf32> to vector<16x4xf32>
    %sub3A_30 = arith.subf %sub3A_23, %sub3A_29 : vector<16x4xf32>
    %swap3A = arith.constant 0 : index
    %swap3A_31 = arith.constant 0 : index
    %swap3A_32 = vector.load %arg4[%swap3A, %swap3A_31] : memref<16x4xf32, #tpu.memory_space<vmem>>, vector<16x4xf32>
    tpu.vector_store %arg4[%swap3A, %swap3A_31], %sub3A_30 {strides = array<i32>} : memref<16x4xf32, #tpu.memory_space<vmem>>, vector<16x4xf32>,
    return
  }
}

</mosaic_0001>

<sc_bundles>
// kernel: kernel.5.cloned.1.call-start
scs
__scs_entry_jumppad:
0x0: {  	(pc) =	sbr.rel $0x88, $3  }
0x1: {  	(tag) =	ssettag $0x0;
	lr =	simm.s32 $0x1  }
0x2: {  	[smem:$0x3F97] =	sst lr;
	_ =	strace $0xD0000000  }
0x3: {  	_ = 	snop  }
0x4: {  	_ = 	snop  }
0x5: {  	_ = 	snop  }
0x6: {  	_ = 	snop  }
0x7: {  	_ = 	snop  }
__scs_overlays_trampoline_lowered:
0x8: {  	[smem:$0x3FA6] =	sst s0  }
0x9: {  	[smem:$0x3FA7] =	sst s1  }
0xa: {  	[smem:$0x3FA8] =	sst s2  }
0xb: {  	[smem:$0x3FA9] =	sst s3  }
0xc: {  	[smem:$0x3FAA] =	sst s4  }
0xd: {  	[smem:$0x3FAB] =	sst s5  }
0xe: {  	[smem:$0x3FAC] =	sst s6  }
0xf: {  	[smem:$0x3FAD] =	sst s7  }
0x10: {  	[smem:$0x3FAE] =	sst s8  }
0x11: {  	[smem:$0x3FAF] =	sst s9;
	s0 =	simm.s32 @!p0 $0x0  }
0x12: {  	s1 =	sld [smem:$0x3F95];
	s0 =	simm.s32 @p0 $0x1  }
0x13: {  	[smem:$0x3FB0] =	sst s0;
	s0 =	simm.s32 @!p1 $0x0  }
0x14: {  	s2 =	sld [smem:$0x3F94];
	s0 =	simm.s32 @p1 $0x1  }
0x15: {  	[smem:$0x3FB1] =	sst s0;
	s0 =	simm.s32 @!p2 $0x0  }
0x16: {  	s3 =	sld [smem:$0x3FDB];
	s0 =	simm.s32 @p2 $0x1  }
0x17: {  	s4 =	simm.s32 $0x1BF5;
	[smem:$0x3FB3] =	sst s0  }
0x18: {  	s0 =	sld [smem:$0x3F96];
	_ =	swait.ge [sflag:s4], $0x0  }
0x19: {  	s7 =	sld [smem:$0x3F97]  }
0x1a: {  	s8 =	sadd.s32 $0xFFFFE003, lr  }
0x1b: {  	s9 =	sadd.s32 $0xFFFFFEF7, lr;
	s5 =	simm.s32 $0xFFFFFFFF;
	p2 =	slt.u32 s8, $0xFFFFF086  }
0x1c: {  	p1 =	slt.u32 s9, $0xF7A;
	s5 =	simm.s32 @!p2 $0x0  }
0x1d: {  	s5 =	simm.s32 @p1 $0x1;
	p0 =	seq.s32 s7, s2  }
0x1e: {  	s7 =	smul.u32 @!p0 $0xF7A, s2;
	p2 =	seq.s32 @!p0 s5, $0x0  }
0x1f: {  	s9 =	smul.u32 $0xF7A, s1;
	s8 =	simm.s32 @!p0 $0x1BF5;
	p2 =	por !p2, p0  }
0x20: {  	[sflag:s8] =	ssyncset.s32 @!p0 $0xFFFFF086;
	s6 =	sadd.s32 @!p0 s3, s7;
	s7 =	simm.s32 @!p0 $0x108  }
0x21: {  	s3 =	sadd.s32 s3, s9;
	s6 =	sadd.s32 @!p0 $0x88, s6;
	s7 =	simm.s32 @p2 $0x1082  }
0x22: {  	[simem:s7], [sflag:s8] =	dma.local @!p0 [hbm:s6], $0xF7A  }
0x23: {  	s9 =	sor.u32 $0xD0000000, s2;
	s6 =	simm.s32 $0x108;
	_ =	swait.ge @!p0 [sflag:s8], $0x0  }
0x24: {  	s3 =	sadd.s32 $0x88, s3;
	s6 =	simm.s32 @!p1 $0x1082;
	[sflag:s4] =	ssyncset.s32 $0xFFFFF086  }
0x25: {  	[simem:s6], [sflag:s4] =	dma.local [hbm:s3], $0xF7A  }
0x26: {  	[smem:$0x3F97] =	sst s1;
	(tag) =	ssettag s2;
	_ =	strace s9  }
0x27: {  	s1 =	sld [smem:$0x3FA7]  }
0x28: {  	s2 =	sld [smem:$0x3FA8]  }
0x29: {  	s4 =	sld [smem:$0x3FAA]  }
0x2a: {  	p0 =	seq.s32 s5, $0x0;
	s5 =	sld [smem:$0x3FAB]  }
0x2b: {  	s6 =	sld [smem:$0x3FAC]  }
0x2c: {  	s7 =	sld [smem:$0x3FAD]  }
0x2d: {  	s3 =	simm.s32 $0x108;
	s8 =	sld [smem:$0x3FAE]  }
0x2e: {  	s3 =	simm.s32 @!p0 $0x1082;
	s9 =	sld [smem:$0x3FAF]  }
0x2f: {  	lr =	sadd.s32 s0, s3;
	s0 =	sld [smem:$0x3FA6]  }
0x30: {  	s3 =	sld [smem:$0x3FA9]  }
0x31: {  	[smem:$0x3FB2] =	sst s10  }
0x32: {  	s10 =	sld [smem:$0x3FB0];
	_ =	sdelay $0x3  }
0x33: {  	p0 =	seq.s32 s10, $0x1;
	s10 =	sld [smem:$0x3FB2];
	_ =	sdelay $0x3  }
0x34: {  	[smem:$0x3FB2] =	sst s10  }
0x35: {  	s10 =	sld [smem:$0x3FB1];
	_ =	sdelay $0x3  }
0x36: {  	p1 =	seq.s32 s10, $0x1;
	s10 =	sld [smem:$0x3FB2];
	_ =	sdelay $0x3  }
0x37: {  	[smem:$0x3FB2] =	sst s10  }
0x38: {  	s10 =	sld [smem:$0x3FB3]  }
0x39: {  	_ = 	snop;
	(pc) =	sbr.ind lr, $3  }
0x3a: {  	_ = 	snop  }
0x3b: {  	_ = 	snop  }
0x3c: {  	p2 =	seq.s32 s10, $0x1;
	s10 =	sld [smem:$0x3FB2]  }
0x3d: {  	_ =	shalt  }
0x3e: {  	_ =	shalt  }
0x3f: {  	_ =	shalt  }
0x40: {  	_ =	shalt  }
0x41: {  	_ =	shalt  }
0x42: {  	_ =	shalt  }
0x43: {  	_ =	shalt  }
0x44: {  	_ =	shalt  }
0x45: {  	_ =	shalt  }
0x46: {  	_ =	shalt  }
0x47: {  	_ =	shalt  }
0x48: {  	_ =	shalt  }
0x49: {  	_ =	shalt  }
0x4a: {  	_ =	shalt  }
0x4b: {  	_ =	shalt  }
0x4c: {  	_ =	shalt  }
0x4d: {  	_ =	shalt  }
0x4e: {  	_ =	shalt  }
0x4f: {  	_ =	shalt  }
0x50: {  	_ =	shalt  }
0x51: {  	_ =	shalt  }
0x52: {  	_ =	shalt  }
0x53: {  	_ =	shalt  }
0x54: {  	_ =	shalt  }
0x55: {  	_ =	shalt  }
0x56: {  	_ =	shalt  }
0x57: {  	_ =	shalt  }
0x58: {  	_ =	shalt  }
0x59: {  	_ =	shalt  }
0x5a: {  	_ =	shalt  }
0x5b: {  	_ =	shalt  }
0x5c: {  	_ =	shalt  }
0x5d: {  	_ =	shalt  }
0x5e: {  	_ =	shalt  }
0x5f: {  	_ =	shalt  }
0x60: {  	_ =	shalt  }
0x61: {  	_ =	shalt  }
0x62: {  	_ =	shalt  }
0x63: {  	_ =	shalt  }
0x64: {  	_ =	shalt  }
0x65: {  	_ =	shalt  }
0x66: {  	_ =	shalt  }
0x67: {  	_ =	shalt  }
0x68: {  	_ =	shalt  }
0x69: {  	_ =	shalt  }
0x6a: {  	_ =	shalt  }
0x6b: {  	_ =	shalt  }
0x6c: {  	_ =	shalt  }
0x6d: {  	_ =	shalt  }
0x6e: {  	_ =	shalt  }
0x6f: {  	_ =	shalt  }
0x70: {  	_ =	shalt  }
0x71: {  	_ =	shalt  }
0x72: {  	_ =	shalt  }
0x73: {  	_ =	shalt  }
0x74: {  	_ =	shalt  }
0x75: {  	_ =	shalt  }
0x76: {  	_ =	shalt  }
0x77: {  	_ =	shalt  }
0x78: {  	_ =	shalt  }
0x79: {  	_ =	shalt  }
0x7a: {  	_ =	shalt  }
0x7b: {  	_ =	shalt  }
0x7c: {  	_ =	shalt  }
0x7d: {  	_ =	shalt  }
0x7e: {  	_ =	shalt  }
0x7f: {  	_ =	shalt  }
0x80: {  	_ =	shalt  }
0x81: {  	_ =	shalt  }
0x82: {  	_ =	shalt  }
0x83: {  	_ =	shalt  }
0x84: {  	_ =	shalt  }
0x85: {  	_ =	shalt  }
0x86: {  	_ =	shalt  }
0x87: {  	_ =	shalt  }
.Lfunc_end0:
.L_simem_size_0:
called_computation_lowered:
.L_overlay_start_0:
0x88: {  	s2 =	sld [smem:$0x3FD9]  }
0x89: {  	s3 =	sld [smem:$0x3FFE];
	_ =	sdelay $0x1  }
0x8a: {  	s1 =	srdreg.scid  }
0x8b: {  	s0 =	sand.u32 $0x1, s1  }
0x8c: {  	s17 =	sshll.u32 s0, $0xA;
	s2 =	sadd.s32 s3, s2  }
0x8d: {  	s2 =	sadd.s32 s2, s17  }
0x8e: {  	[smem:$0x3FBE] =	sst s2  }
0x8f: {  	_ = 	snop  }
0x90: {  	s2 =	sld [smem:$0x3FC7]  }
0x91: {  	s18 =	sld [smem:$0x3FD0];
	(tm) =	ssettm $0x1  }
0x92: {  	s4 =	sld [smem:$0x3FFB];
	_ =	sdelay $0x3  }
0x93: {  	_ =	strace s4  }
0x94: {  	s4 =	sld [smem:$0x3FFC];
	_ =	sdelay $0x3  }
0x95: {  	_ =	strace s4  }
0x96: {  	s4 =	sld [smem:$0x3FFD];
	_ =	sdelay $0x3  }
0x97: {  	_ =	strace s4  }
0x98: {  	_ =	strace $0x8FFFFFFF  }
0x99: {  	s19 =	sld [smem:$0x3FDB];
	_ =	sdelay $0x1  }
0x9a: {  	s5 =	simm.s32 $_scs_section_size  }
0x9b: {  	s6 =	simm.s32 $_size__tile_overlayer_lowered;
	s7 =	simm.s32 $_tile_overlayer_lowered  }
0x9c: {  	s22 =	simm.s32 $0x1BFF;
	s21 =	sshll.u32 s7, $0x1;
	s4 =	sadd.s32 s5, s19  }
0x9d: {  	s8 =	simm.s32 $0x0;
	s20 =	sshll.u32 s6, $0x1;
	s6 =	sadd.s32 s21, s4  }
0x9e: {  	[timem:s8], [sflag:s22] =	dma.local [hbm:s6], s20  }
0x9f: {  	_ =	swait.ge [sflag:s22], s20  }
0xa0: {  	s5 =	ssub.s32 $0x0, s20;
	[sflag:s22] =	ssyncset.done $0x0  }
0xa1: {  	[sflag:s22] =	ssyncadd.s32 s5;
	_ =	sdelay $0x1  }
0xa2: {  	s23 =	simm.s32 $0x1B8B  }
0xa3: {  	_ =	swait.ge [sflag:s23], $0x1  }
0xa4: {  	[sflag:s23] =	ssyncset.done $0x0  }
0xa5: {  	s25 =	simm.s32 $0x1B8E;
	s24 =	sld [smem:$0x3FFE];
	[sflag:s23] =	ssyncadd.s32 $0xFFFFFFFF  }
0xa6: {  	s26 =	simm.s32 $execute0_lowered;
	[smem:$0x3FD2] =	sst s25  }
0xa7: {  	s6 =	sshll.u32 s26, $0x1;
	_ =	strace $0x80000046;
	[dreg:$0x1] =	wrdreg $0xFFFFFFFF  }
0xa8: {  	s28 =	simm.s32 $_size_execute0_lowered;
	s4 =	sadd.s32 s4, s6;
	[dreg:$0x0] =	wrdreg $0x0  }
0xa9: {  	s6 =	sshll.u32 s28, $0x1;
	[dreg:$0x2] =	wrdreg s4  }
0xaa: {  	[dreg:$0x3] =	wrdreg s6  }
0xab: {  	[dreg:$0x4] =	wrdreg $0xC0  }
0xac: {  	_ =	task [dreg:s8], $0x5FFFF  }
0xad: {  	[dreg:$0x1] =	wrdreg $0xFFFFFFFF  }
0xae: {  	[dreg:$0x0] =	wrdreg $0x60  }
0xaf: {  	[dreg:$0x2] =	wrdreg s24  }
0xb0: {  	[dreg:$0x3] =	wrdreg s2  }
0xb1: {  	[dreg:$0x4] =	wrdreg s18  }
0xb2: {  	[dreg:$0x5] =	wrdreg $0x9  }
0xb3: {  	_ =	task.clear_ibuf [dreg:s8], $0x6FFFF;
	_ =	strace $0x90000046  }
0xb4: {  	s29 =	simm.s32 $0x9;
	_ =	strace $0x80000048  }
0xb5: {  	_ =	swait.ge [sflag:s29], $0x1  }
0xb6: {  	[sflag:s29] =	ssyncadd.s32 $0xFFFFFFFF  }
0xb7: {  	_ =	strace $0x90000048  }
0xb8: {  	_ =	sfence  }
0xb9: {  	s30 =	sld [smem:$0x0];
	_ =	sdelay $0x2  }
0xba: {  	s31 =	sshll.u32 s1, $0xD;
	s1 =	sshrl.u32 s1, $0x2  }
0xbb: {  	s3 =	sand.u32 $0x4000, s31;
	s1 =	sadd.s32 s1, s30  }
0xbc: {  	s0 =	sor.u32 s3, s0;
	s1 =	sshll.u32 s1, $0x11  }
0xbd: {  	s0 =	sor.u32 s1, s0  }
0xbe: {  	s0 =	sadd.s32 $0x8F2B, s0  }
0xbf: {  	[sflag:s0] =	ssyncadd.remote.s32 $0x1  }
0xc0: {  	_ =	sfence.sel $0xFFFF  }
0xc1: {  	[dreg:$0x0] =	wrdreg $0xFFFFFFFF;
	(pc) =	sbr.abs _section_cstart, $3  }
0xc2: {  	[dreg:$0x1] =	wrdreg $0xFFFFFFFF  }
0xc3: {  	_ =	task.clear_ibuf [dreg:s8], $0x2FFFF;
	_ =	strace $0x9FFFFFFF  }
0xc4: {  	(tm) =	ssettm $0x7FFFFFFF  }
0xc5: {  	_ =	shalt  }
tec
execute0_lowered:
.L_overlay_start_1:
0x0: {  	(tag) =	ssettag $0x1  }
0x1: {  	s7 =	rddreg [dreg:$0x0]  }
0x2: {  	s2 =	rddreg [dreg:$0x1];
	s1 =	srdreg.scid  }
0x3: {  	s0 =	stileid.u32;
	s3 =	rddreg [dreg:$0x2];
	s4 =	simm.s32 $0x0  }
0x4: {  	s10 =	simm.s32 $0x1;
	s11 =	simm.s32 $0x80;
	s12 =	simm.s32 $0x280  }
0x5: {  	s13 =	simm.s32 $0x10280;
	s6 =	sand.u32 $0x1, s1;
	s5 =	sshll.u32 s0, $0x1  }
.Ltmp0:
0x6: {  	s14 =	simm.s32 $0x0;
	s5 =	sor.u32 s6, s5;
	(pc) =	sbr.rel .LBB2_1-.Ltmp0, $4  }
0x7: {  	[smem:$0x7FF] =	sst s4;
	s9 =	ssub.s32 $0x2, s6;
	s8 =	smul.u32 $0x1400, s5  }
0x8: {  	s1 =	rddreg [dreg:$0x3];
	_ =	strace $0x80000047;
	s31 =	sshrl.u32 s9, $0x1  }
0x9: {  	s6 =	sadd.s32 $0x1400, s7;
	s9 =	ssub.s32 s9, s31;
	s8 =	sadd.s32 s8, s7  }
0xa: {  	v0 =	vimm.f32 $0.0e+00;
	s7 =	smul.u32 $0x140, s5;
	s9 =	smax.u32 s9, $0x1;
	s8 =	sadd.s32 $0x9C5400, s8  }
.LBB2_11:
0xb: {  	s15 =	simm.s32 $0x28000;
	v5 =	vimm.f32 $0.0e+00;
	v4 =	vimm.f32 $0.0e+00;
	v3 =	vimm.f32 $0.0e+00  }
.LBB2_9:
0xc: {  	s15 =	sshrl.u32 s15, $0x2  }
0xd: {  	v1 =	vld [tilespmem:s15+$0x10280]  }
0xe: {  	v6 =	vld [tilespmem:s15+$0x10290]  }
0xf: {  	v7 =	vld [tilespmem:s15+$0x102A0]  }
0x10: {  	v8 =	vld [tilespmem:s15+$0x102B0];
	_ =	sdelay $0x1  }
0x11: {  	v1 =	vmax.f32 v1, v2  }
0x12: {  	[tilespmem:s15+$0x10280] =	vst v1;
	v1 =	vmax.f32 v6, v5  }
0x13: {  	s14 =	sadd.s32 $0x1, s14;
	[tilespmem:s15+$0x10290] =	vst v1;
	v1 =	vmax.f32 v7, v4  }
0x14: {  	p0 =	sne.s32 s14, s9;
	[tilespmem:s15+$0x102A0] =	vst v1;
	v1 =	vmax.f32 v8, v3  }
.Ltmp1:
0x15: {  	[tilespmem:s15+$0x102B0] =	vst v1;
	(pc) =	sbr.rel @!p0 .LBB2_10-.Ltmp1, $4  }
0x16: {  	[hbm4b:s8+s4] =	stream.linear.scatter [tilespmem:s13], [sflag:$0x1], $0xA000, $0x38;
	[tilespmem:$0x1AA80] =	vst v63  }
0x17: {  	_ =	swait.ge [sflag:s10], $0xA000  }
0x18: {  	[sflag:s10] =	ssyncset.done $0x0  }
0x19: {  	[sflag:s10] =	ssyncadd.s32 $0xFFFF6000  }
.LBB2_1:
0x1a: {  	[tilespmem:s4], [sflag:$0x1] =	stream.linear.gather [hbm4b:s3+s4], $0x80, $0x38;
	[tilespmem:$0x1AA80] =	vst v63  }
0x1b: {  	_ =	swait.ge [sflag:s10], $0x80  }
0x1c: {  	[sflag:s10] =	ssyncset.done $0x0  }
0x1d: {  	[sflag:s10] =	ssyncadd.s32 $0xFFFFFF80  }
0x1e: {  	s15 =	simm.s32 $0x200;
	s17 =	simm.s32 $0x0;
	v1 =	vld [tilespmem:s5+$0x0]  }
.LBB2_2:
0x1f: {  	p0 =	sne.s32 s15, $0x29E00;
	[tilespmem:s17+$0x102B0] =	vst v0;
	s16 =	smov.u32 s15;
	s15 =	sadd.s32 $0x200, s15  }
.Ltmp2:
0x20: {  	[tilespmem:s17+$0x102A0] =	vst v0;
	(pc) =	sbr.rel @p0 .LBB2_2-.Ltmp2, $3  }
0x21: {  	[tilespmem:s17+$0x10280] =	vst v0  }
0x22: {  	[tilespmem:s17+$0x10290] =	vst v0;
	_ =	sdelay $0x1  }
0x23: {  	s17 =	sshra.s32 s16, $0x2  }
0x24: {  	(v2sf) =	vpush v1, $0x0  }
0x25: {  	(v2sf) =	vpush v1, $0x1;
	_ =	sdelay $0xd  }
0x26: {  	s15 =	spop (v2sf)  }
0x27: {  	s16 =	spop (v2sf);
	s15 =	sand.u32 $0xFFFFFFF0, s15  }
0x28: {  	s16 =	ssub.s32 s16, s15  }
0x29: {  	s16 =	sadd.s32 $0x1FF, s16  }
0x2a: {  	s18 =	sand.u32 $0x1FF, s16  }
0x2b: {  	s31 =	sshra.s32 s16, $0x1F;
	p1 =	slt.s32 s16, $0x1;
	p0 =	sne.s32 s18, $0x0  }
0x2c: {  	s18 =	sshrl.u32 s31, $0x17;
	p0 =	por !p1, !p0  }
0x2d: {  	s16 =	sadd.s32 s18, s16;
	s18 =	simm.s32 $0x1;
	p0 =	por !p0, !p0  }
0x2e: {  	s16 =	sshra.s32 s16, $0x9;
	s18 =	simm.s32 @!p0 $0x0  }
0x2f: {  	s16 =	ssub.s32 s16, s18  }
0x30: {  	p0 =	slt.s32 s16, $0x1  }
.Ltmp3:
0x31: {  	_ = 	snop;
	(pc) =	sbr.rel @p0 .LBB2_11-.Ltmp3, $4  }
0x32: {  	[tilespmem:s17+$0x102B0] =	vst v0  }
0x33: {  	[tilespmem:s17+$0x102A0] =	vst v0  }
0x34: {  	[tilespmem:s17+$0x10280] =	vst v0  }
0x35: {  	[tilespmem:s17+$0x10290] =	vst v0;
	s17 =	simm.s32 $0x0;
	s21 =	simm.s32 $0x140;
	v2 =	vimm.f32 $0.0e+00  }
0x36: {  	v3 =	vimm.f32 $0.0e+00;
	v4 =	vimm.f32 $0.0e+00;
	v5 =	vimm.f32 $0.0e+00;
	s18 =	simm.s32 $0x0  }
.LBB2_5:
0x37: {  	s19 =	sshll.u32 s18, $0x9  }
0x38: {  	s19 =	sadd.s32 s15, s19  }
0x39: {  	p0 =	slt.s32 s19, $0x9C200  }
0x3a: {  	s19 =	simm.s32 @!p0 $0x9C200  }
0x3b: {  	s20 =	sshrl.u32 s19, $0x3  }
0x3c: {  	s20 =	sadd.s32 s2, s20  }
0x3d: {  	[tilespmem:s11], [sflag:$0x1] =	stream.linear.gather [hbm4b:s20+s17], $0x200, $0x38;
	[tilespmem:$0x1AA80] =	vst v63  }
0x3e: {  	_ =	swait.ge [sflag:s10], $0x200  }
0x3f: {  	s19 =	sshll.u32 s19, $0x4;
	[sflag:s10] =	ssyncset.done $0x0  }
0x40: {  	s19 =	sadd.s32 s6, s19;
	[sflag:s10] =	ssyncadd.s32 $0xFFFFFE00  }
0x41: {  	[tilespmem:s12], [sflag:$0x1] =	stream.linear.gather [hbm4b:s19+s17], $0x10000, $0x38;
	[tilespmem:$0x1AA80] =	vst v63  }
0x42: {  	_ =	swait.ge [sflag:s10], $0x10000  }
0x43: {  	[sflag:s10] =	ssyncset.done $0x0  }
0x44: {  	s20 =	simm.s32 $0x0;
	s19 =	simm.s32 $0x680;
	[sflag:s10] =	ssyncadd.s32 $0xFFFF0000  }
.LBB2_6:
0x45: {  	s22 =	sshra.s32 s20, $0x2  }
0x46: {  	v1 =	vld [tilespmem:s22+$0x80];
	_ =	sdelay $0x4  }
0x47: {  	(v2sf) =	vpush v1, $0x0;
	_ =	sdelay $0xe  }
0x48: {  	s23 =	spop (v2sf);
	(v2sf) =	vpush v1, $0x1  }
0x49: {  	s22 =	ssub.s32 s23, s7  }
0x4a: {  	s22 =	smin.u32 s22, $0x140  }
0x4b: {  	p1 =	seq.s32 s22, s21  }
0x4c: {  	s21 =	sshll.u32 @!p1 s21, $0x7  }
0x4d: {  	s21 =	sand.u32 @!p1 $0x3FFFFF80, s21  }
0x4e: {  	v6 =	vld @!p1 [tilespmem:s21+$0x10280]  }
0x4f: {  	v7 =	vld @!p1 [tilespmem:s21+$0x10290]  }
0x50: {  	v8 =	vld @!p1 [tilespmem:s21+$0x102A0]  }
0x51: {  	v9 =	vld @!p1 [tilespmem:s21+$0x102B0];
	_ =	sdelay $0x1  }
0x52: {  	v6 =	vmax.f32 @!p1 v6, v2  }
0x53: {  	[tilespmem:s21+$0x10280] =	vst @!p1 v6;
	v6 =	vmax.f32 @!p1 v7, v5  }
0x54: {  	[tilespmem:s21+$0x10290] =	vst @!p1 v6;
	v6 =	vmax.f32 @!p1 v8, v4  }
0x55: {  	(v2sf) =	vpush v1, $0x2;
	[tilespmem:s21+$0x102A0] =	vst @!p1 v6;
	v6 =	vmax.f32 @!p1 v9, v3  }
0x56: {  	[tilespmem:s21+$0x102B0] =	vst @!p1 v6;
	s24 =	spop (v2sf)  }
0x57: {  	v6 =	vld [tilespmem:s19+$0xFFFFFC00];
	s21 =	ssub.s32 s24, s7  }
0x58: {  	v7 =	vld [tilespmem:s19+$0xFFFFFC10];
	s21 =	smin.u32 s21, $0x140  }
0x59: {  	v35 =	vld [tilespmem:s19+$0xFFFFFC20];
	p0 =	seq.s32 s21, s22  }
0x5a: {  	v36 =	vld [tilespmem:s19+$0xFFFFFC30];
	s22 =	sshll.u32 @!p0 s22, $0x7  }
0x5b: {  	v10 =	vld @!p0 [tilespmem:s22+$0x10280]  }
0x5c: {  	v11 =	vld @!p0 [tilespmem:s22+$0x10290]  }
0x5d: {  	v12 =	vld @!p0 [tilespmem:s22+$0x102A0]  }
0x5e: {  	v2 =	vpsel !p1, $0x0, v2;
	v13 =	vld @!p0 [tilespmem:s22+$0x102B0]  }
0x5f: {  	v5 =	vpsel !p1, $0x0, v5;
	v2 =	vmax.f32 v2, v6  }
0x60: {  	v4 =	vpsel !p1, $0x0, v4;
	v5 =	vmax.f32 v5, v7;
	v6 =	vmax.f32 @!p0 v10, v2  }
0x61: {  	v3 =	vpsel !p1, $0x0, v3;
	v4 =	vmax.f32 v4, v35;
	[tilespmem:s22+$0x10280] =	vst @!p0 v6;
	v6 =	vmax.f32 @!p0 v11, v5  }
0x62: {  	v3 =	vmax.f32 v3, v36;
	[tilespmem:s22+$0x10290] =	vst @!p0 v6;
	v6 =	vmax.f32 @!p0 v12, v4  }
0x63: {  	(v2sf) =	vpush v1, $0x3;
	[tilespmem:s22+$0x102A0] =	vst @!p0 v6;
	v6 =	vmax.f32 @!p0 v13, v3  }
0x64: {  	s25 =	spop (v2sf);
	[tilespmem:s22+$0x102B0] =	vst @!p0 v6  }
0x65: {  	s22 =	ssub.s32 s25, s7;
	v6 =	vld [tilespmem:s19+$0xFFFFFC80]  }
0x66: {  	v7 =	vld [tilespmem:s19+$0xFFFFFC90];
	s22 =	smin.u32 s22, $0x140  }
0x67: {  	v37 =	vld [tilespmem:s19+$0xFFFFFCA0];
	p1 =	seq.s32 s22, s21  }
0x68: {  	v38 =	vld [tilespmem:s19+$0xFFFFFCB0];
	s21 =	sshll.u32 @!p1 s21, $0x7  }
0x69: {  	v10 =	vld @!p1 [tilespmem:s21+$0x10280]  }
0x6a: {  	v11 =	vld @!p1 [tilespmem:s21+$0x10290]  }
0x6b: {  	v12 =	vld @!p1 [tilespmem:s21+$0x102A0]  }
0x6c: {  	v2 =	vpsel !p0, $0x0, v2;
	v13 =	vld @!p1 [tilespmem:s21+$0x102B0]  }
0x6d: {  	v5 =	vpsel !p0, $0x0, v5;
	v2 =	vmax.f32 v2, v6  }
0x6e: {  	v4 =	vpsel !p0, $0x0, v4;
	v5 =	vmax.f32 v5, v7;
	v6 =	vmax.f32 @!p1 v10, v2  }
0x6f: {  	v3 =	vpsel !p0, $0x0, v3;
	v4 =	vmax.f32 v4, v37;
	[tilespmem:s21+$0x10280] =	vst @!p1 v6;
	v6 =	vmax.f32 @!p1 v11, v5  }
0x70: {  	v3 =	vmax.f32 v3, v38;
	[tilespmem:s21+$0x10290] =	vst @!p1 v6;
	v6 =	vmax.f32 @!p1 v12, v4  }
0x71: {  	(v2sf) =	vpush v1, $0x4;
	[tilespmem:s21+$0x102A0] =	vst @!p1 v6;
	v6 =	vmax.f32 @!p1 v13, v3  }
0x72: {  	s26 =	spop (v2sf);
	[tilespmem:s21+$0x102B0] =	vst @!p1 v6  }
0x73: {  	s21 =	ssub.s32 s26, s7;
	v6 =	vld [tilespmem:s19+$0xFFFFFD00]  }
0x74: {  	v7 =	vld [tilespmem:s19+$0xFFFFFD10];
	s21 =	smin.u32 s21, $0x140  }
0x75: {  	v39 =	vld [tilespmem:s19+$0xFFFFFD20];
	p0 =	seq.s32 s21, s22  }
0x76: {  	v40 =	vld [tilespmem:s19+$0xFFFFFD30];
	s22 =	sshll.u32 @!p0 s22, $0x7  }
0x77: {  	v10 =	vld @!p0 [tilespmem:s22+$0x10280]  }
0x78: {  	v11 =	vld @!p0 [tilespmem:s22+$0x10290]  }
0x79: {  	v12 =	vld @!p0 [tilespmem:s22+$0x102A0]  }
0x7a: {  	v2 =	vpsel !p1, $0x0, v2;
	v13 =	vld @!p0 [tilespmem:s22+$0x102B0]  }
0x7b: {  	v5 =	vpsel !p1, $0x0, v5;
	v2 =	vmax.f32 v2, v6  }
0x7c: {  	v4 =	vpsel !p1, $0x0, v4;
	v5 =	vmax.f32 v5, v7;
	v6 =	vmax.f32 @!p0 v10, v2  }
0x7d: {  	v3 =	vpsel !p1, $0x0, v3;
	v4 =	vmax.f32 v4, v39;
	[tilespmem:s22+$0x10280] =	vst @!p0 v6;
	v6 =	vmax.f32 @!p0 v11, v5  }
0x7e: {  	v3 =	vmax.f32 v3, v40;
	[tilespmem:s22+$0x10290] =	vst @!p0 v6;
	v6 =	vmax.f32 @!p0 v12, v4  }
0x7f: {  	(v2sf) =	vpush v1, $0x5;
	[tilespmem:s22+$0x102A0] =	vst @!p0 v6;
	v6 =	vmax.f32 @!p0 v13, v3  }
0x80: {  	s28 =	spop (v2sf);
	[tilespmem:s22+$0x102B0] =	vst @!p0 v6  }
0x81: {  	s22 =	ssub.s32 s28, s7;
	v6 =	vld [tilespmem:s19+$0xFFFFFD80]  }
0x82: {  	v7 =	vld [tilespmem:s19+$0xFFFFFD90];
	s22 =	smin.u32 s22, $0x140  }
0x83: {  	v41 =	vld [tilespmem:s19+$0xFFFFFDA0];
	p1 =	seq.s32 s22, s21  }
0x84: {  	v42 =	vld [tilespmem:s19+$0xFFFFFDB0];
	s21 =	sshll.u32 @!p1 s21, $0x7  }
0x85: {  	v10 =	vld @!p1 [tilespmem:s21+$0x10280]  }
0x86: {  	v11 =	vld @!p1 [tilespmem:s21+$0x10290]  }
0x87: {  	v12 =	vld @!p1 [tilespmem:s21+$0x102A0]  }
0x88: {  	v2 =	vpsel !p0, $0x0, v2;
	v13 =	vld @!p1 [tilespmem:s21+$0x102B0]  }
0x89: {  	v5 =	vpsel !p0, $0x0, v5;
	v2 =	vmax.f32 v2, v6  }
0x8a: {  	v4 =	vpsel !p0, $0x0, v4;
	v5 =	vmax.f32 v5, v7;
	v6 =	vmax.f32 @!p1 v10, v2  }
0x8b: {  	v3 =	vpsel !p0, $0x0, v3;
	v4 =	vmax.f32 v4, v41;
	[tilespmem:s21+$0x10280] =	vst @!p1 v6;
	v6 =	vmax.f32 @!p1 v11, v5  }
0x8c: {  	v3 =	vmax.f32 v3, v42;
	[tilespmem:s21+$0x10290] =	vst @!p1 v6;
	v6 =	vmax.f32 @!p1 v12, v4  }
0x8d: {  	(v2sf) =	vpush v1, $0x6;
	[tilespmem:s21+$0x102A0] =	vst @!p1 v6;
	v6 =	vmax.f32 @!p1 v13, v3  }
0x8e: {  	s29 =	spop (v2sf);
	[tilespmem:s21+$0x102B0] =	vst @!p1 v6  }
0x8f: {  	s21 =	ssub.s32 s29, s7;
	v6 =	vld [tilespmem:s19+$0xFFFFFE00]  }
0x90: {  	v7 =	vld [tilespmem:s19+$0xFFFFFE10];
	s21 =	smin.u32 s21, $0x140  }
0x91: {  	v43 =	vld [tilespmem:s19+$0xFFFFFE20];
	p0 =	seq.s32 s21, s22  }
0x92: {  	v44 =	vld [tilespmem:s19+$0xFFFFFE30];
	s22 =	sshll.u32 @!p0 s22, $0x7  }
0x93: {  	v10 =	vld @!p0 [tilespmem:s22+$0x10280]  }
0x94: {  	v11 =	vld @!p0 [tilespmem:s22+$0x10290]  }
0x95: {  	v12 =	vld @!p0 [tilespmem:s22+$0x102A0]  }
0x96: {  	v2 =	vpsel !p1, $0x0, v2;
	v13 =	vld @!p0 [tilespmem:s22+$0x102B0]  }
0x97: {  	v5 =	vpsel !p1, $0x0, v5;
	v2 =	vmax.f32 v2, v6  }
0x98: {  	v4 =	vpsel !p1, $0x0, v4;
	v5 =	vmax.f32 v5, v7;
	v6 =	vmax.f32 @!p0 v10, v2  }
0x99: {  	v3 =	vpsel !p1, $0x0, v3;
	v4 =	vmax.f32 v4, v43;
	[tilespmem:s22+$0x10280] =	vst @!p0 v6;
	v6 =	vmax.f32 @!p0 v11, v5  }
0x9a: {  	v3 =	vmax.f32 v3, v44;
	[tilespmem:s22+$0x10290] =	vst @!p0 v6;
	v6 =	vmax.f32 @!p0 v12, v4  }
0x9b: {  	(v2sf) =	vpush v1, $0x7;
	[tilespmem:s22+$0x102A0] =	vst @!p0 v6;
	v6 =	vmax.f32 @!p0 v13, v3  }
0x9c: {  	s30 =	spop (v2sf);
	[tilespmem:s22+$0x102B0] =	vst @!p0 v6  }
0x9d: {  	s22 =	ssub.s32 s30, s7;
	v6 =	vld [tilespmem:s19+$0xFFFFFE80]  }
0x9e: {  	v7 =	vld [tilespmem:s19+$0xFFFFFE90];
	s22 =	smin.u32 s22, $0x140  }
0x9f: {  	v45 =	vld [tilespmem:s19+$0xFFFFFEA0];
	p1 =	seq.s32 s22, s21  }
0xa0: {  	v46 =	vld [tilespmem:s19+$0xFFFFFEB0];
	s21 =	sshll.u32 @!p1 s21, $0x7  }
0xa1: {  	v10 =	vld @!p1 [tilespmem:s21+$0x10280]  }
0xa2: {  	v11 =	vld @!p1 [tilespmem:s21+$0x10290]  }
0xa3: {  	v12 =	vld @!p1 [tilespmem:s21+$0x102A0]  }
0xa4: {  	v2 =	vpsel !p0, $0x0, v2;
	v13 =	vld @!p1 [tilespmem:s21+$0x102B0]  }
0xa5: {  	v5 =	vpsel !p0, $0x0, v5;
	v2 =	vmax.f32 v2, v6  }
0xa6: {  	v4 =	vpsel !p0, $0x0, v4;
	v5 =	vmax.f32 v5, v7;
	v6 =	vmax.f32 @!p1 v10, v2  }
0xa7: {  	v3 =	vpsel !p0, $0x0, v3;
	v4 =	vmax.f32 v4, v45;
	[tilespmem:s21+$0x10280] =	vst @!p1 v6;
	v6 =	vmax.f32 @!p1 v11, v5  }
0xa8: {  	v3 =	vmax.f32 v3, v46;
	[tilespmem:s21+$0x10290] =	vst @!p1 v6;
	v6 =	vmax.f32 @!p1 v12, v4  }
0xa9: {  	(v2sf) =	vpush v1, $0x8;
	[tilespmem:s21+$0x102A0] =	vst @!p1 v6;
	v6 =	vmax.f32 @!p1 v13, v3  }
0xaa: {  	s31 =	spop (v2sf);
	[tilespmem:s21+$0x102B0] =	vst @!p1 v6  }
0xab: {  	s21 =	ssub.s32 s31, s7;
	v6 =	vld [tilespmem:s19+$0xFFFFFF00]  }
0xac: {  	v7 =	vld [tilespmem:s19+$0xFFFFFF10];
	s21 =	smin.u32 s21, $0x140  }
0xad: {  	v47 =	vld [tilespmem:s19+$0xFFFFFF20];
	p0 =	seq.s32 s21, s22  }
0xae: {  	v48 =	vld [tilespmem:s19+$0xFFFFFF30];
	s22 =	sshll.u32 @!p0 s22, $0x7  }
0xaf: {  	v10 =	vld @!p0 [tilespmem:s22+$0x10280]  }
0xb0: {  	v11 =	vld @!p0 [tilespmem:s22+$0x10290]  }
0xb1: {  	v12 =	vld @!p0 [tilespmem:s22+$0x102A0]  }
0xb2: {  	v2 =	vpsel !p1, $0x0, v2;
	v13 =	vld @!p0 [tilespmem:s22+$0x102B0]  }
0xb3: {  	v5 =	vpsel !p1, $0x0, v5;
	v2 =	vmax.f32 v2, v6  }
0xb4: {  	v4 =	vpsel !p1, $0x0, v4;
	v5 =	vmax.f32 v5, v7;
	v6 =	vmax.f32 @!p0 v10, v2  }
0xb5: {  	v3 =	vpsel !p1, $0x0, v3;
	v4 =	vmax.f32 v4, v47;
	[tilespmem:s22+$0x10280] =	vst @!p0 v6;
	v6 =	vmax.f32 @!p0 v11, v5  }
0xb6: {  	v3 =	vmax.f32 v3, v48;
	[tilespmem:s22+$0x10290] =	vst @!p0 v6;
	v6 =	vmax.f32 @!p0 v12, v4  }
0xb7: {  	(v2sf) =	vpush v1, $0x9;
	[tilespmem:s22+$0x102A0] =	vst @!p0 v6;
	v6 =	vmax.f32 @!p0 v13, v3  }
0xb8: {  	s23 =	spop (v2sf);
	[tilespmem:s22+$0x102B0] =	vst @!p0 v6  }
0xb9: {  	s22 =	ssub.s32 s23, s7;
	v6 =	vld [tilespmem:s19+$0xFFFFFF80]  }
0xba: {  	v7 =	vld [tilespmem:s19+$0xFFFFFF90];
	s22 =	smin.u32 s22, $0x140  }
0xbb: {  	v49 =	vld [tilespmem:s19+$0xFFFFFFA0];
	p1 =	seq.s32 s22, s21  }
0xbc: {  	v50 =	vld [tilespmem:s19+$0xFFFFFFB0];
	s21 =	sshll.u32 @!p1 s21, $0x7  }
0xbd: {  	v10 =	vld @!p1 [tilespmem:s21+$0x10280]  }
0xbe: {  	v11 =	vld @!p1 [tilespmem:s21+$0x10290]  }
0xbf: {  	v12 =	vld @!p1 [tilespmem:s21+$0x102A0]  }
0xc0: {  	v2 =	vpsel !p0, $0x0, v2;
	v13 =	vld @!p1 [tilespmem:s21+$0x102B0]  }
0xc1: {  	v5 =	vpsel !p0, $0x0, v5;
	v2 =	vmax.f32 v2, v6  }
0xc2: {  	v4 =	vpsel !p0, $0x0, v4;
	v5 =	vmax.f32 v5, v7;
	v6 =	vmax.f32 @!p1 v10, v2  }
0xc3: {  	v3 =	vpsel !p0, $0x0, v3;
	v4 =	vmax.f32 v4, v49;
	[tilespmem:s21+$0x10280] =	vst @!p1 v6;
	v6 =	vmax.f32 @!p1 v11, v5  }
0xc4: {  	v3 =	vmax.f32 v3, v50;
	[tilespmem:s21+$0x10290] =	vst @!p1 v6;
	v6 =	vmax.f32 @!p1 v12, v4  }
0xc5: {  	(v2sf) =	vpush v1, $0xA;
	[tilespmem:s21+$0x102A0] =	vst @!p1 v6;
	v6 =	vmax.f32 @!p1 v13, v3  }
0xc6: {  	s24 =	spop (v2sf);
	[tilespmem:s21+$0x102B0] =	vst @!p1 v6  }
0xc7: {  	s21 =	ssub.s32 s24, s7;
	v6 =	vld [tilespmem:s19+$0x0]  }
0xc8: {  	v7 =	vld [tilespmem:s19+$0x10];
	s21 =	smin.u32 s21, $0x140  }
0xc9: {  	v51 =	vld [tilespmem:s19+$0x20];
	p0 =	seq.s32 s21, s22  }
0xca: {  	v52 =	vld [tilespmem:s19+$0x30];
	s22 =	sshll.u32 @!p0 s22, $0x7  }
0xcb: {  	v10 =	vld @!p0 [tilespmem:s22+$0x10280]  }
0xcc: {  	v11 =	vld @!p0 [tilespmem:s22+$0x10290]  }
0xcd: {  	v12 =	vld @!p0 [tilespmem:s22+$0x102A0]  }
0xce: {  	v2 =	vpsel !p1, $0x0, v2;
	v13 =	vld @!p0 [tilespmem:s22+$0x102B0]  }
0xcf: {  	v5 =	vpsel !p1, $0x0, v5;
	v2 =	vmax.f32 v2, v6  }
0xd0: {  	v4 =	vpsel !p1, $0x0, v4;
	v5 =	vmax.f32 v5, v7;
	v6 =	vmax.f32 @!p0 v10, v2  }
0xd1: {  	v3 =	vpsel !p1, $0x0, v3;
	v4 =	vmax.f32 v4, v51;
	[tilespmem:s22+$0x10280] =	vst @!p0 v6;
	v6 =	vmax.f32 @!p0 v11, v5  }
0xd2: {  	v3 =	vmax.f32 v3, v52;
	[tilespmem:s22+$0x10290] =	vst @!p0 v6;
	v6 =	vmax.f32 @!p0 v12, v4  }
0xd3: {  	(v2sf) =	vpush v1, $0xB;
	[tilespmem:s22+$0x102A0] =	vst @!p0 v6;
	v6 =	vmax.f32 @!p0 v13, v3  }
0xd4: {  	s25 =	spop (v2sf);
	[tilespmem:s22+$0x102B0] =	vst @!p0 v6  }
0xd5: {  	s22 =	ssub.s32 s25, s7;
	v6 =	vld [tilespmem:s19+$0x80]  }
0xd6: {  	v7 =	vld [tilespmem:s19+$0x90];
	s22 =	smin.u32 s22, $0x140  }
0xd7: {  	v53 =	vld [tilespmem:s19+$0xA0];
	p1 =	seq.s32 s22, s21  }
0xd8: {  	v54 =	vld [tilespmem:s19+$0xB0];
	s21 =	sshll.u32 @!p1 s21, $0x7  }
0xd9: {  	v10 =	vld @!p1 [tilespmem:s21+$0x10280]  }
0xda: {  	v11 =	vld @!p1 [tilespmem:s21+$0x10290]  }
0xdb: {  	v12 =	vld @!p1 [tilespmem:s21+$0x102A0]  }
0xdc: {  	v2 =	vpsel !p0, $0x0, v2;
	v13 =	vld @!p1 [tilespmem:s21+$0x102B0]  }
0xdd: {  	v5 =	vpsel !p0, $0x0, v5;
	v2 =	vmax.f32 v2, v6  }
0xde: {  	v4 =	vpsel !p0, $0x0, v4;
	v5 =	vmax.f32 v5, v7;
	v6 =	vmax.f32 @!p1 v10, v2  }
0xdf: {  	v3 =	vpsel !p0, $0x0, v3;
	v4 =	vmax.f32 v4, v53;
	[tilespmem:s21+$0x10280] =	vst @!p1 v6;
	v6 =	vmax.f32 @!p1 v11, v5  }
0xe0: {  	v3 =	vmax.f32 v3, v54;
	[tilespmem:s21+$0x10290] =	vst @!p1 v6;
	v6 =	vmax.f32 @!p1 v12, v4  }
0xe1: {  	(v2sf) =	vpush v1, $0xC;
	[tilespmem:s21+$0x102A0] =	vst @!p1 v6;
	v6 =	vmax.f32 @!p1 v13, v3  }
0xe2: {  	s26 =	spop (v2sf);
	[tilespmem:s21+$0x102B0] =	vst @!p1 v6  }
0xe3: {  	s21 =	ssub.s32 s26, s7;
	v6 =	vld [tilespmem:s19+$0x100]  }
0xe4: {  	v7 =	vld [tilespmem:s19+$0x110];
	s21 =	smin.u32 s21, $0x140  }
0xe5: {  	v55 =	vld [tilespmem:s19+$0x120];
	p0 =	seq.s32 s21, s22  }
0xe6: {  	v56 =	vld [tilespmem:s19+$0x130];
	s22 =	sshll.u32 @!p0 s22, $0x7  }
0xe7: {  	v10 =	vld @!p0 [tilespmem:s22+$0x10280]  }
0xe8: {  	v11 =	vld @!p0 [tilespmem:s22+$0x10290]  }
0xe9: {  	v12 =	vld @!p0 [tilespmem:s22+$0x102A0]  }
0xea: {  	v2 =	vpsel !p1, $0x0, v2;
	v13 =	vld @!p0 [tilespmem:s22+$0x102B0]  }
0xeb: {  	v5 =	vpsel !p1, $0x0, v5;
	v2 =	vmax.f32 v2, v6  }
0xec: {  	v4 =	vpsel !p1, $0x0, v4;
	v5 =	vmax.f32 v5, v7;
	v6 =	vmax.f32 @!p0 v10, v2  }
0xed: {  	v3 =	vpsel !p1, $0x0, v3;
	v4 =	vmax.f32 v4, v55;
	[tilespmem:s22+$0x10280] =	vst @!p0 v6;
	v6 =	vmax.f32 @!p0 v11, v5  }
0xee: {  	v3 =	vmax.f32 v3, v56;
	[tilespmem:s22+$0x10290] =	vst @!p0 v6;
	v6 =	vmax.f32 @!p0 v12, v4  }
0xef: {  	(v2sf) =	vpush v1, $0xD;
	[tilespmem:s22+$0x102A0] =	vst @!p0 v6;
	v6 =	vmax.f32 @!p0 v13, v3  }
0xf0: {  	s28 =	spop (v2sf);
	[tilespmem:s22+$0x102B0] =	vst @!p0 v6  }
0xf1: {  	s22 =	ssub.s32 s28, s7;
	v6 =	vld [tilespmem:s19+$0x180]  }
0xf2: {  	v7 =	vld [tilespmem:s19+$0x190];
	s22 =	smin.u32 s22, $0x140  }
0xf3: {  	v57 =	vld [tilespmem:s19+$0x1A0];
	p1 =	seq.s32 s22, s21  }
0xf4: {  	v58 =	vld [tilespmem:s19+$0x1B0];
	s21 =	sshll.u32 @!p1 s21, $0x7  }
0xf5: {  	v10 =	vld @!p1 [tilespmem:s21+$0x10280]  }
0xf6: {  	v11 =	vld @!p1 [tilespmem:s21+$0x10290]  }
0xf7: {  	v12 =	vld @!p1 [tilespmem:s21+$0x102A0]  }
0xf8: {  	v2 =	vpsel !p0, $0x0, v2;
	v13 =	vld @!p1 [tilespmem:s21+$0x102B0]  }
0xf9: {  	v5 =	vpsel !p0, $0x0, v5;
	v2 =	vmax.f32 v2, v6  }
0xfa: {  	v4 =	vpsel !p0, $0x0, v4;
	v5 =	vmax.f32 v5, v7;
	v6 =	vmax.f32 @!p1 v10, v2  }
0xfb: {  	v3 =	vpsel !p0, $0x0, v3;
	v4 =	vmax.f32 v4, v57;
	[tilespmem:s21+$0x10280] =	vst @!p1 v6;
	v6 =	vmax.f32 @!p1 v11, v5  }
0xfc: {  	v3 =	vmax.f32 v3, v58;
	[tilespmem:s21+$0x10290] =	vst @!p1 v6;
	v6 =	vmax.f32 @!p1 v12, v4  }
0xfd: {  	(v2sf) =	vpush v1, $0xE;
	[tilespmem:s21+$0x102A0] =	vst @!p1 v6;
	v6 =	vmax.f32 @!p1 v13, v3  }
0xfe: {  	s29 =	spop (v2sf);
	[tilespmem:s21+$0x102B0] =	vst @!p1 v6  }
0xff: {  	s21 =	ssub.s32 s29, s7;
	v6 =	vld [tilespmem:s19+$0x200]  }
0x100: {  	v7 =	vld [tilespmem:s19+$0x210];
	s21 =	smin.u32 s21, $0x140  }
0x101: {  	v59 =	vld [tilespmem:s19+$0x220];
	p0 =	seq.s32 s21, s22  }
0x102: {  	v60 =	vld [tilespmem:s19+$0x230];
	s22 =	sshll.u32 @!p0 s22, $0x7  }
0x103: {  	v10 =	vld @!p0 [tilespmem:s22+$0x10280]  }
0x104: {  	v11 =	vld @!p0 [tilespmem:s22+$0x10290]  }
0x105: {  	v12 =	vld @!p0 [tilespmem:s22+$0x102A0]  }
0x106: {  	v2 =	vpsel !p1, $0x0, v2;
	v13 =	vld @!p0 [tilespmem:s22+$0x102B0]  }
0x107: {  	v5 =	vpsel !p1, $0x0, v5;
	v2 =	vmax.f32 v2, v6  }
0x108: {  	v4 =	vpsel !p1, $0x0, v4;
	v5 =	vmax.f32 v5, v7;
	v6 =	vmax.f32 @!p0 v10, v2  }
0x109: {  	v3 =	vpsel !p1, $0x0, v3;
	v4 =	vmax.f32 v4, v59;
	[tilespmem:s22+$0x10280] =	vst @!p0 v6;
	v6 =	vmax.f32 @!p0 v11, v5  }
0x10a: {  	v3 =	vmax.f32 v3, v60;
	[tilespmem:s22+$0x10290] =	vst @!p0 v6;
	v6 =	vmax.f32 @!p0 v12, v4  }
0x10b: {  	(v2sf) =	vpush v1, $0xF;
	[tilespmem:s22+$0x102A0] =	vst @!p0 v6;
	v6 =	vmax.f32 @!p0 v13, v3  }
0x10c: {  	s30 =	spop (v2sf);
	[tilespmem:s22+$0x102B0] =	vst @!p0 v6  }
0x10d: {  	s22 =	ssub.s32 s30, s7;
	v1 =	vld [tilespmem:s19+$0x280]  }
0x10e: {  	v6 =	vld [tilespmem:s19+$0x290];
	s22 =	smin.u32 s22, $0x140  }
0x10f: {  	v7 =	vld [tilespmem:s19+$0x2A0];
	p1 =	seq.s32 s22, s21  }
0x110: {  	v61 =	vld [tilespmem:s19+$0x2B0];
	s21 =	sshll.u32 @!p1 s21, $0x7  }
0x111: {  	v9 =	vld @!p1 [tilespmem:s21+$0x10280]  }
0x112: {  	v10 =	vld @!p1 [tilespmem:s21+$0x10290]  }
0x113: {  	v11 =	vld @!p1 [tilespmem:s21+$0x102A0]  }
0x114: {  	v2 =	vpsel !p0, $0x0, v2;
	v12 =	vld @!p1 [tilespmem:s21+$0x102B0]  }
0x115: {  	v5 =	vpsel !p0, $0x0, v5;
	v1 =	vmax.f32 v2, v1  }
0x116: {  	v2 =	vpsel !p0, $0x0, v4;
	v4 =	vmax.f32 v5, v6;
	v5 =	vmax.f32 @!p1 v9, v1  }
0x117: {  	v3 =	vpsel !p0, $0x0, v3;
	v2 =	vmax.f32 v2, v7;
	[tilespmem:s21+$0x10280] =	vst @!p1 v5;
	v5 =	vmax.f32 @!p1 v10, v4  }
0x118: {  	v3 =	vmax.f32 v3, v61;
	[tilespmem:s21+$0x10290] =	vst @!p1 v5;
	v5 =	vmax.f32 @!p1 v11, v2  }
0x119: {  	[tilespmem:s21+$0x102A0] =	vst @!p1 v5;
	v5 =	vmax.f32 @!p1 v12, v3  }
0x11a: {  	s31 =	spop (v2sf);
	[tilespmem:s21+$0x102B0] =	vst @!p1 v5  }
0x11b: {  	s21 =	ssub.s32 s31, s7;
	v5 =	vld [tilespmem:s19+$0x300]  }
0x11c: {  	v6 =	vld [tilespmem:s19+$0x310];
	s21 =	smin.u32 s21, $0x140  }
0x11d: {  	v7 =	vld [tilespmem:s19+$0x320];
	p0 =	seq.s32 s21, s22  }
0x11e: {  	v62 =	vld [tilespmem:s19+$0x330];
	s22 =	sshll.u32 @!p0 s22, $0x7  }
0x11f: {  	v9 =	vld @!p0 [tilespmem:s22+$0x10280]  }
0x120: {  	v10 =	vld @!p0 [tilespmem:s22+$0x10290]  }
0x121: {  	v11 =	vld @!p0 [tilespmem:s22+$0x102A0]  }
0x122: {  	v1 =	vpsel !p1, $0x0, v1;
	v12 =	vld @!p0 [tilespmem:s22+$0x102B0]  }
0x123: {  	v4 =	vpsel !p1, $0x0, v4;
	v1 =	vmax.f32 v1, v5  }
0x124: {  	v2 =	vpsel !p1, $0x0, v2;
	v4 =	vmax.f32 v4, v6;
	v5 =	vmax.f32 @!p0 v9, v1  }
0x125: {  	v3 =	vpsel !p1, $0x0, v3;
	v6 =	vmax.f32 v2, v7;
	v2 =	vmax.f32 @!p0 v10, v4;
	[tilespmem:s22+$0x10280] =	vst @!p0 v5  }
0x126: {  	v3 =	vmax.f32 v3, v62;
	[tilespmem:s22+$0x10290] =	vst @!p0 v2;
	v2 =	vmax.f32 @!p0 v11, v6  }
0x127: {  	[tilespmem:s22+$0x102A0] =	vst @!p0 v2;
	v2 =	vmax.f32 @!p0 v12, v3  }
0x128: {  	[tilespmem:s22+$0x102B0] =	vst @!p0 v2  }
0x129: {  	v2 =	vld [tilespmem:s19+$0x380];
	_ =	sdelay $0x2  }
0x12a: {  	v5 =	vld [tilespmem:s19+$0x390]  }
0x12b: {  	s20 =	sadd.s32 $0x40, s20;
	v1 =	vpsel !p0, $0x0, v1;
	v4 =	vpsel !p0, $0x0, v4;
	v7 =	vld [tilespmem:s19+$0x3A0]  }
0x12c: {  	v63 =	vld [tilespmem:s19+$0x3B0];
	v2 =	vmax.f32 v1, v2;
	v1 =	vpsel !p0, $0x0, v3;
	v3 =	vpsel !p0, $0x0, v6;
	p0 =	sne.s32 s20, $0x800  }
.Ltmp4:
0x12d: {  	_ = 	snop;
	(pc) =	sbr.rel @p0 .LBB2_6-.Ltmp4, $2  }
0x12e: {  	_ =	sdelay $0x2  }
0x12f: {  	s19 =	sadd.s32 $0x800, s19;
	v5 =	vmax.f32 v4, v5;
	v4 =	vmax.f32 v3, v7;
	v3 =	vmax.f32 v1, v63  }
0x130: {  	s18 =	sadd.s32 $0x1, s18  }
0x131: {  	p0 =	sne.s32 s18, s16  }
.Ltmp5:
0x132: {  	_ = 	snop;
	(pc) =	sbr.rel @p0 .LBB2_5-.Ltmp5, $1  }
0x133: {  	_ =	sdelay $0x3  }
.Ltmp6:
0x134: {  	(pc) =	sbr.rel .LBB2_9-.Ltmp6, $2  }
0x135: {  	_ =	sdelay $0x2  }
0x136: {  	s15 =	sshll.u32 s21, $0x9  }
.LBB2_10:
0x137: {  	_ =	sfence.sel $0x180000  }
0x138: {  	[bflag:$0x0] =	sbarrier.arrive $0xFFFF  }
0x139: {  	p0 =	sne.s32 s0, $0x0;
	_ =	strace $0x90000047  }
0x13a: {  	s0 =	sadd.s32 @!p0 $0x100000, s1;
	[bflag:$0x2] =	sbarrier.arrive $0xFFFF  }
0x13b: {  	[sflag:s0] =	ssyncadd.tile.s32 @!p0 $0x1;
	_ =	shalt  }
.Lfunc_end2:
_tile_overlayer_lowered:
.L_overlay_start_2:
0x13c: {  	(tag) =	ssettag $0x2  }
0x13d: {  	s0 =	rddreg [dreg:$0x0];
	s2 =	stileid.u32  }
0x13e: {  	s1 =	rddreg [dreg:$0x1];
	p0 =	sne.s32 s2, $0x0  }
0x13f: {  	s3 =	rddreg [dreg:$0x2];
	[bflag:$0x3] =	sbarrier.arrive $0xFFFF;
	s2 =	simm.s32 @!p0 $0x1C01  }
0x140: {  	[timem:s3], [sflag:s2] =	dma.local @!p0 [hbm:s0], s1  }
0x141: {  	s0 =	simm.s32 @!p0 $0x1  }
0x142: {  	_ =	swait.ge @!p0 [sflag:s0], s1  }
0x143: {  	s1 =	ssub.s32 @!p0 $0x0, s1;
	[sflag:s0] =	ssyncset.done @!p0 $0x0  }
0x144: {  	[sflag:s0] =	ssyncadd.s32 @!p0 s1  }
0x145: {  	[bflag:$0x3] =	sbarrier.arrive $0xFFFF  }
0x146: {  	_ =	shalt  }

</sc_bundles>
